<compile_context>
chip_gen: v7x
topology: tpu7x:2x2x1
jax: 0.10.2.dev20260603
libtpu: 0.0.44.dev20260713+nightly
codegen_flags: <defaults>
</compile_context>

<pallas_src>
import functools

import jax
import jax.numpy as jnp
from jax import lax
from jax.experimental import pallas as pl
from jax.experimental.pallas import tpu as pltpu
from jax.experimental.pallas import tpu_sc as plsc

D = 64
V = 100000
SCALE = 8.0

NC, NS = 2, 16
NW = NC * NS

B = 16384
H = 200
NBT = B // 128
BT_PER_W = NBT // NW

TBLK = 1000


def _scale_body(t_ref, o_ref):
    i = pl.program_id(0)
    row = lax.broadcasted_iota(jnp.int32, (TBLK, D), 0) + i * TBLK
    o_ref[...] = t_ref[...] * jnp.where(row == 0, 0.0, SCALE)


def _make_scaled_table(table):
    return pl.pallas_call(
        _scale_body,
        out_shape=jax.ShapeDtypeStruct((V, D), jnp.float32),
        grid=(V // TBLK,),
        in_specs=[pl.BlockSpec((TBLK, D), lambda i: (i, 0))],
        out_specs=pl.BlockSpec((TBLK, D), lambda i: (i, 0)),
    )(table)


NRB = 4


def _gather_body(table_hbm, idx_hbm, out_hbm,
                 islab, r0, r1, r2, r3, t0, t1,
                 gs0, gs1, gs2, gs3, ws0, ws1):
    rows = (r0, r1, r2, r3)
    trans = (t0, t1)
    gsem = (gs0, gs1, gs2, gs3)
    wsem = (ws0, ws1)
    wid = lax.axis_index("s") * NC + lax.axis_index("c")

    iota = lax.iota(jnp.int32, 16)
    ri = [iota + 16 * k for k in range(8)]
    zeros = jnp.zeros((16,), jnp.int32)

    def transpose(p4, p2, f):
        def tbody(j, carry):
            cbj = (iota + j) & 15
            for dd in range(D // 16):
                ci = cbj + 16 * dd
                dtv = ci >> 3
                div = ci & 7
                vs = [plsc.load_gather(rows[p4], [ri[k], ci])
                      for k in range(8)]
                for k in range(8):
                    plsc.store_scatter(trans[p2], [dtv, div, ri[k]],
                                       vs[k] * f[k])
            return carry
        lax.fori_loop(0, 16, tbody, 0)

    def step(l, p4, bt):
        p2 = p4 % 2
        @pl.when(l >= 2)
        def _():
            pltpu.make_async_copy(
                table_hbm.at[pl.ds(0, 128)], rows[p4], wsem[p2]).wait()
        @pl.when(l + 3 < H)
        def _():
            pltpu.async_copy(
                table_hbm.at[islab.at[l + 3]],
                rows[(p4 + 3) % NRB], gsem[(p4 + 3) % NRB])
        f = [jnp.where(islab[l, pl.ds(16 * k, 16)] == 0, 0.0, SCALE)
             for k in range(8)]
        pltpu.make_async_copy(
            table_hbm.at[islab.at[l]], rows[p4], gsem[p4]).wait()
        transpose(p4, p2, f)
        pltpu.async_copy(trans[p2], out_hbm.at[l, :, bt], wsem[p2])

    def bt_body(j, carry):
        bt = wid * BT_PER_W + j
        pltpu.sync_copy(idx_hbm.at[bt], islab)
        for p in range(3):
            pltpu.async_copy(table_hbm.at[islab.at[p]], rows[p], gsem[p])

        def mbody(m, c2):
            for p4 in range(NRB):
                step(NRB * m + p4, p4, bt)
            return c2

        lax.fori_loop(0, H // NRB, mbody, 0)
        for p in range(2):
            pltpu.make_async_copy(
                table_hbm.at[pl.ds(0, 128)], rows[p], wsem[p]).wait()
        return carry

    lax.fori_loop(0, BT_PER_W, bt_body, 0)


def kernel(inputs, table):
    idx_t = (inputs.astype(jnp.int32).T
             .reshape(H, NBT, 128).transpose(1, 0, 2))

    mesh = plsc.VectorSubcoreMesh(
        core_axis_name="c", subcore_axis_name="s", num_cores=NC, num_subcores=NS
    )
    gather = functools.partial(
        pl.kernel,
        out_type=jax.ShapeDtypeStruct((H, 8, NBT, 8, 128), jnp.float32),
        mesh=mesh,
        scratch_types=[
            pltpu.VMEM((H, 128), jnp.int32),
            pltpu.VMEM((128, D), jnp.float32),
            pltpu.VMEM((128, D), jnp.float32),
            pltpu.VMEM((128, D), jnp.float32),
            pltpu.VMEM((128, D), jnp.float32),
            pltpu.VMEM((8, 8, 128), jnp.float32),
            pltpu.VMEM((8, 8, 128), jnp.float32),
            pltpu.SemaphoreType.DMA,
            pltpu.SemaphoreType.DMA,
            pltpu.SemaphoreType.DMA,
            pltpu.SemaphoreType.DMA,
            pltpu.SemaphoreType.DMA,
            pltpu.SemaphoreType.DMA,
        ],
        compiler_params=pltpu.CompilerParams(
            use_tc_tiling_on_sc=False, needs_layout_passes=False,
            disable_bounds_checks=True),
    )(_gather_body)

    y = gather(table, idx_t)
    return y.transpose(2, 4, 0, 1, 3).reshape(B, H, D)

# --- scband reference (transcript-rebuilt; emitter-appended) ---
"""Pipeline reference for scband-roulette-embedding-58042188038313 (READ-ONLY COPY).

The authoritative reference and input builder live on the scoring server;
editing this copy changes nothing except your own understanding.
"""

import jax, jax.numpy as jnp
import numpy as np

PAD_VALUE = 0
EMBED_DIM = 64
VOCAB = 100000
BATCH = 16384
HIST = 200


def setup_inputs(seed: int = 0) -> dict:
    key = jax.random.key(seed)
    k1, k2 = jax.random.split(key)
    inputs = jax.random.randint(k1, (BATCH, HIST), 0, VOCAB, dtype=jnp.int64 if jax.config.jax_enable_x64 else jnp.int32)
    table = jax.random.normal(k2, (VOCAB, EMBED_DIM), dtype=jnp.float32) * 0.05
    return {"inputs": inputs, "table": table}


def reference(inputs, table):
    # embedding lookup
    embedded = jnp.take(table, inputs, axis=0)  # [B, L, D]
    # scale by sqrt(embedding_dims)
    scale = jnp.sqrt(jnp.float32(EMBED_DIM))
    embedded = embedded * scale
    # mask padding: zero out positions where inputs == PAD_VALUE
    mask = (inputs != PAD_VALUE).astype(jnp.float32)[..., None]
    embedded = embedded * mask
    return embedded

if __name__ == "__main__":
    import jax
    _d = setup_inputs()
    print(jax.jit(kernel)(*tuple(_d.values())))

</pallas_src>

<mosaic_0001>
#map = affine_map<(d0, d1) -> (0, 0)>
#map1 = affine_map<(d0, d1) -> (0, 0, 0)>
#map2 = affine_map<(d0, d1) -> (0, 0, 0, 0, 0)>
module attributes {stable_mosaic.version = 14 : i64} {
  func.func @_gather_body(%arg0: i32, %arg1: i32, %arg2: memref<100000x64xf32, #tpu.memory_space<hbm>>, %arg3: memref<128x200x128xi32, #tpu.memory_space<hbm>>, %arg4: memref<200x8x128x8x128xf32, #tpu.memory_space<hbm>>, %arg5: memref<200x128xi32, #tpu.memory_space<vmem>>, %arg6: memref<128x64xf32, #tpu.memory_space<vmem>>, %arg7: memref<128x64xf32, #tpu.memory_space<vmem>>, %arg8: memref<128x64xf32, #tpu.memory_space<vmem>>, %arg9: memref<128x64xf32, #tpu.memory_space<vmem>>, %arg10: memref<8x8x128xf32, #tpu.memory_space<vmem>>, %arg11: memref<8x8x128xf32, #tpu.memory_space<vmem>>, %arg12: memref<!tpu.dma_semaphore, #tpu.memory_space<semaphore_mem>>, %arg13: memref<!tpu.dma_semaphore, #tpu.memory_space<semaphore_mem>>, %arg14: memref<!tpu.dma_semaphore, #tpu.memory_space<semaphore_mem>>, %arg15: memref<!tpu.dma_semaphore, #tpu.memory_space<semaphore_mem>>, %arg16: memref<!tpu.dma_semaphore, #tpu.memory_space<semaphore_mem>>, %arg17: memref<!tpu.dma_semaphore, #tpu.memory_space<semaphore_mem>>) attributes {dimension_semantics = [#tpu.dimension_semantics<core_parallel>, #tpu.dimension_semantics<subcore_parallel>], iteration_bounds = array<i64: 2, 16>, scalar_prefetch = 0 : i64, scratch_operands = 13 : i64, tpu.core_type = #tpu.core_type<sc_vector_subcore>, window_params = [{transform_indices = #map}, {transform_indices = #map1}, {transform_indices = #map2}]} {
    %mul3A = arith.constant 2 : i32
    %mul3A_0 = arith.muli %arg1, %mul3A : i32
    %add3A = arith.addi %mul3A_0, %arg0 : i32
    %iota3A = tpu.iota {dimensions = array<i32: 0>} : vector<16xi32>
    %add3A_1 = arith.constant 0 : i32
    %add3A_2 = vector.broadcast %add3A_1 : i32 to vector<16xi32>
    %add3A_3 = arith.addi %iota3A, %add3A_2 : vector<16xi32>
    %add3A_4 = arith.constant 16 : i32
    %add3A_5 = vector.broadcast %add3A_4 : i32 to vector<16xi32>
    %add3A_6 = arith.addi %iota3A, %add3A_5 : vector<16xi32>
    %add3A_7 = arith.constant 32 : i32
    %add3A_8 = vector.broadcast %add3A_7 : i32 to vector<16xi32>
    %add3A_9 = arith.addi %iota3A, %add3A_8 : vector<16xi32>
    %add3A_10 = arith.constant 48 : i32
    %add3A_11 = vector.broadcast %add3A_10 : i32 to vector<16xi32>
    %add3A_12 = arith.addi %iota3A, %add3A_11 : vector<16xi32>
    %add3A_13 = arith.constant 64 : i32
    %add3A_14 = vector.broadcast %add3A_13 : i32 to vector<16xi32>
    %add3A_15 = arith.addi %iota3A, %add3A_14 : vector<16xi32>
    %add3A_16 = arith.constant 80 : i32
    %add3A_17 = vector.broadcast %add3A_16 : i32 to vector<16xi32>
    %add3A_18 = arith.addi %iota3A, %add3A_17 : vector<16xi32>
    %add3A_19 = arith.constant 96 : i32
    %add3A_20 = vector.broadcast %add3A_19 : i32 to vector<16xi32>
    %add3A_21 = arith.addi %iota3A, %add3A_20 : vector<16xi32>
    %add3A_22 = arith.constant 112 : i32
    %add3A_23 = vector.broadcast %add3A_22 : i32 to vector<16xi32>
    %add3A_24 = arith.addi %iota3A, %add3A_23 : vector<16xi32>
    %broadcast_in_dim3A = arith.constant 0 : i32
    %broadcast_in_dim3A_25 = vector.broadcast %broadcast_in_dim3A : i32 to vector<16xi32>
    %scan3A = arith.constant 0 : i32
    %scan3A_26 = arith.constant 0 : i32
    %scan3A_27 = arith.constant 4 : i32
    %scan3A_28 = arith.addi %scan3A_26, %scan3A_27 : i32
    %scan3A_29 = arith.constant 1 : i32
    scf.for %scan3A_31 = %scan3A_26 to %scan3A_28 step %scan3A_29  : i32 {
      %mul3A_32 = arith.constant 4 : i32
      %mul3A_33 = arith.muli %add3A, %mul3A_32 : i32
      %add3A_34 = arith.addi %mul3A_33, %scan3A_31 : i32
      "tpu.region"() ({
        %run_scoped3A = tpu.sem_alloc : memref<!tpu.dma_semaphore, #tpu.memory_space<semaphore_mem>>
        %dma_start3A_72 = arith.constant 0 : i32
        %dma_start3A_73 = arith.constant 0 : i32
        %dma_start3A_74 = tpu.memref_slice %arg3[%add3A_34, %dma_start3A_72, %dma_start3A_73] : memref<128x200x128xi32, #tpu.memory_space<hbm>> -> memref<1x200x128xi32, #tpu.memory_space<hbm>>
        %dma_start3A_75 = tpu.memref_squeeze %dma_start3A_74 : memref<1x200x128xi32, #tpu.memory_space<hbm>> -> memref<200x128xi32, #tpu.memory_space<hbm>>
        %dma_start3A_76 = arith.constant 0 : i32
        %dma_start3A_77 = arith.constant 0 : i32
        %dma_start3A_78 = tpu.memref_slice %arg3[%add3A_34, %dma_start3A_76, %dma_start3A_77] : memref<128x200x128xi32, #tpu.memory_space<hbm>> -> memref<1x200x128xi32, #tpu.memory_space<hbm>>
        %dma_start3A_79 = tpu.memref_squeeze %dma_start3A_78 : memref<1x200x128xi32, #tpu.memory_space<hbm>> -> memref<200x128xi32, #tpu.memory_space<hbm>>
        tpu.enqueue_dma source(%dma_start3A_79 : memref<200x128xi32, #tpu.memory_space<hbm>>) target(%arg5 : memref<200x128xi32, #tpu.memory_space<vmem>>) target_semaphore(%run_scoped3A : memref<!tpu.dma_semaphore, #tpu.memory_space<semaphore_mem>>)
        %dma_wait3A_80 = arith.constant 0 : i32
        %dma_wait3A_81 = arith.constant 0 : i32
        %dma_wait3A_82 = tpu.memref_slice %arg3[%add3A_34, %dma_wait3A_80, %dma_wait3A_81] : memref<128x200x128xi32, #tpu.memory_space<hbm>> -> memref<1x200x128xi32, #tpu.memory_space<hbm>>
        %dma_wait3A_83 = tpu.memref_squeeze %dma_wait3A_82 : memref<1x200x128xi32, #tpu.memory_space<hbm>> -> memref<200x128xi32, #tpu.memory_space<hbm>>
        %dma_wait3A_84 = arith.constant 0 : i32
        %dma_wait3A_85 = arith.constant 0 : i32
        %dma_wait3A_86 = tpu.memref_slice %arg3[%add3A_34, %dma_wait3A_84, %dma_wait3A_85] : memref<128x200x128xi32, #tpu.memory_space<hbm>> -> memref<1x200x128xi32, #tpu.memory_space<hbm>>
        %dma_wait3A_87 = tpu.memref_squeeze %dma_wait3A_86 : memref<1x200x128xi32, #tpu.memory_space<hbm>> -> memref<200x128xi32, #tpu.memory_space<hbm>>
        tpu.wait_dma2 semaphore(%run_scoped3A : memref<!tpu.dma_semaphore, #tpu.memory_space<semaphore_mem>>) src(%dma_wait3A_87 : memref<200x128xi32, #tpu.memory_space<hbm>>) dst(%arg5 : memref<200x128xi32, #tpu.memory_space<vmem>>)
        tpu.yield
      }) : () -> ()
      %dma_start3A = arith.constant 0 : i32
      %dma_start3A_35 = arith.constant 0 : i32
      %dma_start3A_36 = tpu.memref_slice %arg5[%dma_start3A, %dma_start3A_35] : memref<200x128xi32, #tpu.memory_space<vmem>> -> memref<1x128xi32, #tpu.memory_space<vmem>>
      %dma_start3A_37 = tpu.memref_squeeze %dma_start3A_36 : memref<1x128xi32, #tpu.memory_space<vmem>> -> memref<128xi32, #tpu.memory_space<vmem>>
      %dma_start3A_38 = arith.constant 0 : i32
      %dma_start3A_39 = arith.constant 0 : i32
      %dma_start3A_40 = tpu.memref_slice %arg2[%dma_start3A_38, %dma_start3A_39] : memref<100000x64xf32, #tpu.memory_space<hbm>> -> memref<100000x64xf32, #tpu.memory_space<hbm>>
      tpu.enqueue_indirect_dma source(%dma_start3A_40 : memref<100000x64xf32, #tpu.memory_space<hbm>>) target(%arg6 : memref<128x64xf32, #tpu.memory_space<vmem>>) offsets(%dma_start3A_37 : memref<128xi32, #tpu.memory_space<vmem>>) semaphore(%arg12 : memref<!tpu.dma_semaphore, #tpu.memory_space<semaphore_mem>>)
      %dma_start3A_41 = arith.constant 1 : i32
      %dma_start3A_42 = arith.constant 0 : i32
      %dma_start3A_43 = tpu.memref_slice %arg5[%dma_start3A_41, %dma_start3A_42] : memref<200x128xi32, #tpu.memory_space<vmem>> -> memref<1x128xi32, #tpu.memory_space<vmem>>
      %dma_start3A_44 = tpu.memref_squeeze %dma_start3A_43 : memref<1x128xi32, #tpu.memory_space<vmem>> -> memref<128xi32, #tpu.memory_space<vmem>>
      %dma_start3A_45 = arith.constant 0 : i32
      %dma_start3A_46 = arith.constant 0 : i32
      %dma_start3A_47 = tpu.memref_slice %arg2[%dma_start3A_45, %dma_start3A_46] : memref<100000x64xf32, #tpu.memory_space<hbm>> -> memref<100000x64xf32, #tpu.memory_space<hbm>>
      tpu.enqueue_indirect_dma source(%dma_start3A_47 : memref<100000x64xf32, #tpu.memory_space<hbm>>) target(%arg7 : memref<128x64xf32, #tpu.memory_space<vmem>>) offsets(%dma_start3A_44 : memref<128xi32, #tpu.memory_space<vmem>>) semaphore(%arg13 : memref<!tpu.dma_semaphore, #tpu.memory_space<semaphore_mem>>)
      %dma_start3A_48 = arith.constant 2 : i32
      %dma_start3A_49 = arith.constant 0 : i32
      %dma_start3A_50 = tpu.memref_slice %arg5[%dma_start3A_48, %dma_start3A_49] : memref<200x128xi32, #tpu.memory_space<vmem>> -> memref<1x128xi32, #tpu.memory_space<vmem>>
      %dma_start3A_51 = tpu.memref_squeeze %dma_start3A_50 : memref<1x128xi32, #tpu.memory_space<vmem>> -> memref<128xi32, #tpu.memory_space<vmem>>
      %dma_start3A_52 = arith.constant 0 : i32
      %dma_start3A_53 = arith.constant 0 : i32
      %dma_start3A_54 = tpu.memref_slice %arg2[%dma_start3A_52, %dma_start3A_53] : memref<100000x64xf32, #tpu.memory_space<hbm>> -> memref<100000x64xf32, #tpu.memory_space<hbm>>
      tpu.enqueue_indirect_dma source(%dma_start3A_54 : memref<100000x64xf32, #tpu.memory_space<hbm>>) target(%arg8 : memref<128x64xf32, #tpu.memory_space<vmem>>) offsets(%dma_start3A_51 : memref<128xi32, #tpu.memory_space<vmem>>) semaphore(%arg14 : memref<!tpu.dma_semaphore, #tpu.memory_space<semaphore_mem>>)
      %scan3A_55 = arith.constant 0 : i32
      %scan3A_56 = arith.constant 0 : i32
      %scan3A_57 = arith.constant 50 : i32
      %scan3A_58 = arith.addi %scan3A_56, %scan3A_57 : i32
      %scan3A_59 = arith.constant 1 : i32
      scf.for %scan3A_72 = %scan3A_56 to %scan3A_58 step %scan3A_59  : i32 {
        %mul3A_73 = arith.constant 4 : i32
        %mul3A_74 = arith.muli %mul3A_73, %scan3A_72 : i32
        %add3A_75 = arith.constant 0 : i32
        %add3A_76 = arith.addi %mul3A_74, %add3A_75 : i32
        %ge3A = arith.constant 2 : i32
        %ge3A_77 = arith.cmpi sge, %add3A_76, %ge3A : i32
        %convert_element_type3A = arith.extui %ge3A_77 : i1 to i32
        %cond3A = arith.constant 0 : i32
        %cond3A_78 = arith.cmpi ne, %convert_element_type3A, %cond3A : i32
        scf.if %cond3A_78 {
          %dma_wait3A_569 = arith.constant 0 : i32
          %dma_wait3A_570 = arith.constant 0 : i32
          %dma_wait3A_571 = tpu.memref_slice %arg2[%dma_wait3A_569, %dma_wait3A_570] : memref<100000x64xf32, #tpu.memory_space<hbm>> -> memref<128x64xf32, #tpu.memory_space<hbm>>
          %dma_wait3A_572 = arith.constant 0 : i32
          %dma_wait3A_573 = arith.constant 0 : i32
          %dma_wait3A_574 = tpu.memref_slice %arg2[%dma_wait3A_572, %dma_wait3A_573] : memref<100000x64xf32, #tpu.memory_space<hbm>> -> memref<128x64xf32, #tpu.memory_space<hbm>>
          tpu.wait_dma2 semaphore(%arg16 : memref<!tpu.dma_semaphore, #tpu.memory_space<semaphore_mem>>) src(%dma_wait3A_574 : memref<128x64xf32, #tpu.memory_space<hbm>>) dst(%arg6 : memref<128x64xf32, #tpu.memory_space<vmem>>)
        } else {
        }
        %add3A_79 = arith.constant 3 : i32
        %add3A_80 = arith.addi %add3A_76, %add3A_79 : i32
        %lt3A = arith.constant 200 : i32
        %lt3A_81 = arith.cmpi slt, %add3A_80, %lt3A : i32
        %convert_element_type3A_82 = arith.extui %lt3A_81 : i1 to i32
        %cond3A_83 = arith.constant 0 : i32
        %cond3A_84 = arith.cmpi ne, %convert_element_type3A_82, %cond3A_83 : i32
        scf.if %cond3A_84 {
          %add3A_569 = arith.constant 3 : i32
          %add3A_570 = arith.addi %add3A_76, %add3A_569 : i32
          %dma_start3A_571 = arith.constant 0 : i32
          %dma_start3A_572 = tpu.memref_slice %arg5[%add3A_570, %dma_start3A_571] : memref<200x128xi32, #tpu.memory_space<vmem>> -> memref<1x128xi32, #tpu.memory_space<vmem>>
          %dma_start3A_573 = tpu.memref_squeeze %dma_start3A_572 : memref<1x128xi32, #tpu.memory_space<vmem>> -> memref<128xi32, #tpu.memory_space<vmem>>
          %dma_start3A_574 = arith.constant 0 : i32
          %dma_start3A_575 = arith.constant 0 : i32
          %dma_start3A_576 = tpu.memref_slice %arg2[%dma_start3A_574, %dma_start3A_575] : memref<100000x64xf32, #tpu.memory_space<hbm>> -> memref<100000x64xf32, #tpu.memory_space<hbm>>
          tpu.enqueue_indirect_dma source(%dma_start3A_576 : memref<100000x64xf32, #tpu.memory_space<hbm>>) target(%arg9 : memref<128x64xf32, #tpu.memory_space<vmem>>) offsets(%dma_start3A_573 : memref<128xi32, #tpu.memory_space<vmem>>) semaphore(%arg15 : memref<!tpu.dma_semaphore, #tpu.memory_space<semaphore_mem>>)
        } else {
        }
        %get3A = arith.index_cast %add3A_76 : i32 to index
        %get3A_85 = arith.constant 0 : index
        %get3A_86 = tpu.vector_load %arg5[%get3A, %get3A_85] {strides = array<i32>} : memref<200x128xi32, #tpu.memory_space<vmem>>, vector<16xi32>,
        %eq3A = arith.constant 0 : i32
        %eq3A_87 = vector.broadcast %eq3A : i32 to vector<16xi32>
        %eq3A_88 = arith.cmpi eq, %get3A_86, %eq3A_87 : vector<16xi32>
        %jit3A = arith.constant 0.000000e+00 : f32
        %jit3A_89 = arith.constant 8.000000e+00 : f32
        %broadcast_in_dim3A_90 = vector.broadcast %jit3A : f32 to vector<16xf32>
        %broadcast_in_dim3A_91 = vector.broadcast %jit3A_89 : f32 to vector<16xf32>
        %select_n3A = arith.select %eq3A_88, %broadcast_in_dim3A_90, %broadcast_in_dim3A_91 : vector<16xi1>, vector<16xf32>
        %get3A_92 = arith.index_cast %add3A_76 : i32 to index
        %get3A_93 = arith.constant 16 : index
        %get3A_94 = tpu.vector_load %arg5[%get3A_92, %get3A_93] {strides = array<i32>} : memref<200x128xi32, #tpu.memory_space<vmem>>, vector<16xi32>,
        %eq3A_95 = arith.constant 0 : i32
        %eq3A_96 = vector.broadcast %eq3A_95 : i32 to vector<16xi32>
        %eq3A_97 = arith.cmpi eq, %get3A_94, %eq3A_96 : vector<16xi32>
        %jit3A_98 = arith.constant 0.000000e+00 : f32
        %jit3A_99 = arith.constant 8.000000e+00 : f32
        %broadcast_in_dim3A_100 = vector.broadcast %jit3A_98 : f32 to vector<16xf32>
        %broadcast_in_dim3A_101 = vector.broadcast %jit3A_99 : f32 to vector<16xf32>
        %select_n3A_102 = arith.select %eq3A_97, %broadcast_in_dim3A_100, %broadcast_in_dim3A_101 : vector<16xi1>, vector<16xf32>
        %get3A_103 = arith.index_cast %add3A_76 : i32 to index
        %get3A_104 = arith.constant 32 : index
        %get3A_105 = tpu.vector_load %arg5[%get3A_103, %get3A_104] {strides = array<i32>} : memref<200x128xi32, #tpu.memory_space<vmem>>, vector<16xi32>,
        %eq3A_106 = arith.constant 0 : i32
        %eq3A_107 = vector.broadcast %eq3A_106 : i32 to vector<16xi32>
        %eq3A_108 = arith.cmpi eq, %get3A_105, %eq3A_107 : vector<16xi32>
        %jit3A_109 = arith.constant 0.000000e+00 : f32
        %jit3A_110 = arith.constant 8.000000e+00 : f32
        %broadcast_in_dim3A_111 = vector.broadcast %jit3A_109 : f32 to vector<16xf32>
        %broadcast_in_dim3A_112 = vector.broadcast %jit3A_110 : f32 to vector<16xf32>
        %select_n3A_113 = arith.select %eq3A_108, %broadcast_in_dim3A_111, %broadcast_in_dim3A_112 : vector<16xi1>, vector<16xf32>
        %get3A_114 = arith.index_cast %add3A_76 : i32 to index
        %get3A_115 = arith.constant 48 : index
        %get3A_116 = tpu.vector_load %arg5[%get3A_114, %get3A_115] {strides = array<i32>} : memref<200x128xi32, #tpu.memory_space<vmem>>, vector<16xi32>,
        %eq3A_117 = arith.constant 0 : i32
        %eq3A_118 = vector.broadcast %eq3A_117 : i32 to vector<16xi32>
        %eq3A_119 = arith.cmpi eq, %get3A_116, %eq3A_118 : vector<16xi32>
        %jit3A_120 = arith.constant 0.000000e+00 : f32
        %jit3A_121 = arith.constant 8.000000e+00 : f32
        %broadcast_in_dim3A_122 = vector.broadcast %jit3A_120 : f32 to vector<16xf32>
        %broadcast_in_dim3A_123 = vector.broadcast %jit3A_121 : f32 to vector<16xf32>
        %select_n3A_124 = arith.select %eq3A_119, %broadcast_in_dim3A_122, %broadcast_in_dim3A_123 : vector<16xi1>, vector<16xf32>
        %get3A_125 = arith.index_cast %add3A_76 : i32 to index
        %get3A_126 = arith.constant 64 : index
        %get3A_127 = tpu.vector_load %arg5[%get3A_125, %get3A_126] {strides = array<i32>} : memref<200x128xi32, #tpu.memory_space<vmem>>, vector<16xi32>,
        %eq3A_128 = arith.constant 0 : i32
        %eq3A_129 = vector.broadcast %eq3A_128 : i32 to vector<16xi32>
        %eq3A_130 = arith.cmpi eq, %get3A_127, %eq3A_129 : vector<16xi32>
        %jit3A_131 = arith.constant 0.000000e+00 : f32
        %jit3A_132 = arith.constant 8.000000e+00 : f32
        %broadcast_in_dim3A_133 = vector.broadcast %jit3A_131 : f32 to vector<16xf32>
        %broadcast_in_dim3A_134 = vector.broadcast %jit3A_132 : f32 to vector<16xf32>
        %select_n3A_135 = arith.select %eq3A_130, %broadcast_in_dim3A_133, %broadcast_in_dim3A_134 : vector<16xi1>, vector<16xf32>
        %get3A_136 = arith.index_cast %add3A_76 : i32 to index
        %get3A_137 = arith.constant 80 : index
        %get3A_138 = tpu.vector_load %arg5[%get3A_136, %get3A_137] {strides = array<i32>} : memref<200x128xi32, #tpu.memory_space<vmem>>, vector<16xi32>,
        %eq3A_139 = arith.constant 0 : i32
        %eq3A_140 = vector.broadcast %eq3A_139 : i32 to vector<16xi32>
        %eq3A_141 = arith.cmpi eq, %get3A_138, %eq3A_140 : vector<16xi32>
        %jit3A_142 = arith.constant 0.000000e+00 : f32
        %jit3A_143 = arith.constant 8.000000e+00 : f32
        %broadcast_in_dim3A_144 = vector.broadcast %jit3A_142 : f32 to vector<16xf32>
        %broadcast_in_dim3A_145 = vector.broadcast %jit3A_143 : f32 to vector<16xf32>
        %select_n3A_146 = arith.select %eq3A_141, %broadcast_in_dim3A_144, %broadcast_in_dim3A_145 : vector<16xi1>, vector<16xf32>
        %get3A_147 = arith.index_cast %add3A_76 : i32 to index
        %get3A_148 = arith.constant 96 : index
        %get3A_149 = tpu.vector_load %arg5[%get3A_147, %get3A_148] {strides = array<i32>} : memref<200x128xi32, #tpu.memory_space<vmem>>, vector<16xi32>,
        %eq3A_150 = arith.constant 0 : i32
        %eq3A_151 = vector.broadcast %eq3A_150 : i32 to vector<16xi32>
        %eq3A_152 = arith.cmpi eq, %get3A_149, %eq3A_151 : vector<16xi32>
        %jit3A_153 = arith.constant 0.000000e+00 : f32
        %jit3A_154 = arith.constant 8.000000e+00 : f32
        %broadcast_in_dim3A_155 = vector.broadcast %jit3A_153 : f32 to vector<16xf32>
        %broadcast_in_dim3A_156 = vector.broadcast %jit3A_154 : f32 to vector<16xf32>
        %select_n3A_157 = arith.select %eq3A_152, %broadcast_in_dim3A_155, %broadcast_in_dim3A_156 : vector<16xi1>, vector<16xf32>
        %get3A_158 = arith.index_cast %add3A_76 : i32 to index
        %get3A_159 = arith.constant 112 : index
        %get3A_160 = tpu.vector_load %arg5[%get3A_158, %get3A_159] {strides = array<i32>} : memref<200x128xi32, #tpu.memory_space<vmem>>, vector<16xi32>,
        %eq3A_161 = arith.constant 0 : i32
        %eq3A_162 = vector.broadcast %eq3A_161 : i32 to vector<16xi32>
        %eq3A_163 = arith.cmpi eq, %get3A_160, %eq3A_162 : vector<16xi32>
        %jit3A_164 = arith.constant 0.000000e+00 : f32
        %jit3A_165 = arith.constant 8.000000e+00 : f32
        %broadcast_in_dim3A_166 = vector.broadcast %jit3A_164 : f32 to vector<16xf32>
        %broadcast_in_dim3A_167 = vector.broadcast %jit3A_165 : f32 to vector<16xf32>
        %select_n3A_168 = arith.select %eq3A_163, %broadcast_in_dim3A_166, %broadcast_in_dim3A_167 : vector<16xi1>, vector<16xf32>
        %dma_wait3A_169 = arith.constant 0 : i32
        %dma_wait3A_170 = tpu.memref_slice %arg5[%add3A_76, %dma_wait3A_169] : memref<200x128xi32, #tpu.memory_space<vmem>> -> memref<1x128xi32, #tpu.memory_space<vmem>>
        %dma_wait3A_171 = tpu.memref_squeeze %dma_wait3A_170 : memref<1x128xi32, #tpu.memory_space<vmem>> -> memref<128xi32, #tpu.memory_space<vmem>>
        %dma_wait3A_172 = arith.constant 0 : i32
        %dma_wait3A_173 = arith.constant 0 : i32
        %dma_wait3A_174 = tpu.memref_slice %arg2[%dma_wait3A_172, %dma_wait3A_173] : memref<100000x64xf32, #tpu.memory_space<hbm>> -> memref<100000x64xf32, #tpu.memory_space<hbm>>
        tpu.wait_indirect_dma semaphore(%arg12 : memref<!tpu.dma_semaphore, #tpu.memory_space<semaphore_mem>>) src(%dma_wait3A_174 : memref<100000x64xf32, #tpu.memory_space<hbm>>) dst(%arg6 : memref<128x64xf32, #tpu.memory_space<vmem>>)
        %scan3A_175 = arith.constant 0 : i32
        %scan3A_176 = arith.constant 0 : i32
        %scan3A_177 = arith.constant 16 : i32
        %scan3A_178 = arith.addi %scan3A_176, %scan3A_177 : i32
        %scan3A_179 = arith.constant 1 : i32
        scf.for %scan3A_569 = %scan3A_176 to %scan3A_178 step %scan3A_179  : i32 {
          %add3A_570 = vector.broadcast %scan3A_569 : i32 to vector<16xi32>
          %add3A_571 = arith.addi %iota3A, %add3A_570 : vector<16xi32>
          %and3A = arith.constant 15 : i32
          %and3A_572 = vector.broadcast %and3A : i32 to vector<16xi32>
          %and3A_573 = arith.andi %add3A_571, %and3A_572 : vector<16xi32>
          %add3A_574 = arith.constant 0 : i32
          %add3A_575 = vector.broadcast %add3A_574 : i32 to vector<16xi32>
          %add3A_576 = arith.addi %and3A_573, %add3A_575 : vector<16xi32>
          %shift_right_arithmetic3A = arith.constant 3 : i32
          %shift_right_arithmetic3A_577 = vector.broadcast %shift_right_arithmetic3A : i32 to vector<16xi32>
          %shift_right_arithmetic3A_578 = arith.shrsi %add3A_576, %shift_right_arithmetic3A_577 : vector<16xi32>
          %and3A_579 = arith.constant 7 : i32
          %and3A_580 = vector.broadcast %and3A_579 : i32 to vector<16xi32>
          %and3A_581 = arith.andi %add3A_576, %and3A_580 : vector<16xi32>
          %gather3A = tpu.vector_load_idx %arg6[%add3A_3, %add3A_576] : memref<128x64xf32, #tpu.memory_space<vmem>>[vector<16xi32>, vector<16xi32>], vector<16xf32>,
          %gather3A_582 = tpu.vector_load_idx %arg6[%add3A_6, %add3A_576] : memref<128x64xf32, #tpu.memory_space<vmem>>[vector<16xi32>, vector<16xi32>], vector<16xf32>,
          %gather3A_583 = tpu.vector_load_idx %arg6[%add3A_9, %add3A_576] : memref<128x64xf32, #tpu.memory_space<vmem>>[vector<16xi32>, vector<16xi32>], vector<16xf32>,
          %gather3A_584 = tpu.vector_load_idx %arg6[%add3A_12, %add3A_576] : memref<128x64xf32, #tpu.memory_space<vmem>>[vector<16xi32>, vector<16xi32>], vector<16xf32>,
          %gather3A_585 = tpu.vector_load_idx %arg6[%add3A_15, %add3A_576] : memref<128x64xf32, #tpu.memory_space<vmem>>[vector<16xi32>, vector<16xi32>], vector<16xf32>,
          %gather3A_586 = tpu.vector_load_idx %arg6[%add3A_18, %add3A_576] : memref<128x64xf32, #tpu.memory_space<vmem>>[vector<16xi32>, vector<16xi32>], vector<16xf32>,
          %gather3A_587 = tpu.vector_load_idx %arg6[%add3A_21, %add3A_576] : memref<128x64xf32, #tpu.memory_space<vmem>>[vector<16xi32>, vector<16xi32>], vector<16xf32>,
          %gather3A_588 = tpu.vector_load_idx %arg6[%add3A_24, %add3A_576] : memref<128x64xf32, #tpu.memory_space<vmem>>[vector<16xi32>, vector<16xi32>], vector<16xf32>,
          %mul3A_589 = arith.mulf %gather3A, %select_n3A : vector<16xf32>
          tpu.vector_store_idx %arg10[%shift_right_arithmetic3A_578, %and3A_581, %add3A_3], %mul3A_589 : memref<8x8x128xf32, #tpu.memory_space<vmem>>[vector<16xi32>, vector<16xi32>, vector<16xi32>], vector<16xf32>,
          %mul3A_590 = arith.mulf %gather3A_582, %select_n3A_102 : vector<16xf32>
          tpu.vector_store_idx %arg10[%shift_right_arithmetic3A_578, %and3A_581, %add3A_6], %mul3A_590 : memref<8x8x128xf32, #tpu.memory_space<vmem>>[vector<16xi32>, vector<16xi32>, vector<16xi32>], vector<16xf32>,
          %mul3A_591 = arith.mulf %gather3A_583, %select_n3A_113 : vector<16xf32>
          tpu.vector_store_idx %arg10[%shift_right_arithmetic3A_578, %and3A_581, %add3A_9], %mul3A_591 : memref<8x8x128xf32, #tpu.memory_space<vmem>>[vector<16xi32>, vector<16xi32>, vector<16xi32>], vector<16xf32>,
          %mul3A_592 = arith.mulf %gather3A_584, %select_n3A_124 : vector<16xf32>
          tpu.vector_store_idx %arg10[%shift_right_arithmetic3A_578, %and3A_581, %add3A_12], %mul3A_592 : memref<8x8x128xf32, #tpu.memory_space<vmem>>[vector<16xi32>, vector<16xi32>, vector<16xi32>], vector<16xf32>,
          %mul3A_593 = arith.mulf %gather3A_585, %select_n3A_135 : vector<16xf32>
          tpu.vector_store_idx %arg10[%shift_right_arithmetic3A_578, %and3A_581, %add3A_15], %mul3A_593 : memref<8x8x128xf32, #tpu.memory_space<vmem>>[vector<16xi32>, vector<16xi32>, vector<16xi32>], vector<16xf32>,
          %mul3A_594 = arith.mulf %gather3A_586, %select_n3A_146 : vector<16xf32>
          tpu.vector_store_idx %arg10[%shift_right_arithmetic3A_578, %and3A_581, %add3A_18], %mul3A_594 : memref<8x8x128xf32, #tpu.memory_space<vmem>>[vector<16xi32>, vector<16xi32>, vector<16xi32>], vector<16xf32>,
          %mul3A_595 = arith.mulf %gather3A_587, %select_n3A_157 : vector<16xf32>
          tpu.vector_store_idx %arg10[%shift_right_arithmetic3A_578, %and3A_581, %add3A_21], %mul3A_595 : memref<8x8x128xf32, #tpu.memory_space<vmem>>[vector<16xi32>, vector<16xi32>, vector<16xi32>], vector<16xf32>,
          %mul3A_596 = arith.mulf %gather3A_588, %select_n3A_168 : vector<16xf32>
          tpu.vector_store_idx %arg10[%shift_right_arithmetic3A_578, %and3A_581, %add3A_24], %mul3A_596 : memref<8x8x128xf32, #tpu.memory_space<vmem>>[vector<16xi32>, vector<16xi32>, vector<16xi32>], vector<16xf32>,
          %add3A_597 = arith.constant 16 : i32
          %add3A_598 = vector.broadcast %add3A_597 : i32 to vector<16xi32>
          %add3A_599 = arith.addi %and3A_573, %add3A_598 : vector<16xi32>
          %shift_right_arithmetic3A_600 = arith.constant 3 : i32
          %shift_right_arithmetic3A_601 = vector.broadcast %shift_right_arithmetic3A_600 : i32 to vector<16xi32>
          %shift_right_arithmetic3A_602 = arith.shrsi %add3A_599, %shift_right_arithmetic3A_601 : vector<16xi32>
          %and3A_603 = arith.constant 7 : i32
          %and3A_604 = vector.broadcast %and3A_603 : i32 to vector<16xi32>
          %and3A_605 = arith.andi %add3A_599, %and3A_604 : vector<16xi32>
          %gather3A_606 = tpu.vector_load_idx %arg6[%add3A_3, %add3A_599] : memref<128x64xf32, #tpu.memory_space<vmem>>[vector<16xi32>, vector<16xi32>], vector<16xf32>,
          %gather3A_607 = tpu.vector_load_idx %arg6[%add3A_6, %add3A_599] : memref<128x64xf32, #tpu.memory_space<vmem>>[vector<16xi32>, vector<16xi32>], vector<16xf32>,
          %gather3A_608 = tpu.vector_load_idx %arg6[%add3A_9, %add3A_599] : memref<128x64xf32, #tpu.memory_space<vmem>>[vector<16xi32>, vector<16xi32>], vector<16xf32>,
          %gather3A_609 = tpu.vector_load_idx %arg6[%add3A_12, %add3A_599] : memref<128x64xf32, #tpu.memory_space<vmem>>[vector<16xi32>, vector<16xi32>], vector<16xf32>,
          %gather3A_610 = tpu.vector_load_idx %arg6[%add3A_15, %add3A_599] : memref<128x64xf32, #tpu.memory_space<vmem>>[vector<16xi32>, vector<16xi32>], vector<16xf32>,
          %gather3A_611 = tpu.vector_load_idx %arg6[%add3A_18, %add3A_599] : memref<128x64xf32, #tpu.memory_space<vmem>>[vector<16xi32>, vector<16xi32>], vector<16xf32>,
          %gather3A_612 = tpu.vector_load_idx %arg6[%add3A_21, %add3A_599] : memref<128x64xf32, #tpu.memory_space<vmem>>[vector<16xi32>, vector<16xi32>], vector<16xf32>,
          %gather3A_613 = tpu.vector_load_idx %arg6[%add3A_24, %add3A_599] : memref<128x64xf32, #tpu.memory_space<vmem>>[vector<16xi32>, vector<16xi32>], vector<16xf32>,
          %mul3A_614 = arith.mulf %gather3A_606, %select_n3A : vector<16xf32>
          tpu.vector_store_idx %arg10[%shift_right_arithmetic3A_602, %and3A_605, %add3A_3], %mul3A_614 : memref<8x8x128xf32, #tpu.memory_space<vmem>>[vector<16xi32>, vector<16xi32>, vector<16xi32>], vector<16xf32>,
          %mul3A_615 = arith.mulf %gather3A_607, %select_n3A_102 : vector<16xf32>
          tpu.vector_store_idx %arg10[%shift_right_arithmetic3A_602, %and3A_605, %add3A_6], %mul3A_615 : memref<8x8x128xf32, #tpu.memory_space<vmem>>[vector<16xi32>, vector<16xi32>, vector<16xi32>], vector<16xf32>,
          %mul3A_616 = arith.mulf %gather3A_608, %select_n3A_113 : vector<16xf32>
          tpu.vector_store_idx %arg10[%shift_right_arithmetic3A_602, %and3A_605, %add3A_9], %mul3A_616 : memref<8x8x128xf32, #tpu.memory_space<vmem>>[vector<16xi32>, vector<16xi32>, vector<16xi32>], vector<16xf32>,
          %mul3A_617 = arith.mulf %gather3A_609, %select_n3A_124 : vector<16xf32>
          tpu.vector_store_idx %arg10[%shift_right_arithmetic3A_602, %and3A_605, %add3A_12], %mul3A_617 : memref<8x8x128xf32, #tpu.memory_space<vmem>>[vector<16xi32>, vector<16xi32>, vector<16xi32>], vector<16xf32>,
          %mul3A_618 = arith.mulf %gather3A_610, %select_n3A_135 : vector<16xf32>
          tpu.vector_store_idx %arg10[%shift_right_arithmetic3A_602, %and3A_605, %add3A_15], %mul3A_618 : memref<8x8x128xf32, #tpu.memory_space<vmem>>[vector<16xi32>, vector<16xi32>, vector<16xi32>], vector<16xf32>,
          %mul3A_619 = arith.mulf %gather3A_611, %select_n3A_146 : vector<16xf32>
          tpu.vector_store_idx %arg10[%shift_right_arithmetic3A_602, %and3A_605, %add3A_18], %mul3A_619 : memref<8x8x128xf32, #tpu.memory_space<vmem>>[vector<16xi32>, vector<16xi32>, vector<16xi32>], vector<16xf32>,
          %mul3A_620 = arith.mulf %gather3A_612, %select_n3A_157 : vector<16xf32>
          tpu.vector_store_idx %arg10[%shift_right_arithmetic3A_602, %and3A_605, %add3A_21], %mul3A_620 : memref<8x8x128xf32, #tpu.memory_space<vmem>>[vector<16xi32>, vector<16xi32>, vector<16xi32>], vector<16xf32>,
          %mul3A_621 = arith.mulf %gather3A_613, %select_n3A_168 : vector<16xf32>
          tpu.vector_store_idx %arg10[%shift_right_arithmetic3A_602, %and3A_605, %add3A_24], %mul3A_621 : memref<8x8x128xf32, #tpu.memory_space<vmem>>[vector<16xi32>, vector<16xi32>, vector<16xi32>], vector<16xf32>,
          %add3A_622 = arith.constant 32 : i32
          %add3A_623 = vector.broadcast %add3A_622 : i32 to vector<16xi32>
          %add3A_624 = arith.addi %and3A_573, %add3A_623 : vector<16xi32>
          %shift_right_arithmetic3A_625 = arith.constant 3 : i32
          %shift_right_arithmetic3A_626 = vector.broadcast %shift_right_arithmetic3A_625 : i32 to vector<16xi32>
          %shift_right_arithmetic3A_627 = arith.shrsi %add3A_624, %shift_right_arithmetic3A_626 : vector<16xi32>
          %and3A_628 = arith.constant 7 : i32
          %and3A_629 = vector.broadcast %and3A_628 : i32 to vector<16xi32>
          %and3A_630 = arith.andi %add3A_624, %and3A_629 : vector<16xi32>
          %gather3A_631 = tpu.vector_load_idx %arg6[%add3A_3, %add3A_624] : memref<128x64xf32, #tpu.memory_space<vmem>>[vector<16xi32>, vector<16xi32>], vector<16xf32>,
          %gather3A_632 = tpu.vector_load_idx %arg6[%add3A_6, %add3A_624] : memref<128x64xf32, #tpu.memory_space<vmem>>[vector<16xi32>, vector<16xi32>], vector<16xf32>,
          %gather3A_633 = tpu.vector_load_idx %arg6[%add3A_9, %add3A_624] : memref<128x64xf32, #tpu.memory_space<vmem>>[vector<16xi32>, vector<16xi32>], vector<16xf32>,
          %gather3A_634 = tpu.vector_load_idx %arg6[%add3A_12, %add3A_624] : memref<128x64xf32, #tpu.memory_space<vmem>>[vector<16xi32>, vector<16xi32>], vector<16xf32>,
          %gather3A_635 = tpu.vector_load_idx %arg6[%add3A_15, %add3A_624] : memref<128x64xf32, #tpu.memory_space<vmem>>[vector<16xi32>, vector<16xi32>], vector<16xf32>,
          %gather3A_636 = tpu.vector_load_idx %arg6[%add3A_18, %add3A_624] : memref<128x64xf32, #tpu.memory_space<vmem>>[vector<16xi32>, vector<16xi32>], vector<16xf32>,
          %gather3A_637 = tpu.vector_load_idx %arg6[%add3A_21, %add3A_624] : memref<128x64xf32, #tpu.memory_space<vmem>>[vector<16xi32>, vector<16xi32>], vector<16xf32>,
          %gather3A_638 = tpu.vector_load_idx %arg6[%add3A_24, %add3A_624] : memref<128x64xf32, #tpu.memory_space<vmem>>[vector<16xi32>, vector<16xi32>], vector<16xf32>,
          %mul3A_639 = arith.mulf %gather3A_631, %select_n3A : vector<16xf32>
          tpu.vector_store_idx %arg10[%shift_right_arithmetic3A_627, %and3A_630, %add3A_3], %mul3A_639 : memref<8x8x128xf32, #tpu.memory_space<vmem>>[vector<16xi32>, vector<16xi32>, vector<16xi32>], vector<16xf32>,
          %mul3A_640 = arith.mulf %gather3A_632, %select_n3A_102 : vector<16xf32>
          tpu.vector_store_idx %arg10[%shift_right_arithmetic3A_627, %and3A_630, %add3A_6], %mul3A_640 : memref<8x8x128xf32, #tpu.memory_space<vmem>>[vector<16xi32>, vector<16xi32>, vector<16xi32>], vector<16xf32>,
          %mul3A_641 = arith.mulf %gather3A_633, %select_n3A_113 : vector<16xf32>
          tpu.vector_store_idx %arg10[%shift_right_arithmetic3A_627, %and3A_630, %add3A_9], %mul3A_641 : memref<8x8x128xf32, #tpu.memory_space<vmem>>[vector<16xi32>, vector<16xi32>, vector<16xi32>], vector<16xf32>,
          %mul3A_642 = arith.mulf %gather3A_634, %select_n3A_124 : vector<16xf32>
          tpu.vector_store_idx %arg10[%shift_right_arithmetic3A_627, %and3A_630, %add3A_12], %mul3A_642 : memref<8x8x128xf32, #tpu.memory_space<vmem>>[vector<16xi32>, vector<16xi32>, vector<16xi32>], vector<16xf32>,
          %mul3A_643 = arith.mulf %gather3A_635, %select_n3A_135 : vector<16xf32>
          tpu.vector_store_idx %arg10[%shift_right_arithmetic3A_627, %and3A_630, %add3A_15], %mul3A_643 : memref<8x8x128xf32, #tpu.memory_space<vmem>>[vector<16xi32>, vector<16xi32>, vector<16xi32>], vector<16xf32>,
          %mul3A_644 = arith.mulf %gather3A_636, %select_n3A_146 : vector<16xf32>
          tpu.vector_store_idx %arg10[%shift_right_arithmetic3A_627, %and3A_630, %add3A_18], %mul3A_644 : memref<8x8x128xf32, #tpu.memory_space<vmem>>[vector<16xi32>, vector<16xi32>, vector<16xi32>], vector<16xf32>,
          %mul3A_645 = arith.mulf %gather3A_637, %select_n3A_157 : vector<16xf32>
          tpu.vector_store_idx %arg10[%shift_right_arithmetic3A_627, %and3A_630, %add3A_21], %mul3A_645 : memref<8x8x128xf32, #tpu.memory_space<vmem>>[vector<16xi32>, vector<16xi32>, vector<16xi32>], vector<16xf32>,
          %mul3A_646 = arith.mulf %gather3A_638, %select_n3A_168 : vector<16xf32>
          tpu.vector_store_idx %arg10[%shift_right_arithmetic3A_627, %and3A_630, %add3A_24], %mul3A_646 : memref<8x8x128xf32, #tpu.memory_space<vmem>>[vector<16xi32>, vector<16xi32>, vector<16xi32>], vector<16xf32>,
          %add3A_647 = arith.constant 48 : i32
          %add3A_648 = vector.broadcast %add3A_647 : i32 to vector<16xi32>
          %add3A_649 = arith.addi %and3A_573, %add3A_648 : vector<16xi32>
          %shift_right_arithmetic3A_650 = arith.constant 3 : i32
          %shift_right_arithmetic3A_651 = vector.broadcast %shift_right_arithmetic3A_650 : i32 to vector<16xi32>
          %shift_right_arithmetic3A_652 = arith.shrsi %add3A_649, %shift_right_arithmetic3A_651 : vector<16xi32>
          %and3A_653 = arith.constant 7 : i32
          %and3A_654 = vector.broadcast %and3A_653 : i32 to vector<16xi32>
          %and3A_655 = arith.andi %add3A_649, %and3A_654 : vector<16xi32>
          %gather3A_656 = tpu.vector_load_idx %arg6[%add3A_3, %add3A_649] : memref<128x64xf32, #tpu.memory_space<vmem>>[vector<16xi32>, vector<16xi32>], vector<16xf32>,
          %gather3A_657 = tpu.vector_load_idx %arg6[%add3A_6, %add3A_649] : memref<128x64xf32, #tpu.memory_space<vmem>>[vector<16xi32>, vector<16xi32>], vector<16xf32>,
          %gather3A_658 = tpu.vector_load_idx %arg6[%add3A_9, %add3A_649] : memref<128x64xf32, #tpu.memory_space<vmem>>[vector<16xi32>, vector<16xi32>], vector<16xf32>,
          %gather3A_659 = tpu.vector_load_idx %arg6[%add3A_12, %add3A_649] : memref<128x64xf32, #tpu.memory_space<vmem>>[vector<16xi32>, vector<16xi32>], vector<16xf32>,
          %gather3A_660 = tpu.vector_load_idx %arg6[%add3A_15, %add3A_649] : memref<128x64xf32, #tpu.memory_space<vmem>>[vector<16xi32>, vector<16xi32>], vector<16xf32>,
          %gather3A_661 = tpu.vector_load_idx %arg6[%add3A_18, %add3A_649] : memref<128x64xf32, #tpu.memory_space<vmem>>[vector<16xi32>, vector<16xi32>], vector<16xf32>,
          %gather3A_662 = tpu.vector_load_idx %arg6[%add3A_21, %add3A_649] : memref<128x64xf32, #tpu.memory_space<vmem>>[vector<16xi32>, vector<16xi32>], vector<16xf32>,
          %gather3A_663 = tpu.vector_load_idx %arg6[%add3A_24, %add3A_649] : memref<128x64xf32, #tpu.memory_space<vmem>>[vector<16xi32>, vector<16xi32>], vector<16xf32>,
          %mul3A_664 = arith.mulf %gather3A_656, %select_n3A : vector<16xf32>
          tpu.vector_store_idx %arg10[%shift_right_arithmetic3A_652, %and3A_655, %add3A_3], %mul3A_664 : memref<8x8x128xf32, #tpu.memory_space<vmem>>[vector<16xi32>, vector<16xi32>, vector<16xi32>], vector<16xf32>,
          %mul3A_665 = arith.mulf %gather3A_657, %select_n3A_102 : vector<16xf32>
          tpu.vector_store_idx %arg10[%shift_right_arithmetic3A_652, %and3A_655, %add3A_6], %mul3A_665 : memref<8x8x128xf32, #tpu.memory_space<vmem>>[vector<16xi32>, vector<16xi32>, vector<16xi32>], vector<16xf32>,
          %mul3A_666 = arith.mulf %gather3A_658, %select_n3A_113 : vector<16xf32>
          tpu.vector_store_idx %arg10[%shift_right_arithmetic3A_652, %and3A_655, %add3A_9], %mul3A_666 : memref<8x8x128xf32, #tpu.memory_space<vmem>>[vector<16xi32>, vector<16xi32>, vector<16xi32>], vector<16xf32>,
          %mul3A_667 = arith.mulf %gather3A_659, %select_n3A_124 : vector<16xf32>
          tpu.vector_store_idx %arg10[%shift_right_arithmetic3A_652, %and3A_655, %add3A_12], %mul3A_667 : memref<8x8x128xf32, #tpu.memory_space<vmem>>[vector<16xi32>, vector<16xi32>, vector<16xi32>], vector<16xf32>,
          %mul3A_668 = arith.mulf %gather3A_660, %select_n3A_135 : vector<16xf32>
          tpu.vector_store_idx %arg10[%shift_right_arithmetic3A_652, %and3A_655, %add3A_15], %mul3A_668 : memref<8x8x128xf32, #tpu.memory_space<vmem>>[vector<16xi32>, vector<16xi32>, vector<16xi32>], vector<16xf32>,
          %mul3A_669 = arith.mulf %gather3A_661, %select_n3A_146 : vector<16xf32>
          tpu.vector_store_idx %arg10[%shift_right_arithmetic3A_652, %and3A_655, %add3A_18], %mul3A_669 : memref<8x8x128xf32, #tpu.memory_space<vmem>>[vector<16xi32>, vector<16xi32>, vector<16xi32>], vector<16xf32>,
          %mul3A_670 = arith.mulf %gather3A_662, %select_n3A_157 : vector<16xf32>
          tpu.vector_store_idx %arg10[%shift_right_arithmetic3A_652, %and3A_655, %add3A_21], %mul3A_670 : memref<8x8x128xf32, #tpu.memory_space<vmem>>[vector<16xi32>, vector<16xi32>, vector<16xi32>], vector<16xf32>,
          %mul3A_671 = arith.mulf %gather3A_663, %select_n3A_168 : vector<16xf32>
          tpu.vector_store_idx %arg10[%shift_right_arithmetic3A_652, %and3A_655, %add3A_24], %mul3A_671 : memref<8x8x128xf32, #tpu.memory_space<vmem>>[vector<16xi32>, vector<16xi32>, vector<16xi32>], vector<16xf32>,
        }
        %scan3A_180 = arith.constant 16 : i32
        %dma_start3A_181 = arith.constant 0 : i32
        %dma_start3A_182 = arith.constant 0 : i32
        %dma_start3A_183 = arith.constant 0 : i32
        %dma_start3A_184 = tpu.memref_slice %arg4[%add3A_76, %dma_start3A_181, %add3A_34, %dma_start3A_182, %dma_start3A_183] : memref<200x8x128x8x128xf32, #tpu.memory_space<hbm>> -> memref<1x8x1x8x128xf32, #tpu.memory_space<hbm>>
        %dma_start3A_185 = tpu.memref_squeeze %dma_start3A_184 : memref<1x8x1x8x128xf32, #tpu.memory_space<hbm>> -> memref<8x8x128xf32, #tpu.memory_space<hbm>>
        %dma_start3A_186 = arith.constant 0 : i32
        %dma_start3A_187 = arith.constant 0 : i32
        %dma_start3A_188 = arith.constant 0 : i32
        %dma_start3A_189 = tpu.memref_slice %arg4[%add3A_76, %dma_start3A_186, %add3A_34, %dma_start3A_187, %dma_start3A_188] : memref<200x8x128x8x128xf32, #tpu.memory_space<hbm>> -> memref<1x8x1x8x128xf32, #tpu.memory_space<hbm>>
        %dma_start3A_190 = tpu.memref_squeeze %dma_start3A_189 : memref<1x8x1x8x128xf32, #tpu.memory_space<hbm>> -> memref<8x8x128xf32, #tpu.memory_space<hbm>>
        tpu.enqueue_dma source(%arg10 : memref<8x8x128xf32, #tpu.memory_space<vmem>>) target(%dma_start3A_190 : memref<8x8x128xf32, #tpu.memory_space<hbm>>) target_semaphore(%arg16 : memref<!tpu.dma_semaphore, #tpu.memory_space<semaphore_mem>>)
        %mul3A_191 = arith.constant 4 : i32
        %mul3A_192 = arith.muli %mul3A_191, %scan3A_72 : i32
        %add3A_193 = arith.constant 1 : i32
        %add3A_194 = arith.addi %mul3A_192, %add3A_193 : i32
        %ge3A_195 = arith.constant 2 : i32
        %ge3A_196 = arith.cmpi sge, %add3A_194, %ge3A_195 : i32
        %convert_element_type3A_197 = arith.extui %ge3A_196 : i1 to i32
        %cond3A_198 = arith.constant 0 : i32
        %cond3A_199 = arith.cmpi ne, %convert_element_type3A_197, %cond3A_198 : i32
        scf.if %cond3A_199 {
          %dma_wait3A_569 = arith.constant 0 : i32
          %dma_wait3A_570 = arith.constant 0 : i32
          %dma_wait3A_571 = tpu.memref_slice %arg2[%dma_wait3A_569, %dma_wait3A_570] : memref<100000x64xf32, #tpu.memory_space<hbm>> -> memref<128x64xf32, #tpu.memory_space<hbm>>
          %dma_wait3A_572 = arith.constant 0 : i32
          %dma_wait3A_573 = arith.constant 0 : i32
          %dma_wait3A_574 = tpu.memref_slice %arg2[%dma_wait3A_572, %dma_wait3A_573] : memref<100000x64xf32, #tpu.memory_space<hbm>> -> memref<128x64xf32, #tpu.memory_space<hbm>>
          tpu.wait_dma2 semaphore(%arg17 : memref<!tpu.dma_semaphore, #tpu.memory_space<semaphore_mem>>) src(%dma_wait3A_574 : memref<128x64xf32, #tpu.memory_space<hbm>>) dst(%arg7 : memref<128x64xf32, #tpu.memory_space<vmem>>)
        } else {
        }
        %add3A_200 = arith.constant 3 : i32
        %add3A_201 = arith.addi %add3A_194, %add3A_200 : i32
        %lt3A_202 = arith.constant 200 : i32
        %lt3A_203 = arith.cmpi slt, %add3A_201, %lt3A_202 : i32
        %convert_element_type3A_204 = arith.extui %lt3A_203 : i1 to i32
        %cond3A_205 = arith.constant 0 : i32
        %cond3A_206 = arith.cmpi ne, %convert_element_type3A_204, %cond3A_205 : i32
        scf.if %cond3A_206 {
          %add3A_569 = arith.constant 3 : i32
          %add3A_570 = arith.addi %add3A_194, %add3A_569 : i32
          %dma_start3A_571 = arith.constant 0 : i32
          %dma_start3A_572 = tpu.memref_slice %arg5[%add3A_570, %dma_start3A_571] : memref<200x128xi32, #tpu.memory_space<vmem>> -> memref<1x128xi32, #tpu.memory_space<vmem>>
          %dma_start3A_573 = tpu.memref_squeeze %dma_start3A_572 : memref<1x128xi32, #tpu.memory_space<vmem>> -> memref<128xi32, #tpu.memory_space<vmem>>
          %dma_start3A_574 = arith.constant 0 : i32
          %dma_start3A_575 = arith.constant 0 : i32
          %dma_start3A_576 = tpu.memref_slice %arg2[%dma_start3A_574, %dma_start3A_575] : memref<100000x64xf32, #tpu.memory_space<hbm>> -> memref<100000x64xf32, #tpu.memory_space<hbm>>
          tpu.enqueue_indirect_dma source(%dma_start3A_576 : memref<100000x64xf32, #tpu.memory_space<hbm>>) target(%arg6 : memref<128x64xf32, #tpu.memory_space<vmem>>) offsets(%dma_start3A_573 : memref<128xi32, #tpu.memory_space<vmem>>) semaphore(%arg12 : memref<!tpu.dma_semaphore, #tpu.memory_space<semaphore_mem>>)
        } else {
        }
        %get3A_207 = arith.index_cast %add3A_194 : i32 to index
        %get3A_208 = arith.constant 0 : index
        %get3A_209 = tpu.vector_load %arg5[%get3A_207, %get3A_208] {strides = array<i32>} : memref<200x128xi32, #tpu.memory_space<vmem>>, vector<16xi32>,
        %eq3A_210 = arith.constant 0 : i32
        %eq3A_211 = vector.broadcast %eq3A_210 : i32 to vector<16xi32>
        %eq3A_212 = arith.cmpi eq, %get3A_209, %eq3A_211 : vector<16xi32>
        %jit3A_213 = arith.constant 0.000000e+00 : f32
        %jit3A_214 = arith.constant 8.000000e+00 : f32
        %broadcast_in_dim3A_215 = vector.broadcast %jit3A_213 : f32 to vector<16xf32>
        %broadcast_in_dim3A_216 = vector.broadcast %jit3A_214 : f32 to vector<16xf32>
        %select_n3A_217 = arith.select %eq3A_212, %broadcast_in_dim3A_215, %broadcast_in_dim3A_216 : vector<16xi1>, vector<16xf32>
        %get3A_218 = arith.index_cast %add3A_194 : i32 to index
        %get3A_219 = arith.constant 16 : index
        %get3A_220 = tpu.vector_load %arg5[%get3A_218, %get3A_219] {strides = array<i32>} : memref<200x128xi32, #tpu.memory_space<vmem>>, vector<16xi32>,
        %eq3A_221 = arith.constant 0 : i32
        %eq3A_222 = vector.broadcast %eq3A_221 : i32 to vector<16xi32>
        %eq3A_223 = arith.cmpi eq, %get3A_220, %eq3A_222 : vector<16xi32>
        %jit3A_224 = arith.constant 0.000000e+00 : f32
        %jit3A_225 = arith.constant 8.000000e+00 : f32
        %broadcast_in_dim3A_226 = vector.broadcast %jit3A_224 : f32 to vector<16xf32>
        %broadcast_in_dim3A_227 = vector.broadcast %jit3A_225 : f32 to vector<16xf32>
        %select_n3A_228 = arith.select %eq3A_223, %broadcast_in_dim3A_226, %broadcast_in_dim3A_227 : vector<16xi1>, vector<16xf32>
        %get3A_229 = arith.index_cast %add3A_194 : i32 to index
        %get3A_230 = arith.constant 32 : index
        %get3A_231 = tpu.vector_load %arg5[%get3A_229, %get3A_230] {strides = array<i32>} : memref<200x128xi32, #tpu.memory_space<vmem>>, vector<16xi32>,
        %eq3A_232 = arith.constant 0 : i32
        %eq3A_233 = vector.broadcast %eq3A_232 : i32 to vector<16xi32>
        %eq3A_234 = arith.cmpi eq, %get3A_231, %eq3A_233 : vector<16xi32>
        %jit3A_235 = arith.constant 0.000000e+00 : f32
        %jit3A_236 = arith.constant 8.000000e+00 : f32
        %broadcast_in_dim3A_237 = vector.broadcast %jit3A_235 : f32 to vector<16xf32>
        %broadcast_in_dim3A_238 = vector.broadcast %jit3A_236 : f32 to vector<16xf32>
        %select_n3A_239 = arith.select %eq3A_234, %broadcast_in_dim3A_237, %broadcast_in_dim3A_238 : vector<16xi1>, vector<16xf32>
        %get3A_240 = arith.index_cast %add3A_194 : i32 to index
        %get3A_241 = arith.constant 48 : index
        %get3A_242 = tpu.vector_load %arg5[%get3A_240, %get3A_241] {strides = array<i32>} : memref<200x128xi32, #tpu.memory_space<vmem>>, vector<16xi32>,
        %eq3A_243 = arith.constant 0 : i32
        %eq3A_244 = vector.broadcast %eq3A_243 : i32 to vector<16xi32>
        %eq3A_245 = arith.cmpi eq, %get3A_242, %eq3A_244 : vector<16xi32>
        %jit3A_246 = arith.constant 0.000000e+00 : f32
        %jit3A_247 = arith.constant 8.000000e+00 : f32
        %broadcast_in_dim3A_248 = vector.broadcast %jit3A_246 : f32 to vector<16xf32>
        %broadcast_in_dim3A_249 = vector.broadcast %jit3A_247 : f32 to vector<16xf32>
        %select_n3A_250 = arith.select %eq3A_245, %broadcast_in_dim3A_248, %broadcast_in_dim3A_249 : vector<16xi1>, vector<16xf32>
        %get3A_251 = arith.index_cast %add3A_194 : i32 to index
        %get3A_252 = arith.constant 64 : index
        %get3A_253 = tpu.vector_load %arg5[%get3A_251, %get3A_252] {strides = array<i32>} : memref<200x128xi32, #tpu.memory_space<vmem>>, vector<16xi32>,
        %eq3A_254 = arith.constant 0 : i32
        %eq3A_255 = vector.broadcast %eq3A_254 : i32 to vector<16xi32>
        %eq3A_256 = arith.cmpi eq, %get3A_253, %eq3A_255 : vector<16xi32>
        %jit3A_257 = arith.constant 0.000000e+00 : f32
        %jit3A_258 = arith.constant 8.000000e+00 : f32
        %broadcast_in_dim3A_259 = vector.broadcast %jit3A_257 : f32 to vector<16xf32>
        %broadcast_in_dim3A_260 = vector.broadcast %jit3A_258 : f32 to vector<16xf32>
        %select_n3A_261 = arith.select %eq3A_256, %broadcast_in_dim3A_259, %broadcast_in_dim3A_260 : vector<16xi1>, vector<16xf32>
        %get3A_262 = arith.index_cast %add3A_194 : i32 to index
        %get3A_263 = arith.constant 80 : index
        %get3A_264 = tpu.vector_load %arg5[%get3A_262, %get3A_263] {strides = array<i32>} : memref<200x128xi32, #tpu.memory_space<vmem>>, vector<16xi32>,
        %eq3A_265 = arith.constant 0 : i32
        %eq3A_266 = vector.broadcast %eq3A_265 : i32 to vector<16xi32>
        %eq3A_267 = arith.cmpi eq, %get3A_264, %eq3A_266 : vector<16xi32>
        %jit3A_268 = arith.constant 0.000000e+00 : f32
        %jit3A_269 = arith.constant 8.000000e+00 : f32
        %broadcast_in_dim3A_270 = vector.broadcast %jit3A_268 : f32 to vector<16xf32>
        %broadcast_in_dim3A_271 = vector.broadcast %jit3A_269 : f32 to vector<16xf32>
        %select_n3A_272 = arith.select %eq3A_267, %broadcast_in_dim3A_270, %broadcast_in_dim3A_271 : vector<16xi1>, vector<16xf32>
        %get3A_273 = arith.index_cast %add3A_194 : i32 to index
        %get3A_274 = arith.constant 96 : index
        %get3A_275 = tpu.vector_load %arg5[%get3A_273, %get3A_274] {strides = array<i32>} : memref<200x128xi32, #tpu.memory_space<vmem>>, vector<16xi32>,
        %eq3A_276 = arith.constant 0 : i32
        %eq3A_277 = vector.broadcast %eq3A_276 : i32 to vector<16xi32>
        %eq3A_278 = arith.cmpi eq, %get3A_275, %eq3A_277 : vector<16xi32>
        %jit3A_279 = arith.constant 0.000000e+00 : f32
        %jit3A_280 = arith.constant 8.000000e+00 : f32
        %broadcast_in_dim3A_281 = vector.broadcast %jit3A_279 : f32 to vector<16xf32>
        %broadcast_in_dim3A_282 = vector.broadcast %jit3A_280 : f32 to vector<16xf32>
        %select_n3A_283 = arith.select %eq3A_278, %broadcast_in_dim3A_281, %broadcast_in_dim3A_282 : vector<16xi1>, vector<16xf32>
        %get3A_284 = arith.index_cast %add3A_194 : i32 to index
        %get3A_285 = arith.constant 112 : index
        %get3A_286 = tpu.vector_load %arg5[%get3A_284, %get3A_285] {strides = array<i32>} : memref<200x128xi32, #tpu.memory_space<vmem>>, vector<16xi32>,
        %eq3A_287 = arith.constant 0 : i32
        %eq3A_288 = vector.broadcast %eq3A_287 : i32 to vector<16xi32>
        %eq3A_289 = arith.cmpi eq, %get3A_286, %eq3A_288 : vector<16xi32>
        %jit3A_290 = arith.constant 0.000000e+00 : f32
        %jit3A_291 = arith.constant 8.000000e+00 : f32
        %broadcast_in_dim3A_292 = vector.broadcast %jit3A_290 : f32 to vector<16xf32>
        %broadcast_in_dim3A_293 = vector.broadcast %jit3A_291 : f32 to vector<16xf32>
        %select_n3A_294 = arith.select %eq3A_289, %broadcast_in_dim3A_292, %broadcast_in_dim3A_293 : vector<16xi1>, vector<16xf32>
        %dma_wait3A_295 = arith.constant 0 : i32
        %dma_wait3A_296 = tpu.memref_slice %arg5[%add3A_194, %dma_wait3A_295] : memref<200x128xi32, #tpu.memory_space<vmem>> -> memref<1x128xi32, #tpu.memory_space<vmem>>
        %dma_wait3A_297 = tpu.memref_squeeze %dma_wait3A_296 : memref<1x128xi32, #tpu.memory_space<vmem>> -> memref<128xi32, #tpu.memory_space<vmem>>
        %dma_wait3A_298 = arith.constant 0 : i32
        %dma_wait3A_299 = arith.constant 0 : i32
        %dma_wait3A_300 = tpu.memref_slice %arg2[%dma_wait3A_298, %dma_wait3A_299] : memref<100000x64xf32, #tpu.memory_space<hbm>> -> memref<100000x64xf32, #tpu.memory_space<hbm>>
        tpu.wait_indirect_dma semaphore(%arg13 : memref<!tpu.dma_semaphore, #tpu.memory_space<semaphore_mem>>) src(%dma_wait3A_300 : memref<100000x64xf32, #tpu.memory_space<hbm>>) dst(%arg7 : memref<128x64xf32, #tpu.memory_space<vmem>>)
        %scan3A_301 = arith.constant 0 : i32
        %scan3A_302 = arith.constant 0 : i32
        %scan3A_303 = arith.constant 16 : i32
        %scan3A_304 = arith.addi %scan3A_302, %scan3A_303 : i32
        %scan3A_305 = arith.constant 1 : i32
        scf.for %scan3A_569 = %scan3A_302 to %scan3A_304 step %scan3A_305  : i32 {
          %add3A_570 = vector.broadcast %scan3A_569 : i32 to vector<16xi32>
          %add3A_571 = arith.addi %iota3A, %add3A_570 : vector<16xi32>
          %and3A = arith.constant 15 : i32
          %and3A_572 = vector.broadcast %and3A : i32 to vector<16xi32>
          %and3A_573 = arith.andi %add3A_571, %and3A_572 : vector<16xi32>
          %add3A_574 = arith.constant 0 : i32
          %add3A_575 = vector.broadcast %add3A_574 : i32 to vector<16xi32>
          %add3A_576 = arith.addi %and3A_573, %add3A_575 : vector<16xi32>
          %shift_right_arithmetic3A = arith.constant 3 : i32
          %shift_right_arithmetic3A_577 = vector.broadcast %shift_right_arithmetic3A : i32 to vector<16xi32>
          %shift_right_arithmetic3A_578 = arith.shrsi %add3A_576, %shift_right_arithmetic3A_577 : vector<16xi32>
          %and3A_579 = arith.constant 7 : i32
          %and3A_580 = vector.broadcast %and3A_579 : i32 to vector<16xi32>
          %and3A_581 = arith.andi %add3A_576, %and3A_580 : vector<16xi32>
          %gather3A = tpu.vector_load_idx %arg7[%add3A_3, %add3A_576] : memref<128x64xf32, #tpu.memory_space<vmem>>[vector<16xi32>, vector<16xi32>], vector<16xf32>,
          %gather3A_582 = tpu.vector_load_idx %arg7[%add3A_6, %add3A_576] : memref<128x64xf32, #tpu.memory_space<vmem>>[vector<16xi32>, vector<16xi32>], vector<16xf32>,
          %gather3A_583 = tpu.vector_load_idx %arg7[%add3A_9, %add3A_576] : memref<128x64xf32, #tpu.memory_space<vmem>>[vector<16xi32>, vector<16xi32>], vector<16xf32>,
          %gather3A_584 = tpu.vector_load_idx %arg7[%add3A_12, %add3A_576] : memref<128x64xf32, #tpu.memory_space<vmem>>[vector<16xi32>, vector<16xi32>], vector<16xf32>,
          %gather3A_585 = tpu.vector_load_idx %arg7[%add3A_15, %add3A_576] : memref<128x64xf32, #tpu.memory_space<vmem>>[vector<16xi32>, vector<16xi32>], vector<16xf32>,
          %gather3A_586 = tpu.vector_load_idx %arg7[%add3A_18, %add3A_576] : memref<128x64xf32, #tpu.memory_space<vmem>>[vector<16xi32>, vector<16xi32>], vector<16xf32>,
          %gather3A_587 = tpu.vector_load_idx %arg7[%add3A_21, %add3A_576] : memref<128x64xf32, #tpu.memory_space<vmem>>[vector<16xi32>, vector<16xi32>], vector<16xf32>,
          %gather3A_588 = tpu.vector_load_idx %arg7[%add3A_24, %add3A_576] : memref<128x64xf32, #tpu.memory_space<vmem>>[vector<16xi32>, vector<16xi32>], vector<16xf32>,
          %mul3A_589 = arith.mulf %gather3A, %select_n3A_217 : vector<16xf32>
          tpu.vector_store_idx %arg11[%shift_right_arithmetic3A_578, %and3A_581, %add3A_3], %mul3A_589 : memref<8x8x128xf32, #tpu.memory_space<vmem>>[vector<16xi32>, vector<16xi32>, vector<16xi32>], vector<16xf32>,
          %mul3A_590 = arith.mulf %gather3A_582, %select_n3A_228 : vector<16xf32>
          tpu.vector_store_idx %arg11[%shift_right_arithmetic3A_578, %and3A_581, %add3A_6], %mul3A_590 : memref<8x8x128xf32, #tpu.memory_space<vmem>>[vector<16xi32>, vector<16xi32>, vector<16xi32>], vector<16xf32>,
          %mul3A_591 = arith.mulf %gather3A_583, %select_n3A_239 : vector<16xf32>
          tpu.vector_store_idx %arg11[%shift_right_arithmetic3A_578, %and3A_581, %add3A_9], %mul3A_591 : memref<8x8x128xf32, #tpu.memory_space<vmem>>[vector<16xi32>, vector<16xi32>, vector<16xi32>], vector<16xf32>,
          %mul3A_592 = arith.mulf %gather3A_584, %select_n3A_250 : vector<16xf32>
          tpu.vector_store_idx %arg11[%shift_right_arithmetic3A_578, %and3A_581, %add3A_12], %mul3A_592 : memref<8x8x128xf32, #tpu.memory_space<vmem>>[vector<16xi32>, vector<16xi32>, vector<16xi32>], vector<16xf32>,
          %mul3A_593 = arith.mulf %gather3A_585, %select_n3A_261 : vector<16xf32>
          tpu.vector_store_idx %arg11[%shift_right_arithmetic3A_578, %and3A_581, %add3A_15], %mul3A_593 : memref<8x8x128xf32, #tpu.memory_space<vmem>>[vector<16xi32>, vector<16xi32>, vector<16xi32>], vector<16xf32>,
          %mul3A_594 = arith.mulf %gather3A_586, %select_n3A_272 : vector<16xf32>
          tpu.vector_store_idx %arg11[%shift_right_arithmetic3A_578, %and3A_581, %add3A_18], %mul3A_594 : memref<8x8x128xf32, #tpu.memory_space<vmem>>[vector<16xi32>, vector<16xi32>, vector<16xi32>], vector<16xf32>,
          %mul3A_595 = arith.mulf %gather3A_587, %select_n3A_283 : vector<16xf32>
          tpu.vector_store_idx %arg11[%shift_right_arithmetic3A_578, %and3A_581, %add3A_21], %mul3A_595 : memref<8x8x128xf32, #tpu.memory_space<vmem>>[vector<16xi32>, vector<16xi32>, vector<16xi32>], vector<16xf32>,
          %mul3A_596 = arith.mulf %gather3A_588, %select_n3A_294 : vector<16xf32>
          tpu.vector_store_idx %arg11[%shift_right_arithmetic3A_578, %and3A_581, %add3A_24], %mul3A_596 : memref<8x8x128xf32, #tpu.memory_space<vmem>>[vector<16xi32>, vector<16xi32>, vector<16xi32>], vector<16xf32>,
          %add3A_597 = arith.constant 16 : i32
          %add3A_598 = vector.broadcast %add3A_597 : i32 to vector<16xi32>
          %add3A_599 = arith.addi %and3A_573, %add3A_598 : vector<16xi32>
          %shift_right_arithmetic3A_600 = arith.constant 3 : i32
          %shift_right_arithmetic3A_601 = vector.broadcast %shift_right_arithmetic3A_600 : i32 to vector<16xi32>
          %shift_right_arithmetic3A_602 = arith.shrsi %add3A_599, %shift_right_arithmetic3A_601 : vector<16xi32>
          %and3A_603 = arith.constant 7 : i32
          %and3A_604 = vector.broadcast %and3A_603 : i32 to vector<16xi32>
          %and3A_605 = arith.andi %add3A_599, %and3A_604 : vector<16xi32>
          %gather3A_606 = tpu.vector_load_idx %arg7[%add3A_3, %add3A_599] : memref<128x64xf32, #tpu.memory_space<vmem>>[vector<16xi32>, vector<16xi32>], vector<16xf32>,
          %gather3A_607 = tpu.vector_load_idx %arg7[%add3A_6, %add3A_599] : memref<128x64xf32, #tpu.memory_space<vmem>>[vector<16xi32>, vector<16xi32>], vector<16xf32>,
          %gather3A_608 = tpu.vector_load_idx %arg7[%add3A_9, %add3A_599] : memref<128x64xf32, #tpu.memory_space<vmem>>[vector<16xi32>, vector<16xi32>], vector<16xf32>,
          %gather3A_609 = tpu.vector_load_idx %arg7[%add3A_12, %add3A_599] : memref<128x64xf32, #tpu.memory_space<vmem>>[vector<16xi32>, vector<16xi32>], vector<16xf32>,
          %gather3A_610 = tpu.vector_load_idx %arg7[%add3A_15, %add3A_599] : memref<128x64xf32, #tpu.memory_space<vmem>>[vector<16xi32>, vector<16xi32>], vector<16xf32>,
          %gather3A_611 = tpu.vector_load_idx %arg7[%add3A_18, %add3A_599] : memref<128x64xf32, #tpu.memory_space<vmem>>[vector<16xi32>, vector<16xi32>], vector<16xf32>,
          %gather3A_612 = tpu.vector_load_idx %arg7[%add3A_21, %add3A_599] : memref<128x64xf32, #tpu.memory_space<vmem>>[vector<16xi32>, vector<16xi32>], vector<16xf32>,
          %gather3A_613 = tpu.vector_load_idx %arg7[%add3A_24, %add3A_599] : memref<128x64xf32, #tpu.memory_space<vmem>>[vector<16xi32>, vector<16xi32>], vector<16xf32>,
          %mul3A_614 = arith.mulf %gather3A_606, %select_n3A_217 : vector<16xf32>
          tpu.vector_store_idx %arg11[%shift_right_arithmetic3A_602, %and3A_605, %add3A_3], %mul3A_614 : memref<8x8x128xf32, #tpu.memory_space<vmem>>[vector<16xi32>, vector<16xi32>, vector<16xi32>], vector<16xf32>,
          %mul3A_615 = arith.mulf %gather3A_607, %select_n3A_228 : vector<16xf32>
          tpu.vector_store_idx %arg11[%shift_right_arithmetic3A_602, %and3A_605, %add3A_6], %mul3A_615 : memref<8x8x128xf32, #tpu.memory_space<vmem>>[vector<16xi32>, vector<16xi32>, vector<16xi32>], vector<16xf32>,
          %mul3A_616 = arith.mulf %gather3A_608, %select_n3A_239 : vector<16xf32>
          tpu.vector_store_idx %arg11[%shift_right_arithmetic3A_602, %and3A_605, %add3A_9], %mul3A_616 : memref<8x8x128xf32, #tpu.memory_space<vmem>>[vector<16xi32>, vector<16xi32>, vector<16xi32>], vector<16xf32>,
          %mul3A_617 = arith.mulf %gather3A_609, %select_n3A_250 : vector<16xf32>
          tpu.vector_store_idx %arg11[%shift_right_arithmetic3A_602, %and3A_605, %add3A_12], %mul3A_617 : memref<8x8x128xf32, #tpu.memory_space<vmem>>[vector<16xi32>, vector<16xi32>, vector<16xi32>], vector<16xf32>,
          %mul3A_618 = arith.mulf %gather3A_610, %select_n3A_261 : vector<16xf32>
          tpu.vector_store_idx %arg11[%shift_right_arithmetic3A_602, %and3A_605, %add3A_15], %mul3A_618 : memref<8x8x128xf32, #tpu.memory_space<vmem>>[vector<16xi32>, vector<16xi32>, vector<16xi32>], vector<16xf32>,
          %mul3A_619 = arith.mulf %gather3A_611, %select_n3A_272 : vector<16xf32>
          tpu.vector_store_idx %arg11[%shift_right_arithmetic3A_602, %and3A_605, %add3A_18], %mul3A_619 : memref<8x8x128xf32, #tpu.memory_space<vmem>>[vector<16xi32>, vector<16xi32>, vector<16xi32>], vector<16xf32>,
          %mul3A_620 = arith.mulf %gather3A_612, %select_n3A_283 : vector<16xf32>
          tpu.vector_store_idx %arg11[%shift_right_arithmetic3A_602, %and3A_605, %add3A_21], %mul3A_620 : memref<8x8x128xf32, #tpu.memory_space<vmem>>[vector<16xi32>, vector<16xi32>, vector<16xi32>], vector<16xf32>,
          %mul3A_621 = arith.mulf %gather3A_613, %select_n3A_294 : vector<16xf32>
          tpu.vector_store_idx %arg11[%shift_right_arithmetic3A_602, %and3A_605, %add3A_24], %mul3A_621 : memref<8x8x128xf32, #tpu.memory_space<vmem>>[vector<16xi32>, vector<16xi32>, vector<16xi32>], vector<16xf32>,
          %add3A_622 = arith.constant 32 : i32
          %add3A_623 = vector.broadcast %add3A_622 : i32 to vector<16xi32>
          %add3A_624 = arith.addi %and3A_573, %add3A_623 : vector<16xi32>
          %shift_right_arithmetic3A_625 = arith.constant 3 : i32
          %shift_right_arithmetic3A_626 = vector.broadcast %shift_right_arithmetic3A_625 : i32 to vector<16xi32>
          %shift_right_arithmetic3A_627 = arith.shrsi %add3A_624, %shift_right_arithmetic3A_626 : vector<16xi32>
          %and3A_628 = arith.constant 7 : i32
          %and3A_629 = vector.broadcast %and3A_628 : i32 to vector<16xi32>
          %and3A_630 = arith.andi %add3A_624, %and3A_629 : vector<16xi32>
          %gather3A_631 = tpu.vector_load_idx %arg7[%add3A_3, %add3A_624] : memref<128x64xf32, #tpu.memory_space<vmem>>[vector<16xi32>, vector<16xi32>], vector<16xf32>,
          %gather3A_632 = tpu.vector_load_idx %arg7[%add3A_6, %add3A_624] : memref<128x64xf32, #tpu.memory_space<vmem>>[vector<16xi32>, vector<16xi32>], vector<16xf32>,
          %gather3A_633 = tpu.vector_load_idx %arg7[%add3A_9, %add3A_624] : memref<128x64xf32, #tpu.memory_space<vmem>>[vector<16xi32>, vector<16xi32>], vector<16xf32>,
          %gather3A_634 = tpu.vector_load_idx %arg7[%add3A_12, %add3A_624] : memref<128x64xf32, #tpu.memory_space<vmem>>[vector<16xi32>, vector<16xi32>], vector<16xf32>,
          %gather3A_635 = tpu.vector_load_idx %arg7[%add3A_15, %add3A_624] : memref<128x64xf32, #tpu.memory_space<vmem>>[vector<16xi32>, vector<16xi32>], vector<16xf32>,
          %gather3A_636 = tpu.vector_load_idx %arg7[%add3A_18, %add3A_624] : memref<128x64xf32, #tpu.memory_space<vmem>>[vector<16xi32>, vector<16xi32>], vector<16xf32>,
          %gather3A_637 = tpu.vector_load_idx %arg7[%add3A_21, %add3A_624] : memref<128x64xf32, #tpu.memory_space<vmem>>[vector<16xi32>, vector<16xi32>], vector<16xf32>,
          %gather3A_638 = tpu.vector_load_idx %arg7[%add3A_24, %add3A_624] : memref<128x64xf32, #tpu.memory_space<vmem>>[vector<16xi32>, vector<16xi32>], vector<16xf32>,
          %mul3A_639 = arith.mulf %gather3A_631, %select_n3A_217 : vector<16xf32>
          tpu.vector_store_idx %arg11[%shift_right_arithmetic3A_627, %and3A_630, %add3A_3], %mul3A_639 : memref<8x8x128xf32, #tpu.memory_space<vmem>>[vector<16xi32>, vector<16xi32>, vector<16xi32>], vector<16xf32>,
          %mul3A_640 = arith.mulf %gather3A_632, %select_n3A_228 : vector<16xf32>
          tpu.vector_store_idx %arg11[%shift_right_arithmetic3A_627, %and3A_630, %add3A_6], %mul3A_640 : memref<8x8x128xf32, #tpu.memory_space<vmem>>[vector<16xi32>, vector<16xi32>, vector<16xi32>], vector<16xf32>,
          %mul3A_641 = arith.mulf %gather3A_633, %select_n3A_239 : vector<16xf32>
          tpu.vector_store_idx %arg11[%shift_right_arithmetic3A_627, %and3A_630, %add3A_9], %mul3A_641 : memref<8x8x128xf32, #tpu.memory_space<vmem>>[vector<16xi32>, vector<16xi32>, vector<16xi32>], vector<16xf32>,
          %mul3A_642 = arith.mulf %gather3A_634, %select_n3A_250 : vector<16xf32>
          tpu.vector_store_idx %arg11[%shift_right_arithmetic3A_627, %and3A_630, %add3A_12], %mul3A_642 : memref<8x8x128xf32, #tpu.memory_space<vmem>>[vector<16xi32>, vector<16xi32>, vector<16xi32>], vector<16xf32>,
          %mul3A_643 = arith.mulf %gather3A_635, %select_n3A_261 : vector<16xf32>
          tpu.vector_store_idx %arg11[%shift_right_arithmetic3A_627, %and3A_630, %add3A_15], %mul3A_643 : memref<8x8x128xf32, #tpu.memory_space<vmem>>[vector<16xi32>, vector<16xi32>, vector<16xi32>], vector<16xf32>,
          %mul3A_644 = arith.mulf %gather3A_636, %select_n3A_272 : vector<16xf32>
          tpu.vector_store_idx %arg11[%shift_right_arithmetic3A_627, %and3A_630, %add3A_18], %mul3A_644 : memref<8x8x128xf32, #tpu.memory_space<vmem>>[vector<16xi32>, vector<16xi32>, vector<16xi32>], vector<16xf32>,
          %mul3A_645 = arith.mulf %gather3A_637, %select_n3A_283 : vector<16xf32>
          tpu.vector_store_idx %arg11[%shift_right_arithmetic3A_627, %and3A_630, %add3A_21], %mul3A_645 : memref<8x8x128xf32, #tpu.memory_space<vmem>>[vector<16xi32>, vector<16xi32>, vector<16xi32>], vector<16xf32>,
          %mul3A_646 = arith.mulf %gather3A_638, %select_n3A_294 : vector<16xf32>
          tpu.vector_store_idx %arg11[%shift_right_arithmetic3A_627, %and3A_630, %add3A_24], %mul3A_646 : memref<8x8x128xf32, #tpu.memory_space<vmem>>[vector<16xi32>, vector<16xi32>, vector<16xi32>], vector<16xf32>,
          %add3A_647 = arith.constant 48 : i32
          %add3A_648 = vector.broadcast %add3A_647 : i32 to vector<16xi32>
          %add3A_649 = arith.addi %and3A_573, %add3A_648 : vector<16xi32>
          %shift_right_arithmetic3A_650 = arith.constant 3 : i32
          %shift_right_arithmetic3A_651 = vector.broadcast %shift_right_arithmetic3A_650 : i32 to vector<16xi32>
          %shift_right_arithmetic3A_652 = arith.shrsi %add3A_649, %shift_right_arithmetic3A_651 : vector<16xi32>
          %and3A_653 = arith.constant 7 : i32
          %and3A_654 = vector.broadcast %and3A_653 : i32 to vector<16xi32>
          %and3A_655 = arith.andi %add3A_649, %and3A_654 : vector<16xi32>
          %gather3A_656 = tpu.vector_load_idx %arg7[%add3A_3, %add3A_649] : memref<128x64xf32, #tpu.memory_space<vmem>>[vector<16xi32>, vector<16xi32>], vector<16xf32>,
          %gather3A_657 = tpu.vector_load_idx %arg7[%add3A_6, %add3A_649] : memref<128x64xf32, #tpu.memory_space<vmem>>[vector<16xi32>, vector<16xi32>], vector<16xf32>,
          %gather3A_658 = tpu.vector_load_idx %arg7[%add3A_9, %add3A_649] : memref<128x64xf32, #tpu.memory_space<vmem>>[vector<16xi32>, vector<16xi32>], vector<16xf32>,
          %gather3A_659 = tpu.vector_load_idx %arg7[%add3A_12, %add3A_649] : memref<128x64xf32, #tpu.memory_space<vmem>>[vector<16xi32>, vector<16xi32>], vector<16xf32>,
          %gather3A_660 = tpu.vector_load_idx %arg7[%add3A_15, %add3A_649] : memref<128x64xf32, #tpu.memory_space<vmem>>[vector<16xi32>, vector<16xi32>], vector<16xf32>,
          %gather3A_661 = tpu.vector_load_idx %arg7[%add3A_18, %add3A_649] : memref<128x64xf32, #tpu.memory_space<vmem>>[vector<16xi32>, vector<16xi32>], vector<16xf32>,
          %gather3A_662 = tpu.vector_load_idx %arg7[%add3A_21, %add3A_649] : memref<128x64xf32, #tpu.memory_space<vmem>>[vector<16xi32>, vector<16xi32>], vector<16xf32>,
          %gather3A_663 = tpu.vector_load_idx %arg7[%add3A_24, %add3A_649] : memref<128x64xf32, #tpu.memory_space<vmem>>[vector<16xi32>, vector<16xi32>], vector<16xf32>,
          %mul3A_664 = arith.mulf %gather3A_656, %select_n3A_217 : vector<16xf32>
          tpu.vector_store_idx %arg11[%shift_right_arithmetic3A_652, %and3A_655, %add3A_3], %mul3A_664 : memref<8x8x128xf32, #tpu.memory_space<vmem>>[vector<16xi32>, vector<16xi32>, vector<16xi32>], vector<16xf32>,
          %mul3A_665 = arith.mulf %gather3A_657, %select_n3A_228 : vector<16xf32>
          tpu.vector_store_idx %arg11[%shift_right_arithmetic3A_652, %and3A_655, %add3A_6], %mul3A_665 : memref<8x8x128xf32, #tpu.memory_space<vmem>>[vector<16xi32>, vector<16xi32>, vector<16xi32>], vector<16xf32>,
          %mul3A_666 = arith.mulf %gather3A_658, %select_n3A_239 : vector<16xf32>
          tpu.vector_store_idx %arg11[%shift_right_arithmetic3A_652, %and3A_655, %add3A_9], %mul3A_666 : memref<8x8x128xf32, #tpu.memory_space<vmem>>[vector<16xi32>, vector<16xi32>, vector<16xi32>], vector<16xf32>,
          %mul3A_667 = arith.mulf %gather3A_659, %select_n3A_250 : vector<16xf32>
          tpu.vector_store_idx %arg11[%shift_right_arithmetic3A_652, %and3A_655, %add3A_12], %mul3A_667 : memref<8x8x128xf32, #tpu.memory_space<vmem>>[vector<16xi32>, vector<16xi32>, vector<16xi32>], vector<16xf32>,
          %mul3A_668 = arith.mulf %gather3A_660, %select_n3A_261 : vector<16xf32>
          tpu.vector_store_idx %arg11[%shift_right_arithmetic3A_652, %and3A_655, %add3A_15], %mul3A_668 : memref<8x8x128xf32, #tpu.memory_space<vmem>>[vector<16xi32>, vector<16xi32>, vector<16xi32>], vector<16xf32>,
          %mul3A_669 = arith.mulf %gather3A_661, %select_n3A_272 : vector<16xf32>
          tpu.vector_store_idx %arg11[%shift_right_arithmetic3A_652, %and3A_655, %add3A_18], %mul3A_669 : memref<8x8x128xf32, #tpu.memory_space<vmem>>[vector<16xi32>, vector<16xi32>, vector<16xi32>], vector<16xf32>,
          %mul3A_670 = arith.mulf %gather3A_662, %select_n3A_283 : vector<16xf32>
          tpu.vector_store_idx %arg11[%shift_right_arithmetic3A_652, %and3A_655, %add3A_21], %mul3A_670 : memref<8x8x128xf32, #tpu.memory_space<vmem>>[vector<16xi32>, vector<16xi32>, vector<16xi32>], vector<16xf32>,
          %mul3A_671 = arith.mulf %gather3A_663, %select_n3A_294 : vector<16xf32>
          tpu.vector_store_idx %arg11[%shift_right_arithmetic3A_652, %and3A_655, %add3A_24], %mul3A_671 : memref<8x8x128xf32, #tpu.memory_space<vmem>>[vector<16xi32>, vector<16xi32>, vector<16xi32>], vector<16xf32>,
        }
        %scan3A_306 = arith.constant 16 : i32
        %dma_start3A_307 = arith.constant 0 : i32
        %dma_start3A_308 = arith.constant 0 : i32
        %dma_start3A_309 = arith.constant 0 : i32
        %dma_start3A_310 = tpu.memref_slice %arg4[%add3A_194, %dma_start3A_307, %add3A_34, %dma_start3A_308, %dma_start3A_309] : memref<200x8x128x8x128xf32, #tpu.memory_space<hbm>> -> memref<1x8x1x8x128xf32, #tpu.memory_space<hbm>>
        %dma_start3A_311 = tpu.memref_squeeze %dma_start3A_310 : memref<1x8x1x8x128xf32, #tpu.memory_space<hbm>> -> memref<8x8x128xf32, #tpu.memory_space<hbm>>
        %dma_start3A_312 = arith.constant 0 : i32
        %dma_start3A_313 = arith.constant 0 : i32
        %dma_start3A_314 = arith.constant 0 : i32
        %dma_start3A_315 = tpu.memref_slice %arg4[%add3A_194, %dma_start3A_312, %add3A_34, %dma_start3A_313, %dma_start3A_314] : memref<200x8x128x8x128xf32, #tpu.memory_space<hbm>> -> memref<1x8x1x8x128xf32, #tpu.memory_space<hbm>>
        %dma_start3A_316 = tpu.memref_squeeze %dma_start3A_315 : memref<1x8x1x8x128xf32, #tpu.memory_space<hbm>> -> memref<8x8x128xf32, #tpu.memory_space<hbm>>
        tpu.enqueue_dma source(%arg11 : memref<8x8x128xf32, #tpu.memory_space<vmem>>) target(%dma_start3A_316 : memref<8x8x128xf32, #tpu.memory_space<hbm>>) target_semaphore(%arg17 : memref<!tpu.dma_semaphore, #tpu.memory_space<semaphore_mem>>)
        %mul3A_317 = arith.constant 4 : i32
        %mul3A_318 = arith.muli %mul3A_317, %scan3A_72 : i32
        %add3A_319 = arith.constant 2 : i32
        %add3A_320 = arith.addi %mul3A_318, %add3A_319 : i32
        %ge3A_321 = arith.constant 2 : i32
        %ge3A_322 = arith.cmpi sge, %add3A_320, %ge3A_321 : i32
        %convert_element_type3A_323 = arith.extui %ge3A_322 : i1 to i32
        %cond3A_324 = arith.constant 0 : i32
        %cond3A_325 = arith.cmpi ne, %convert_element_type3A_323, %cond3A_324 : i32
        scf.if %cond3A_325 {
          %dma_wait3A_569 = arith.constant 0 : i32
          %dma_wait3A_570 = arith.constant 0 : i32
          %dma_wait3A_571 = tpu.memref_slice %arg2[%dma_wait3A_569, %dma_wait3A_570] : memref<100000x64xf32, #tpu.memory_space<hbm>> -> memref<128x64xf32, #tpu.memory_space<hbm>>
          %dma_wait3A_572 = arith.constant 0 : i32
          %dma_wait3A_573 = arith.constant 0 : i32
          %dma_wait3A_574 = tpu.memref_slice %arg2[%dma_wait3A_572, %dma_wait3A_573] : memref<100000x64xf32, #tpu.memory_space<hbm>> -> memref<128x64xf32, #tpu.memory_space<hbm>>
          tpu.wait_dma2 semaphore(%arg16 : memref<!tpu.dma_semaphore, #tpu.memory_space<semaphore_mem>>) src(%dma_wait3A_574 : memref<128x64xf32, #tpu.memory_space<hbm>>) dst(%arg8 : memref<128x64xf32, #tpu.memory_space<vmem>>)
        } else {
        }
        %add3A_326 = arith.constant 3 : i32
        %add3A_327 = arith.addi %add3A_320, %add3A_326 : i32
        %lt3A_328 = arith.constant 200 : i32
        %lt3A_329 = arith.cmpi slt, %add3A_327, %lt3A_328 : i32
        %convert_element_type3A_330 = arith.extui %lt3A_329 : i1 to i32
        %cond3A_331 = arith.constant 0 : i32
        %cond3A_332 = arith.cmpi ne, %convert_element_type3A_330, %cond3A_331 : i32
        scf.if %cond3A_332 {
          %add3A_569 = arith.constant 3 : i32
          %add3A_570 = arith.addi %add3A_320, %add3A_569 : i32
          %dma_start3A_571 = arith.constant 0 : i32
          %dma_start3A_572 = tpu.memref_slice %arg5[%add3A_570, %dma_start3A_571] : memref<200x128xi32, #tpu.memory_space<vmem>> -> memref<1x128xi32, #tpu.memory_space<vmem>>
          %dma_start3A_573 = tpu.memref_squeeze %dma_start3A_572 : memref<1x128xi32, #tpu.memory_space<vmem>> -> memref<128xi32, #tpu.memory_space<vmem>>
          %dma_start3A_574 = arith.constant 0 : i32
          %dma_start3A_575 = arith.constant 0 : i32
          %dma_start3A_576 = tpu.memref_slice %arg2[%dma_start3A_574, %dma_start3A_575] : memref<100000x64xf32, #tpu.memory_space<hbm>> -> memref<100000x64xf32, #tpu.memory_space<hbm>>
          tpu.enqueue_indirect_dma source(%dma_start3A_576 : memref<100000x64xf32, #tpu.memory_space<hbm>>) target(%arg7 : memref<128x64xf32, #tpu.memory_space<vmem>>) offsets(%dma_start3A_573 : memref<128xi32, #tpu.memory_space<vmem>>) semaphore(%arg13 : memref<!tpu.dma_semaphore, #tpu.memory_space<semaphore_mem>>)
        } else {
        }
        %get3A_333 = arith.index_cast %add3A_320 : i32 to index
        %get3A_334 = arith.constant 0 : index
        %get3A_335 = tpu.vector_load %arg5[%get3A_333, %get3A_334] {strides = array<i32>} : memref<200x128xi32, #tpu.memory_space<vmem>>, vector<16xi32>,
        %eq3A_336 = arith.constant 0 : i32
        %eq3A_337 = vector.broadcast %eq3A_336 : i32 to vector<16xi32>
        %eq3A_338 = arith.cmpi eq, %get3A_335, %eq3A_337 : vector<16xi32>
        %jit3A_339 = arith.constant 0.000000e+00 : f32
        %jit3A_340 = arith.constant 8.000000e+00 : f32
        %broadcast_in_dim3A_341 = vector.broadcast %jit3A_339 : f32 to vector<16xf32>
        %broadcast_in_dim3A_342 = vector.broadcast %jit3A_340 : f32 to vector<16xf32>
        %select_n3A_343 = arith.select %eq3A_338, %broadcast_in_dim3A_341, %broadcast_in_dim3A_342 : vector<16xi1>, vector<16xf32>
        %get3A_344 = arith.index_cast %add3A_320 : i32 to index
        %get3A_345 = arith.constant 16 : index
        %get3A_346 = tpu.vector_load %arg5[%get3A_344, %get3A_345] {strides = array<i32>} : memref<200x128xi32, #tpu.memory_space<vmem>>, vector<16xi32>,
        %eq3A_347 = arith.constant 0 : i32
        %eq3A_348 = vector.broadcast %eq3A_347 : i32 to vector<16xi32>
        %eq3A_349 = arith.cmpi eq, %get3A_346, %eq3A_348 : vector<16xi32>
        %jit3A_350 = arith.constant 0.000000e+00 : f32
        %jit3A_351 = arith.constant 8.000000e+00 : f32
        %broadcast_in_dim3A_352 = vector.broadcast %jit3A_350 : f32 to vector<16xf32>
        %broadcast_in_dim3A_353 = vector.broadcast %jit3A_351 : f32 to vector<16xf32>
        %select_n3A_354 = arith.select %eq3A_349, %broadcast_in_dim3A_352, %broadcast_in_dim3A_353 : vector<16xi1>, vector<16xf32>
        %get3A_355 = arith.index_cast %add3A_320 : i32 to index
        %get3A_356 = arith.constant 32 : index
        %get3A_357 = tpu.vector_load %arg5[%get3A_355, %get3A_356] {strides = array<i32>} : memref<200x128xi32, #tpu.memory_space<vmem>>, vector<16xi32>,
        %eq3A_358 = arith.constant 0 : i32
        %eq3A_359 = vector.broadcast %eq3A_358 : i32 to vector<16xi32>
        %eq3A_360 = arith.cmpi eq, %get3A_357, %eq3A_359 : vector<16xi32>
        %jit3A_361 = arith.constant 0.000000e+00 : f32
        %jit3A_362 = arith.constant 8.000000e+00 : f32
        %broadcast_in_dim3A_363 = vector.broadcast %jit3A_361 : f32 to vector<16xf32>
        %broadcast_in_dim3A_364 = vector.broadcast %jit3A_362 : f32 to vector<16xf32>
        %select_n3A_365 = arith.select %eq3A_360, %broadcast_in_dim3A_363, %broadcast_in_dim3A_364 : vector<16xi1>, vector<16xf32>
        %get3A_366 = arith.index_cast %add3A_320 : i32 to index
        %get3A_367 = arith.constant 48 : index
        %get3A_368 = tpu.vector_load %arg5[%get3A_366, %get3A_367] {strides = array<i32>} : memref<200x128xi32, #tpu.memory_space<vmem>>, vector<16xi32>,
        %eq3A_369 = arith.constant 0 : i32
        %eq3A_370 = vector.broadcast %eq3A_369 : i32 to vector<16xi32>
        %eq3A_371 = arith.cmpi eq, %get3A_368, %eq3A_370 : vector<16xi32>
        %jit3A_372 = arith.constant 0.000000e+00 : f32
        %jit3A_373 = arith.constant 8.000000e+00 : f32
        %broadcast_in_dim3A_374 = vector.broadcast %jit3A_372 : f32 to vector<16xf32>
        %broadcast_in_dim3A_375 = vector.broadcast %jit3A_373 : f32 to vector<16xf32>
        %select_n3A_376 = arith.select %eq3A_371, %broadcast_in_dim3A_374, %broadcast_in_dim3A_375 : vector<16xi1>, vector<16xf32>
        %get3A_377 = arith.index_cast %add3A_320 : i32 to index
        %get3A_378 = arith.constant 64 : index
        %get3A_379 = tpu.vector_load %arg5[%get3A_377, %get3A_378] {strides = array<i32>} : memref<200x128xi32, #tpu.memory_space<vmem>>, vector<16xi32>,
        %eq3A_380 = arith.constant 0 : i32
        %eq3A_381 = vector.broadcast %eq3A_380 : i32 to vector<16xi32>
        %eq3A_382 = arith.cmpi eq, %get3A_379, %eq3A_381 : vector<16xi32>
        %jit3A_383 = arith.constant 0.000000e+00 : f32
        %jit3A_384 = arith.constant 8.000000e+00 : f32
        %broadcast_in_dim3A_385 = vector.broadcast %jit3A_383 : f32 to vector<16xf32>
        %broadcast_in_dim3A_386 = vector.broadcast %jit3A_384 : f32 to vector<16xf32>
        %select_n3A_387 = arith.select %eq3A_382, %broadcast_in_dim3A_385, %broadcast_in_dim3A_386 : vector<16xi1>, vector<16xf32>
        %get3A_388 = arith.index_cast %add3A_320 : i32 to index
        %get3A_389 = arith.constant 80 : index
        %get3A_390 = tpu.vector_load %arg5[%get3A_388, %get3A_389] {strides = array<i32>} : memref<200x128xi32, #tpu.memory_space<vmem>>, vector<16xi32>,
        %eq3A_391 = arith.constant 0 : i32
        %eq3A_392 = vector.broadcast %eq3A_391 : i32 to vector<16xi32>
        %eq3A_393 = arith.cmpi eq, %get3A_390, %eq3A_392 : vector<16xi32>
        %jit3A_394 = arith.constant 0.000000e+00 : f32
        %jit3A_395 = arith.constant 8.000000e+00 : f32
        %broadcast_in_dim3A_396 = vector.broadcast %jit3A_394 : f32 to vector<16xf32>
        %broadcast_in_dim3A_397 = vector.broadcast %jit3A_395 : f32 to vector<16xf32>
        %select_n3A_398 = arith.select %eq3A_393, %broadcast_in_dim3A_396, %broadcast_in_dim3A_397 : vector<16xi1>, vector<16xf32>
        %get3A_399 = arith.index_cast %add3A_320 : i32 to index
        %get3A_400 = arith.constant 96 : index
        %get3A_401 = tpu.vector_load %arg5[%get3A_399, %get3A_400] {strides = array<i32>} : memref<200x128xi32, #tpu.memory_space<vmem>>, vector<16xi32>,
        %eq3A_402 = arith.constant 0 : i32
        %eq3A_403 = vector.broadcast %eq3A_402 : i32 to vector<16xi32>
        %eq3A_404 = arith.cmpi eq, %get3A_401, %eq3A_403 : vector<16xi32>
        %jit3A_405 = arith.constant 0.000000e+00 : f32
        %jit3A_406 = arith.constant 8.000000e+00 : f32
        %broadcast_in_dim3A_407 = vector.broadcast %jit3A_405 : f32 to vector<16xf32>
        %broadcast_in_dim3A_408 = vector.broadcast %jit3A_406 : f32 to vector<16xf32>
        %select_n3A_409 = arith.select %eq3A_404, %broadcast_in_dim3A_407, %broadcast_in_dim3A_408 : vector<16xi1>, vector<16xf32>
        %get3A_410 = arith.index_cast %add3A_320 : i32 to index
        %get3A_411 = arith.constant 112 : index
        %get3A_412 = tpu.vector_load %arg5[%get3A_410, %get3A_411] {strides = array<i32>} : memref<200x128xi32, #tpu.memory_space<vmem>>, vector<16xi32>,
        %eq3A_413 = arith.constant 0 : i32
        %eq3A_414 = vector.broadcast %eq3A_413 : i32 to vector<16xi32>
        %eq3A_415 = arith.cmpi eq, %get3A_412, %eq3A_414 : vector<16xi32>
        %jit3A_416 = arith.constant 0.000000e+00 : f32
        %jit3A_417 = arith.constant 8.000000e+00 : f32
        %broadcast_in_dim3A_418 = vector.broadcast %jit3A_416 : f32 to vector<16xf32>
        %broadcast_in_dim3A_419 = vector.broadcast %jit3A_417 : f32 to vector<16xf32>
        %select_n3A_420 = arith.select %eq3A_415, %broadcast_in_dim3A_418, %broadcast_in_dim3A_419 : vector<16xi1>, vector<16xf32>
        %dma_wait3A_421 = arith.constant 0 : i32
        %dma_wait3A_422 = tpu.memref_slice %arg5[%add3A_320, %dma_wait3A_421] : memref<200x128xi32, #tpu.memory_space<vmem>> -> memref<1x128xi32, #tpu.memory_space<vmem>>
        %dma_wait3A_423 = tpu.memref_squeeze %dma_wait3A_422 : memref<1x128xi32, #tpu.memory_space<vmem>> -> memref<128xi32, #tpu.memory_space<vmem>>
        %dma_wait3A_424 = arith.constant 0 : i32
        %dma_wait3A_425 = arith.constant 0 : i32
        %dma_wait3A_426 = tpu.memref_slice %arg2[%dma_wait3A_424, %dma_wait3A_425] : memref<100000x64xf32, #tpu.memory_space<hbm>> -> memref<100000x64xf32, #tpu.memory_space<hbm>>
        tpu.wait_indirect_dma semaphore(%arg14 : memref<!tpu.dma_semaphore, #tpu.memory_space<semaphore_mem>>) src(%dma_wait3A_426 : memref<100000x64xf32, #tpu.memory_space<hbm>>) dst(%arg8 : memref<128x64xf32, #tpu.memory_space<vmem>>)
        %scan3A_427 = arith.constant 0 : i32
        %scan3A_428 = arith.constant 0 : i32
        %scan3A_429 = arith.constant 16 : i32
        %scan3A_430 = arith.addi %scan3A_428, %scan3A_429 : i32
        %scan3A_431 = arith.constant 1 : i32
        scf.for %scan3A_569 = %scan3A_428 to %scan3A_430 step %scan3A_431  : i32 {
          %add3A_570 = vector.broadcast %scan3A_569 : i32 to vector<16xi32>
          %add3A_571 = arith.addi %iota3A, %add3A_570 : vector<16xi32>
          %and3A = arith.constant 15 : i32
          %and3A_572 = vector.broadcast %and3A : i32 to vector<16xi32>
          %and3A_573 = arith.andi %add3A_571, %and3A_572 : vector<16xi32>
          %add3A_574 = arith.constant 0 : i32
          %add3A_575 = vector.broadcast %add3A_574 : i32 to vector<16xi32>
          %add3A_576 = arith.addi %and3A_573, %add3A_575 : vector<16xi32>
          %shift_right_arithmetic3A = arith.constant 3 : i32
          %shift_right_arithmetic3A_577 = vector.broadcast %shift_right_arithmetic3A : i32 to vector<16xi32>
          %shift_right_arithmetic3A_578 = arith.shrsi %add3A_576, %shift_right_arithmetic3A_577 : vector<16xi32>
          %and3A_579 = arith.constant 7 : i32
          %and3A_580 = vector.broadcast %and3A_579 : i32 to vector<16xi32>
          %and3A_581 = arith.andi %add3A_576, %and3A_580 : vector<16xi32>
          %gather3A = tpu.vector_load_idx %arg8[%add3A_3, %add3A_576] : memref<128x64xf32, #tpu.memory_space<vmem>>[vector<16xi32>, vector<16xi32>], vector<16xf32>,
          %gather3A_582 = tpu.vector_load_idx %arg8[%add3A_6, %add3A_576] : memref<128x64xf32, #tpu.memory_space<vmem>>[vector<16xi32>, vector<16xi32>], vector<16xf32>,
          %gather3A_583 = tpu.vector_load_idx %arg8[%add3A_9, %add3A_576] : memref<128x64xf32, #tpu.memory_space<vmem>>[vector<16xi32>, vector<16xi32>], vector<16xf32>,
          %gather3A_584 = tpu.vector_load_idx %arg8[%add3A_12, %add3A_576] : memref<128x64xf32, #tpu.memory_space<vmem>>[vector<16xi32>, vector<16xi32>], vector<16xf32>,
          %gather3A_585 = tpu.vector_load_idx %arg8[%add3A_15, %add3A_576] : memref<128x64xf32, #tpu.memory_space<vmem>>[vector<16xi32>, vector<16xi32>], vector<16xf32>,
          %gather3A_586 = tpu.vector_load_idx %arg8[%add3A_18, %add3A_576] : memref<128x64xf32, #tpu.memory_space<vmem>>[vector<16xi32>, vector<16xi32>], vector<16xf32>,
          %gather3A_587 = tpu.vector_load_idx %arg8[%add3A_21, %add3A_576] : memref<128x64xf32, #tpu.memory_space<vmem>>[vector<16xi32>, vector<16xi32>], vector<16xf32>,
          %gather3A_588 = tpu.vector_load_idx %arg8[%add3A_24, %add3A_576] : memref<128x64xf32, #tpu.memory_space<vmem>>[vector<16xi32>, vector<16xi32>], vector<16xf32>,
          %mul3A_589 = arith.mulf %gather3A, %select_n3A_343 : vector<16xf32>
          tpu.vector_store_idx %arg10[%shift_right_arithmetic3A_578, %and3A_581, %add3A_3], %mul3A_589 : memref<8x8x128xf32, #tpu.memory_space<vmem>>[vector<16xi32>, vector<16xi32>, vector<16xi32>], vector<16xf32>,
          %mul3A_590 = arith.mulf %gather3A_582, %select_n3A_354 : vector<16xf32>
          tpu.vector_store_idx %arg10[%shift_right_arithmetic3A_578, %and3A_581, %add3A_6], %mul3A_590 : memref<8x8x128xf32, #tpu.memory_space<vmem>>[vector<16xi32>, vector<16xi32>, vector<16xi32>], vector<16xf32>,
          %mul3A_591 = arith.mulf %gather3A_583, %select_n3A_365 : vector<16xf32>
          tpu.vector_store_idx %arg10[%shift_right_arithmetic3A_578, %and3A_581, %add3A_9], %mul3A_591 : memref<8x8x128xf32, #tpu.memory_space<vmem>>[vector<16xi32>, vector<16xi32>, vector<16xi32>], vector<16xf32>,
          %mul3A_592 = arith.mulf %gather3A_584, %select_n3A_376 : vector<16xf32>
          tpu.vector_store_idx %arg10[%shift_right_arithmetic3A_578, %and3A_581, %add3A_12], %mul3A_592 : memref<8x8x128xf32, #tpu.memory_space<vmem>>[vector<16xi32>, vector<16xi32>, vector<16xi32>], vector<16xf32>,
          %mul3A_593 = arith.mulf %gather3A_585, %select_n3A_387 : vector<16xf32>
          tpu.vector_store_idx %arg10[%shift_right_arithmetic3A_578, %and3A_581, %add3A_15], %mul3A_593 : memref<8x8x128xf32, #tpu.memory_space<vmem>>[vector<16xi32>, vector<16xi32>, vector<16xi32>], vector<16xf32>,
          %mul3A_594 = arith.mulf %gather3A_586, %select_n3A_398 : vector<16xf32>
          tpu.vector_store_idx %arg10[%shift_right_arithmetic3A_578, %and3A_581, %add3A_18], %mul3A_594 : memref<8x8x128xf32, #tpu.memory_space<vmem>>[vector<16xi32>, vector<16xi32>, vector<16xi32>], vector<16xf32>,
          %mul3A_595 = arith.mulf %gather3A_587, %select_n3A_409 : vector<16xf32>
          tpu.vector_store_idx %arg10[%shift_right_arithmetic3A_578, %and3A_581, %add3A_21], %mul3A_595 : memref<8x8x128xf32, #tpu.memory_space<vmem>>[vector<16xi32>, vector<16xi32>, vector<16xi32>], vector<16xf32>,
          %mul3A_596 = arith.mulf %gather3A_588, %select_n3A_420 : vector<16xf32>
          tpu.vector_store_idx %arg10[%shift_right_arithmetic3A_578, %and3A_581, %add3A_24], %mul3A_596 : memref<8x8x128xf32, #tpu.memory_space<vmem>>[vector<16xi32>, vector<16xi32>, vector<16xi32>], vector<16xf32>,
          %add3A_597 = arith.constant 16 : i32
          %add3A_598 = vector.broadcast %add3A_597 : i32 to vector<16xi32>
          %add3A_599 = arith.addi %and3A_573, %add3A_598 : vector<16xi32>
          %shift_right_arithmetic3A_600 = arith.constant 3 : i32
          %shift_right_arithmetic3A_601 = vector.broadcast %shift_right_arithmetic3A_600 : i32 to vector<16xi32>
          %shift_right_arithmetic3A_602 = arith.shrsi %add3A_599, %shift_right_arithmetic3A_601 : vector<16xi32>
          %and3A_603 = arith.constant 7 : i32
          %and3A_604 = vector.broadcast %and3A_603 : i32 to vector<16xi32>
          %and3A_605 = arith.andi %add3A_599, %and3A_604 : vector<16xi32>
          %gather3A_606 = tpu.vector_load_idx %arg8[%add3A_3, %add3A_599] : memref<128x64xf32, #tpu.memory_space<vmem>>[vector<16xi32>, vector<16xi32>], vector<16xf32>,
          %gather3A_607 = tpu.vector_load_idx %arg8[%add3A_6, %add3A_599] : memref<128x64xf32, #tpu.memory_space<vmem>>[vector<16xi32>, vector<16xi32>], vector<16xf32>,
          %gather3A_608 = tpu.vector_load_idx %arg8[%add3A_9, %add3A_599] : memref<128x64xf32, #tpu.memory_space<vmem>>[vector<16xi32>, vector<16xi32>], vector<16xf32>,
          %gather3A_609 = tpu.vector_load_idx %arg8[%add3A_12, %add3A_599] : memref<128x64xf32, #tpu.memory_space<vmem>>[vector<16xi32>, vector<16xi32>], vector<16xf32>,
          %gather3A_610 = tpu.vector_load_idx %arg8[%add3A_15, %add3A_599] : memref<128x64xf32, #tpu.memory_space<vmem>>[vector<16xi32>, vector<16xi32>], vector<16xf32>,
          %gather3A_611 = tpu.vector_load_idx %arg8[%add3A_18, %add3A_599] : memref<128x64xf32, #tpu.memory_space<vmem>>[vector<16xi32>, vector<16xi32>], vector<16xf32>,
          %gather3A_612 = tpu.vector_load_idx %arg8[%add3A_21, %add3A_599] : memref<128x64xf32, #tpu.memory_space<vmem>>[vector<16xi32>, vector<16xi32>], vector<16xf32>,
          %gather3A_613 = tpu.vector_load_idx %arg8[%add3A_24, %add3A_599] : memref<128x64xf32, #tpu.memory_space<vmem>>[vector<16xi32>, vector<16xi32>], vector<16xf32>,
          %mul3A_614 = arith.mulf %gather3A_606, %select_n3A_343 : vector<16xf32>
          tpu.vector_store_idx %arg10[%shift_right_arithmetic3A_602, %and3A_605, %add3A_3], %mul3A_614 : memref<8x8x128xf32, #tpu.memory_space<vmem>>[vector<16xi32>, vector<16xi32>, vector<16xi32>], vector<16xf32>,
          %mul3A_615 = arith.mulf %gather3A_607, %select_n3A_354 : vector<16xf32>
          tpu.vector_store_idx %arg10[%shift_right_arithmetic3A_602, %and3A_605, %add3A_6], %mul3A_615 : memref<8x8x128xf32, #tpu.memory_space<vmem>>[vector<16xi32>, vector<16xi32>, vector<16xi32>], vector<16xf32>,
          %mul3A_616 = arith.mulf %gather3A_608, %select_n3A_365 : vector<16xf32>
          tpu.vector_store_idx %arg10[%shift_right_arithmetic3A_602, %and3A_605, %add3A_9], %mul3A_616 : memref<8x8x128xf32, #tpu.memory_space<vmem>>[vector<16xi32>, vector<16xi32>, vector<16xi32>], vector<16xf32>,
          %mul3A_617 = arith.mulf %gather3A_609, %select_n3A_376 : vector<16xf32>
          tpu.vector_store_idx %arg10[%shift_right_arithmetic3A_602, %and3A_605, %add3A_12], %mul3A_617 : memref<8x8x128xf32, #tpu.memory_space<vmem>>[vector<16xi32>, vector<16xi32>, vector<16xi32>], vector<16xf32>,
          %mul3A_618 = arith.mulf %gather3A_610, %select_n3A_387 : vector<16xf32>
          tpu.vector_store_idx %arg10[%shift_right_arithmetic3A_602, %and3A_605, %add3A_15], %mul3A_618 : memref<8x8x128xf32, #tpu.memory_space<vmem>>[vector<16xi32>, vector<16xi32>, vector<16xi32>], vector<16xf32>,
          %mul3A_619 = arith.mulf %gather3A_611, %select_n3A_398 : vector<16xf32>
          tpu.vector_store_idx %arg10[%shift_right_arithmetic3A_602, %and3A_605, %add3A_18], %mul3A_619 : memref<8x8x128xf32, #tpu.memory_space<vmem>>[vector<16xi32>, vector<16xi32>, vector<16xi32>], vector<16xf32>,
          %mul3A_620 = arith.mulf %gather3A_612, %select_n3A_409 : vector<16xf32>
          tpu.vector_store_idx %arg10[%shift_right_arithmetic3A_602, %and3A_605, %add3A_21], %mul3A_620 : memref<8x8x128xf32, #tpu.memory_space<vmem>>[vector<16xi32>, vector<16xi32>, vector<16xi32>], vector<16xf32>,
          %mul3A_621 = arith.mulf %gather3A_613, %select_n3A_420 : vector<16xf32>
          tpu.vector_store_idx %arg10[%shift_right_arithmetic3A_602, %and3A_605, %add3A_24], %mul3A_621 : memref<8x8x128xf32, #tpu.memory_space<vmem>>[vector<16xi32>, vector<16xi32>, vector<16xi32>], vector<16xf32>,
          %add3A_622 = arith.constant 32 : i32
          %add3A_623 = vector.broadcast %add3A_622 : i32 to vector<16xi32>
          %add3A_624 = arith.addi %and3A_573, %add3A_623 : vector<16xi32>
          %shift_right_arithmetic3A_625 = arith.constant 3 : i32
          %shift_right_arithmetic3A_626 = vector.broadcast %shift_right_arithmetic3A_625 : i32 to vector<16xi32>
          %shift_right_arithmetic3A_627 = arith.shrsi %add3A_624, %shift_right_arithmetic3A_626 : vector<16xi32>
          %and3A_628 = arith.constant 7 : i32
          %and3A_629 = vector.broadcast %and3A_628 : i32 to vector<16xi32>
          %and3A_630 = arith.andi %add3A_624, %and3A_629 : vector<16xi32>
          %gather3A_631 = tpu.vector_load_idx %arg8[%add3A_3, %add3A_624] : memref<128x64xf32, #tpu.memory_space<vmem>>[vector<16xi32>, vector<16xi32>], vector<16xf32>,
          %gather3A_632 = tpu.vector_load_idx %arg8[%add3A_6, %add3A_624] : memref<128x64xf32, #tpu.memory_space<vmem>>[vector<16xi32>, vector<16xi32>], vector<16xf32>,
          %gather3A_633 = tpu.vector_load_idx %arg8[%add3A_9, %add3A_624] : memref<128x64xf32, #tpu.memory_space<vmem>>[vector<16xi32>, vector<16xi32>], vector<16xf32>,
          %gather3A_634 = tpu.vector_load_idx %arg8[%add3A_12, %add3A_624] : memref<128x64xf32, #tpu.memory_space<vmem>>[vector<16xi32>, vector<16xi32>], vector<16xf32>,
          %gather3A_635 = tpu.vector_load_idx %arg8[%add3A_15, %add3A_624] : memref<128x64xf32, #tpu.memory_space<vmem>>[vector<16xi32>, vector<16xi32>], vector<16xf32>,
          %gather3A_636 = tpu.vector_load_idx %arg8[%add3A_18, %add3A_624] : memref<128x64xf32, #tpu.memory_space<vmem>>[vector<16xi32>, vector<16xi32>], vector<16xf32>,
          %gather3A_637 = tpu.vector_load_idx %arg8[%add3A_21, %add3A_624] : memref<128x64xf32, #tpu.memory_space<vmem>>[vector<16xi32>, vector<16xi32>], vector<16xf32>,
          %gather3A_638 = tpu.vector_load_idx %arg8[%add3A_24, %add3A_624] : memref<128x64xf32, #tpu.memory_space<vmem>>[vector<16xi32>, vector<16xi32>], vector<16xf32>,
          %mul3A_639 = arith.mulf %gather3A_631, %select_n3A_343 : vector<16xf32>
          tpu.vector_store_idx %arg10[%shift_right_arithmetic3A_627, %and3A_630, %add3A_3], %mul3A_639 : memref<8x8x128xf32, #tpu.memory_space<vmem>>[vector<16xi32>, vector<16xi32>, vector<16xi32>], vector<16xf32>,
          %mul3A_640 = arith.mulf %gather3A_632, %select_n3A_354 : vector<16xf32>
          tpu.vector_store_idx %arg10[%shift_right_arithmetic3A_627, %and3A_630, %add3A_6], %mul3A_640 : memref<8x8x128xf32, #tpu.memory_space<vmem>>[vector<16xi32>, vector<16xi32>, vector<16xi32>], vector<16xf32>,
          %mul3A_641 = arith.mulf %gather3A_633, %select_n3A_365 : vector<16xf32>
          tpu.vector_store_idx %arg10[%shift_right_arithmetic3A_627, %and3A_630, %add3A_9], %mul3A_641 : memref<8x8x128xf32, #tpu.memory_space<vmem>>[vector<16xi32>, vector<16xi32>, vector<16xi32>], vector<16xf32>,
          %mul3A_642 = arith.mulf %gather3A_634, %select_n3A_376 : vector<16xf32>
          tpu.vector_store_idx %arg10[%shift_right_arithmetic3A_627, %and3A_630, %add3A_12], %mul3A_642 : memref<8x8x128xf32, #tpu.memory_space<vmem>>[vector<16xi32>, vector<16xi32>, vector<16xi32>], vector<16xf32>,
          %mul3A_643 = arith.mulf %gather3A_635, %select_n3A_387 : vector<16xf32>
          tpu.vector_store_idx %arg10[%shift_right_arithmetic3A_627, %and3A_630, %add3A_15], %mul3A_643 : memref<8x8x128xf32, #tpu.memory_space<vmem>>[vector<16xi32>, vector<16xi32>, vector<16xi32>], vector<16xf32>,
          %mul3A_644 = arith.mulf %gather3A_636, %select_n3A_398 : vector<16xf32>
          tpu.vector_store_idx %arg10[%shift_right_arithmetic3A_627, %and3A_630, %add3A_18], %mul3A_644 : memref<8x8x128xf32, #tpu.memory_space<vmem>>[vector<16xi32>, vector<16xi32>, vector<16xi32>], vector<16xf32>,
          %mul3A_645 = arith.mulf %gather3A_637, %select_n3A_409 : vector<16xf32>
          tpu.vector_store_idx %arg10[%shift_right_arithmetic3A_627, %and3A_630, %add3A_21], %mul3A_645 : memref<8x8x128xf32, #tpu.memory_space<vmem>>[vector<16xi32>, vector<16xi32>, vector<16xi32>], vector<16xf32>,
          %mul3A_646 = arith.mulf %gather3A_638, %select_n3A_420 : vector<16xf32>
          tpu.vector_store_idx %arg10[%shift_right_arithmetic3A_627, %and3A_630, %add3A_24], %mul3A_646 : memref<8x8x128xf32, #tpu.memory_space<vmem>>[vector<16xi32>, vector<16xi32>, vector<16xi32>], vector<16xf32>,
          %add3A_647 = arith.constant 48 : i32
          %add3A_648 = vector.broadcast %add3A_647 : i32 to vector<16xi32>
          %add3A_649 = arith.addi %and3A_573, %add3A_648 : vector<16xi32>
          %shift_right_arithmetic3A_650 = arith.constant 3 : i32
          %shift_right_arithmetic3A_651 = vector.broadcast %shift_right_arithmetic3A_650 : i32 to vector<16xi32>
          %shift_right_arithmetic3A_652 = arith.shrsi %add3A_649, %shift_right_arithmetic3A_651 : vector<16xi32>
          %and3A_653 = arith.constant 7 : i32
          %and3A_654 = vector.broadcast %and3A_653 : i32 to vector<16xi32>
          %and3A_655 = arith.andi %add3A_649, %and3A_654 : vector<16xi32>
          %gather3A_656 = tpu.vector_load_idx %arg8[%add3A_3, %add3A_649] : memref<128x64xf32, #tpu.memory_space<vmem>>[vector<16xi32>, vector<16xi32>], vector<16xf32>,
          %gather3A_657 = tpu.vector_load_idx %arg8[%add3A_6, %add3A_649] : memref<128x64xf32, #tpu.memory_space<vmem>>[vector<16xi32>, vector<16xi32>], vector<16xf32>,
          %gather3A_658 = tpu.vector_load_idx %arg8[%add3A_9, %add3A_649] : memref<128x64xf32, #tpu.memory_space<vmem>>[vector<16xi32>, vector<16xi32>], vector<16xf32>,
          %gather3A_659 = tpu.vector_load_idx %arg8[%add3A_12, %add3A_649] : memref<128x64xf32, #tpu.memory_space<vmem>>[vector<16xi32>, vector<16xi32>], vector<16xf32>,
          %gather3A_660 = tpu.vector_load_idx %arg8[%add3A_15, %add3A_649] : memref<128x64xf32, #tpu.memory_space<vmem>>[vector<16xi32>, vector<16xi32>], vector<16xf32>,
          %gather3A_661 = tpu.vector_load_idx %arg8[%add3A_18, %add3A_649] : memref<128x64xf32, #tpu.memory_space<vmem>>[vector<16xi32>, vector<16xi32>], vector<16xf32>,
          %gather3A_662 = tpu.vector_load_idx %arg8[%add3A_21, %add3A_649] : memref<128x64xf32, #tpu.memory_space<vmem>>[vector<16xi32>, vector<16xi32>], vector<16xf32>,
          %gather3A_663 = tpu.vector_load_idx %arg8[%add3A_24, %add3A_649] : memref<128x64xf32, #tpu.memory_space<vmem>>[vector<16xi32>, vector<16xi32>], vector<16xf32>,
          %mul3A_664 = arith.mulf %gather3A_656, %select_n3A_343 : vector<16xf32>
          tpu.vector_store_idx %arg10[%shift_right_arithmetic3A_652, %and3A_655, %add3A_3], %mul3A_664 : memref<8x8x128xf32, #tpu.memory_space<vmem>>[vector<16xi32>, vector<16xi32>, vector<16xi32>], vector<16xf32>,
          %mul3A_665 = arith.mulf %gather3A_657, %select_n3A_354 : vector<16xf32>
          tpu.vector_store_idx %arg10[%shift_right_arithmetic3A_652, %and3A_655, %add3A_6], %mul3A_665 : memref<8x8x128xf32, #tpu.memory_space<vmem>>[vector<16xi32>, vector<16xi32>, vector<16xi32>], vector<16xf32>,
          %mul3A_666 = arith.mulf %gather3A_658, %select_n3A_365 : vector<16xf32>
          tpu.vector_store_idx %arg10[%shift_right_arithmetic3A_652, %and3A_655, %add3A_9], %mul3A_666 : memref<8x8x128xf32, #tpu.memory_space<vmem>>[vector<16xi32>, vector<16xi32>, vector<16xi32>], vector<16xf32>,
          %mul3A_667 = arith.mulf %gather3A_659, %select_n3A_376 : vector<16xf32>
          tpu.vector_store_idx %arg10[%shift_right_arithmetic3A_652, %and3A_655, %add3A_12], %mul3A_667 : memref<8x8x128xf32, #tpu.memory_space<vmem>>[vector<16xi32>, vector<16xi32>, vector<16xi32>], vector<16xf32>,
          %mul3A_668 = arith.mulf %gather3A_660, %select_n3A_387 : vector<16xf32>
          tpu.vector_store_idx %arg10[%shift_right_arithmetic3A_652, %and3A_655, %add3A_15], %mul3A_668 : memref<8x8x128xf32, #tpu.memory_space<vmem>>[vector<16xi32>, vector<16xi32>, vector<16xi32>], vector<16xf32>,
          %mul3A_669 = arith.mulf %gather3A_661, %select_n3A_398 : vector<16xf32>
          tpu.vector_store_idx %arg10[%shift_right_arithmetic3A_652, %and3A_655, %add3A_18], %mul3A_669 : memref<8x8x128xf32, #tpu.memory_space<vmem>>[vector<16xi32>, vector<16xi32>, vector<16xi32>], vector<16xf32>,
          %mul3A_670 = arith.mulf %gather3A_662, %select_n3A_409 : vector<16xf32>
          tpu.vector_store_idx %arg10[%shift_right_arithmetic3A_652, %and3A_655, %add3A_21], %mul3A_670 : memref<8x8x128xf32, #tpu.memory_space<vmem>>[vector<16xi32>, vector<16xi32>, vector<16xi32>], vector<16xf32>,
          %mul3A_671 = arith.mulf %gather3A_663, %select_n3A_420 : vector<16xf32>
          tpu.vector_store_idx %arg10[%shift_right_arithmetic3A_652, %and3A_655, %add3A_24], %mul3A_671 : memref<8x8x128xf32, #tpu.memory_space<vmem>>[vector<16xi32>, vector<16xi32>, vector<16xi32>], vector<16xf32>,
        }
        %scan3A_432 = arith.constant 16 : i32
        %dma_start3A_433 = arith.constant 0 : i32
        %dma_start3A_434 = arith.constant 0 : i32
        %dma_start3A_435 = arith.constant 0 : i32
        %dma_start3A_436 = tpu.memref_slice %arg4[%add3A_320, %dma_start3A_433, %add3A_34, %dma_start3A_434, %dma_start3A_435] : memref<200x8x128x8x128xf32, #tpu.memory_space<hbm>> -> memref<1x8x1x8x128xf32, #tpu.memory_space<hbm>>
        %dma_start3A_437 = tpu.memref_squeeze %dma_start3A_436 : memref<1x8x1x8x128xf32, #tpu.memory_space<hbm>> -> memref<8x8x128xf32, #tpu.memory_space<hbm>>
        %dma_start3A_438 = arith.constant 0 : i32
        %dma_start3A_439 = arith.constant 0 : i32
        %dma_start3A_440 = arith.constant 0 : i32
        %dma_start3A_441 = tpu.memref_slice %arg4[%add3A_320, %dma_start3A_438, %add3A_34, %dma_start3A_439, %dma_start3A_440] : memref<200x8x128x8x128xf32, #tpu.memory_space<hbm>> -> memref<1x8x1x8x128xf32, #tpu.memory_space<hbm>>
        %dma_start3A_442 = tpu.memref_squeeze %dma_start3A_441 : memref<1x8x1x8x128xf32, #tpu.memory_space<hbm>> -> memref<8x8x128xf32, #tpu.memory_space<hbm>>
        tpu.enqueue_dma source(%arg10 : memref<8x8x128xf32, #tpu.memory_space<vmem>>) target(%dma_start3A_442 : memref<8x8x128xf32, #tpu.memory_space<hbm>>) target_semaphore(%arg16 : memref<!tpu.dma_semaphore, #tpu.memory_space<semaphore_mem>>)
        %mul3A_443 = arith.constant 4 : i32
        %mul3A_444 = arith.muli %mul3A_443, %scan3A_72 : i32
        %add3A_445 = arith.constant 3 : i32
        %add3A_446 = arith.addi %mul3A_444, %add3A_445 : i32
        %ge3A_447 = arith.constant 2 : i32
        %ge3A_448 = arith.cmpi sge, %add3A_446, %ge3A_447 : i32
        %convert_element_type3A_449 = arith.extui %ge3A_448 : i1 to i32
        %cond3A_450 = arith.constant 0 : i32
        %cond3A_451 = arith.cmpi ne, %convert_element_type3A_449, %cond3A_450 : i32
        scf.if %cond3A_451 {
          %dma_wait3A_569 = arith.constant 0 : i32
          %dma_wait3A_570 = arith.constant 0 : i32
          %dma_wait3A_571 = tpu.memref_slice %arg2[%dma_wait3A_569, %dma_wait3A_570] : memref<100000x64xf32, #tpu.memory_space<hbm>> -> memref<128x64xf32, #tpu.memory_space<hbm>>
          %dma_wait3A_572 = arith.constant 0 : i32
          %dma_wait3A_573 = arith.constant 0 : i32
          %dma_wait3A_574 = tpu.memref_slice %arg2[%dma_wait3A_572, %dma_wait3A_573] : memref<100000x64xf32, #tpu.memory_space<hbm>> -> memref<128x64xf32, #tpu.memory_space<hbm>>
          tpu.wait_dma2 semaphore(%arg17 : memref<!tpu.dma_semaphore, #tpu.memory_space<semaphore_mem>>) src(%dma_wait3A_574 : memref<128x64xf32, #tpu.memory_space<hbm>>) dst(%arg9 : memref<128x64xf32, #tpu.memory_space<vmem>>)
        } else {
        }
        %add3A_452 = arith.constant 3 : i32
        %add3A_453 = arith.addi %add3A_446, %add3A_452 : i32
        %lt3A_454 = arith.constant 200 : i32
        %lt3A_455 = arith.cmpi slt, %add3A_453, %lt3A_454 : i32
        %convert_element_type3A_456 = arith.extui %lt3A_455 : i1 to i32
        %cond3A_457 = arith.constant 0 : i32
        %cond3A_458 = arith.cmpi ne, %convert_element_type3A_456, %cond3A_457 : i32
        scf.if %cond3A_458 {
          %add3A_569 = arith.constant 3 : i32
          %add3A_570 = arith.addi %add3A_446, %add3A_569 : i32
          %dma_start3A_571 = arith.constant 0 : i32
          %dma_start3A_572 = tpu.memref_slice %arg5[%add3A_570, %dma_start3A_571] : memref<200x128xi32, #tpu.memory_space<vmem>> -> memref<1x128xi32, #tpu.memory_space<vmem>>
          %dma_start3A_573 = tpu.memref_squeeze %dma_start3A_572 : memref<1x128xi32, #tpu.memory_space<vmem>> -> memref<128xi32, #tpu.memory_space<vmem>>
          %dma_start3A_574 = arith.constant 0 : i32
          %dma_start3A_575 = arith.constant 0 : i32
          %dma_start3A_576 = tpu.memref_slice %arg2[%dma_start3A_574, %dma_start3A_575] : memref<100000x64xf32, #tpu.memory_space<hbm>> -> memref<100000x64xf32, #tpu.memory_space<hbm>>
          tpu.enqueue_indirect_dma source(%dma_start3A_576 : memref<100000x64xf32, #tpu.memory_space<hbm>>) target(%arg8 : memref<128x64xf32, #tpu.memory_space<vmem>>) offsets(%dma_start3A_573 : memref<128xi32, #tpu.memory_space<vmem>>) semaphore(%arg14 : memref<!tpu.dma_semaphore, #tpu.memory_space<semaphore_mem>>)
        } else {
        }
        %get3A_459 = arith.index_cast %add3A_446 : i32 to index
        %get3A_460 = arith.constant 0 : index
        %get3A_461 = tpu.vector_load %arg5[%get3A_459, %get3A_460] {strides = array<i32>} : memref<200x128xi32, #tpu.memory_space<vmem>>, vector<16xi32>,
        %eq3A_462 = arith.constant 0 : i32
        %eq3A_463 = vector.broadcast %eq3A_462 : i32 to vector<16xi32>
        %eq3A_464 = arith.cmpi eq, %get3A_461, %eq3A_463 : vector<16xi32>
        %jit3A_465 = arith.constant 0.000000e+00 : f32
        %jit3A_466 = arith.constant 8.000000e+00 : f32
        %broadcast_in_dim3A_467 = vector.broadcast %jit3A_465 : f32 to vector<16xf32>
        %broadcast_in_dim3A_468 = vector.broadcast %jit3A_466 : f32 to vector<16xf32>
        %select_n3A_469 = arith.select %eq3A_464, %broadcast_in_dim3A_467, %broadcast_in_dim3A_468 : vector<16xi1>, vector<16xf32>
        %get3A_470 = arith.index_cast %add3A_446 : i32 to index
        %get3A_471 = arith.constant 16 : index
        %get3A_472 = tpu.vector_load %arg5[%get3A_470, %get3A_471] {strides = array<i32>} : memref<200x128xi32, #tpu.memory_space<vmem>>, vector<16xi32>,
        %eq3A_473 = arith.constant 0 : i32
        %eq3A_474 = vector.broadcast %eq3A_473 : i32 to vector<16xi32>
        %eq3A_475 = arith.cmpi eq, %get3A_472, %eq3A_474 : vector<16xi32>
        %jit3A_476 = arith.constant 0.000000e+00 : f32
        %jit3A_477 = arith.constant 8.000000e+00 : f32
        %broadcast_in_dim3A_478 = vector.broadcast %jit3A_476 : f32 to vector<16xf32>
        %broadcast_in_dim3A_479 = vector.broadcast %jit3A_477 : f32 to vector<16xf32>
        %select_n3A_480 = arith.select %eq3A_475, %broadcast_in_dim3A_478, %broadcast_in_dim3A_479 : vector<16xi1>, vector<16xf32>
        %get3A_481 = arith.index_cast %add3A_446 : i32 to index
        %get3A_482 = arith.constant 32 : index
        %get3A_483 = tpu.vector_load %arg5[%get3A_481, %get3A_482] {strides = array<i32>} : memref<200x128xi32, #tpu.memory_space<vmem>>, vector<16xi32>,
        %eq3A_484 = arith.constant 0 : i32
        %eq3A_485 = vector.broadcast %eq3A_484 : i32 to vector<16xi32>
        %eq3A_486 = arith.cmpi eq, %get3A_483, %eq3A_485 : vector<16xi32>
        %jit3A_487 = arith.constant 0.000000e+00 : f32
        %jit3A_488 = arith.constant 8.000000e+00 : f32
        %broadcast_in_dim3A_489 = vector.broadcast %jit3A_487 : f32 to vector<16xf32>
        %broadcast_in_dim3A_490 = vector.broadcast %jit3A_488 : f32 to vector<16xf32>
        %select_n3A_491 = arith.select %eq3A_486, %broadcast_in_dim3A_489, %broadcast_in_dim3A_490 : vector<16xi1>, vector<16xf32>
        %get3A_492 = arith.index_cast %add3A_446 : i32 to index
        %get3A_493 = arith.constant 48 : index
        %get3A_494 = tpu.vector_load %arg5[%get3A_492, %get3A_493] {strides = array<i32>} : memref<200x128xi32, #tpu.memory_space<vmem>>, vector<16xi32>,
        %eq3A_495 = arith.constant 0 : i32
        %eq3A_496 = vector.broadcast %eq3A_495 : i32 to vector<16xi32>
        %eq3A_497 = arith.cmpi eq, %get3A_494, %eq3A_496 : vector<16xi32>
        %jit3A_498 = arith.constant 0.000000e+00 : f32
        %jit3A_499 = arith.constant 8.000000e+00 : f32
        %broadcast_in_dim3A_500 = vector.broadcast %jit3A_498 : f32 to vector<16xf32>
        %broadcast_in_dim3A_501 = vector.broadcast %jit3A_499 : f32 to vector<16xf32>
        %select_n3A_502 = arith.select %eq3A_497, %broadcast_in_dim3A_500, %broadcast_in_dim3A_501 : vector<16xi1>, vector<16xf32>
        %get3A_503 = arith.index_cast %add3A_446 : i32 to index
        %get3A_504 = arith.constant 64 : index
        %get3A_505 = tpu.vector_load %arg5[%get3A_503, %get3A_504] {strides = array<i32>} : memref<200x128xi32, #tpu.memory_space<vmem>>, vector<16xi32>,
        %eq3A_506 = arith.constant 0 : i32
        %eq3A_507 = vector.broadcast %eq3A_506 : i32 to vector<16xi32>
        %eq3A_508 = arith.cmpi eq, %get3A_505, %eq3A_507 : vector<16xi32>
        %jit3A_509 = arith.constant 0.000000e+00 : f32
        %jit3A_510 = arith.constant 8.000000e+00 : f32
        %broadcast_in_dim3A_511 = vector.broadcast %jit3A_509 : f32 to vector<16xf32>
        %broadcast_in_dim3A_512 = vector.broadcast %jit3A_510 : f32 to vector<16xf32>
        %select_n3A_513 = arith.select %eq3A_508, %broadcast_in_dim3A_511, %broadcast_in_dim3A_512 : vector<16xi1>, vector<16xf32>
        %get3A_514 = arith.index_cast %add3A_446 : i32 to index
        %get3A_515 = arith.constant 80 : index
        %get3A_516 = tpu.vector_load %arg5[%get3A_514, %get3A_515] {strides = array<i32>} : memref<200x128xi32, #tpu.memory_space<vmem>>, vector<16xi32>,
        %eq3A_517 = arith.constant 0 : i32
        %eq3A_518 = vector.broadcast %eq3A_517 : i32 to vector<16xi32>
        %eq3A_519 = arith.cmpi eq, %get3A_516, %eq3A_518 : vector<16xi32>
        %jit3A_520 = arith.constant 0.000000e+00 : f32
        %jit3A_521 = arith.constant 8.000000e+00 : f32
        %broadcast_in_dim3A_522 = vector.broadcast %jit3A_520 : f32 to vector<16xf32>
        %broadcast_in_dim3A_523 = vector.broadcast %jit3A_521 : f32 to vector<16xf32>
        %select_n3A_524 = arith.select %eq3A_519, %broadcast_in_dim3A_522, %broadcast_in_dim3A_523 : vector<16xi1>, vector<16xf32>
        %get3A_525 = arith.index_cast %add3A_446 : i32 to index
        %get3A_526 = arith.constant 96 : index
        %get3A_527 = tpu.vector_load %arg5[%get3A_525, %get3A_526] {strides = array<i32>} : memref<200x128xi32, #tpu.memory_space<vmem>>, vector<16xi32>,
        %eq3A_528 = arith.constant 0 : i32
        %eq3A_529 = vector.broadcast %eq3A_528 : i32 to vector<16xi32>
        %eq3A_530 = arith.cmpi eq, %get3A_527, %eq3A_529 : vector<16xi32>
        %jit3A_531 = arith.constant 0.000000e+00 : f32
        %jit3A_532 = arith.constant 8.000000e+00 : f32
        %broadcast_in_dim3A_533 = vector.broadcast %jit3A_531 : f32 to vector<16xf32>
        %broadcast_in_dim3A_534 = vector.broadcast %jit3A_532 : f32 to vector<16xf32>
        %select_n3A_535 = arith.select %eq3A_530, %broadcast_in_dim3A_533, %broadcast_in_dim3A_534 : vector<16xi1>, vector<16xf32>
        %get3A_536 = arith.index_cast %add3A_446 : i32 to index
        %get3A_537 = arith.constant 112 : index
        %get3A_538 = tpu.vector_load %arg5[%get3A_536, %get3A_537] {strides = array<i32>} : memref<200x128xi32, #tpu.memory_space<vmem>>, vector<16xi32>,
        %eq3A_539 = arith.constant 0 : i32
        %eq3A_540 = vector.broadcast %eq3A_539 : i32 to vector<16xi32>
        %eq3A_541 = arith.cmpi eq, %get3A_538, %eq3A_540 : vector<16xi32>
        %jit3A_542 = arith.constant 0.000000e+00 : f32
        %jit3A_543 = arith.constant 8.000000e+00 : f32
        %broadcast_in_dim3A_544 = vector.broadcast %jit3A_542 : f32 to vector<16xf32>
        %broadcast_in_dim3A_545 = vector.broadcast %jit3A_543 : f32 to vector<16xf32>
        %select_n3A_546 = arith.select %eq3A_541, %broadcast_in_dim3A_544, %broadcast_in_dim3A_545 : vector<16xi1>, vector<16xf32>
        %dma_wait3A_547 = arith.constant 0 : i32
        %dma_wait3A_548 = tpu.memref_slice %arg5[%add3A_446, %dma_wait3A_547] : memref<200x128xi32, #tpu.memory_space<vmem>> -> memref<1x128xi32, #tpu.memory_space<vmem>>
        %dma_wait3A_549 = tpu.memref_squeeze %dma_wait3A_548 : memref<1x128xi32, #tpu.memory_space<vmem>> -> memref<128xi32, #tpu.memory_space<vmem>>
        %dma_wait3A_550 = arith.constant 0 : i32
        %dma_wait3A_551 = arith.constant 0 : i32
        %dma_wait3A_552 = tpu.memref_slice %arg2[%dma_wait3A_550, %dma_wait3A_551] : memref<100000x64xf32, #tpu.memory_space<hbm>> -> memref<100000x64xf32, #tpu.memory_space<hbm>>
        tpu.wait_indirect_dma semaphore(%arg15 : memref<!tpu.dma_semaphore, #tpu.memory_space<semaphore_mem>>) src(%dma_wait3A_552 : memref<100000x64xf32, #tpu.memory_space<hbm>>) dst(%arg9 : memref<128x64xf32, #tpu.memory_space<vmem>>)
        %scan3A_553 = arith.constant 0 : i32
        %scan3A_554 = arith.constant 0 : i32
        %scan3A_555 = arith.constant 16 : i32
        %scan3A_556 = arith.addi %scan3A_554, %scan3A_555 : i32
        %scan3A_557 = arith.constant 1 : i32
        scf.for %scan3A_569 = %scan3A_554 to %scan3A_556 step %scan3A_557  : i32 {
          %add3A_570 = vector.broadcast %scan3A_569 : i32 to vector<16xi32>
          %add3A_571 = arith.addi %iota3A, %add3A_570 : vector<16xi32>
          %and3A = arith.constant 15 : i32
          %and3A_572 = vector.broadcast %and3A : i32 to vector<16xi32>
          %and3A_573 = arith.andi %add3A_571, %and3A_572 : vector<16xi32>
          %add3A_574 = arith.constant 0 : i32
          %add3A_575 = vector.broadcast %add3A_574 : i32 to vector<16xi32>
          %add3A_576 = arith.addi %and3A_573, %add3A_575 : vector<16xi32>
          %shift_right_arithmetic3A = arith.constant 3 : i32
          %shift_right_arithmetic3A_577 = vector.broadcast %shift_right_arithmetic3A : i32 to vector<16xi32>
          %shift_right_arithmetic3A_578 = arith.shrsi %add3A_576, %shift_right_arithmetic3A_577 : vector<16xi32>
          %and3A_579 = arith.constant 7 : i32
          %and3A_580 = vector.broadcast %and3A_579 : i32 to vector<16xi32>
          %and3A_581 = arith.andi %add3A_576, %and3A_580 : vector<16xi32>
          %gather3A = tpu.vector_load_idx %arg9[%add3A_3, %add3A_576] : memref<128x64xf32, #tpu.memory_space<vmem>>[vector<16xi32>, vector<16xi32>], vector<16xf32>,
          %gather3A_582 = tpu.vector_load_idx %arg9[%add3A_6, %add3A_576] : memref<128x64xf32, #tpu.memory_space<vmem>>[vector<16xi32>, vector<16xi32>], vector<16xf32>,
          %gather3A_583 = tpu.vector_load_idx %arg9[%add3A_9, %add3A_576] : memref<128x64xf32, #tpu.memory_space<vmem>>[vector<16xi32>, vector<16xi32>], vector<16xf32>,
          %gather3A_584 = tpu.vector_load_idx %arg9[%add3A_12, %add3A_576] : memref<128x64xf32, #tpu.memory_space<vmem>>[vector<16xi32>, vector<16xi32>], vector<16xf32>,
          %gather3A_585 = tpu.vector_load_idx %arg9[%add3A_15, %add3A_576] : memref<128x64xf32, #tpu.memory_space<vmem>>[vector<16xi32>, vector<16xi32>], vector<16xf32>,
          %gather3A_586 = tpu.vector_load_idx %arg9[%add3A_18, %add3A_576] : memref<128x64xf32, #tpu.memory_space<vmem>>[vector<16xi32>, vector<16xi32>], vector<16xf32>,
          %gather3A_587 = tpu.vector_load_idx %arg9[%add3A_21, %add3A_576] : memref<128x64xf32, #tpu.memory_space<vmem>>[vector<16xi32>, vector<16xi32>], vector<16xf32>,
          %gather3A_588 = tpu.vector_load_idx %arg9[%add3A_24, %add3A_576] : memref<128x64xf32, #tpu.memory_space<vmem>>[vector<16xi32>, vector<16xi32>], vector<16xf32>,
          %mul3A_589 = arith.mulf %gather3A, %select_n3A_469 : vector<16xf32>
          tpu.vector_store_idx %arg11[%shift_right_arithmetic3A_578, %and3A_581, %add3A_3], %mul3A_589 : memref<8x8x128xf32, #tpu.memory_space<vmem>>[vector<16xi32>, vector<16xi32>, vector<16xi32>], vector<16xf32>,
          %mul3A_590 = arith.mulf %gather3A_582, %select_n3A_480 : vector<16xf32>
          tpu.vector_store_idx %arg11[%shift_right_arithmetic3A_578, %and3A_581, %add3A_6], %mul3A_590 : memref<8x8x128xf32, #tpu.memory_space<vmem>>[vector<16xi32>, vector<16xi32>, vector<16xi32>], vector<16xf32>,
          %mul3A_591 = arith.mulf %gather3A_583, %select_n3A_491 : vector<16xf32>
          tpu.vector_store_idx %arg11[%shift_right_arithmetic3A_578, %and3A_581, %add3A_9], %mul3A_591 : memref<8x8x128xf32, #tpu.memory_space<vmem>>[vector<16xi32>, vector<16xi32>, vector<16xi32>], vector<16xf32>,
          %mul3A_592 = arith.mulf %gather3A_584, %select_n3A_502 : vector<16xf32>
          tpu.vector_store_idx %arg11[%shift_right_arithmetic3A_578, %and3A_581, %add3A_12], %mul3A_592 : memref<8x8x128xf32, #tpu.memory_space<vmem>>[vector<16xi32>, vector<16xi32>, vector<16xi32>], vector<16xf32>,
          %mul3A_593 = arith.mulf %gather3A_585, %select_n3A_513 : vector<16xf32>
          tpu.vector_store_idx %arg11[%shift_right_arithmetic3A_578, %and3A_581, %add3A_15], %mul3A_593 : memref<8x8x128xf32, #tpu.memory_space<vmem>>[vector<16xi32>, vector<16xi32>, vector<16xi32>], vector<16xf32>,
          %mul3A_594 = arith.mulf %gather3A_586, %select_n3A_524 : vector<16xf32>
          tpu.vector_store_idx %arg11[%shift_right_arithmetic3A_578, %and3A_581, %add3A_18], %mul3A_594 : memref<8x8x128xf32, #tpu.memory_space<vmem>>[vector<16xi32>, vector<16xi32>, vector<16xi32>], vector<16xf32>,
          %mul3A_595 = arith.mulf %gather3A_587, %select_n3A_535 : vector<16xf32>
          tpu.vector_store_idx %arg11[%shift_right_arithmetic3A_578, %and3A_581, %add3A_21], %mul3A_595 : memref<8x8x128xf32, #tpu.memory_space<vmem>>[vector<16xi32>, vector<16xi32>, vector<16xi32>], vector<16xf32>,
          %mul3A_596 = arith.mulf %gather3A_588, %select_n3A_546 : vector<16xf32>
          tpu.vector_store_idx %arg11[%shift_right_arithmetic3A_578, %and3A_581, %add3A_24], %mul3A_596 : memref<8x8x128xf32, #tpu.memory_space<vmem>>[vector<16xi32>, vector<16xi32>, vector<16xi32>], vector<16xf32>,
          %add3A_597 = arith.constant 16 : i32
          %add3A_598 = vector.broadcast %add3A_597 : i32 to vector<16xi32>
          %add3A_599 = arith.addi %and3A_573, %add3A_598 : vector<16xi32>
          %shift_right_arithmetic3A_600 = arith.constant 3 : i32
          %shift_right_arithmetic3A_601 = vector.broadcast %shift_right_arithmetic3A_600 : i32 to vector<16xi32>
          %shift_right_arithmetic3A_602 = arith.shrsi %add3A_599, %shift_right_arithmetic3A_601 : vector<16xi32>
          %and3A_603 = arith.constant 7 : i32
          %and3A_604 = vector.broadcast %and3A_603 : i32 to vector<16xi32>
          %and3A_605 = arith.andi %add3A_599, %and3A_604 : vector<16xi32>
          %gather3A_606 = tpu.vector_load_idx %arg9[%add3A_3, %add3A_599] : memref<128x64xf32, #tpu.memory_space<vmem>>[vector<16xi32>, vector<16xi32>], vector<16xf32>,
          %gather3A_607 = tpu.vector_load_idx %arg9[%add3A_6, %add3A_599] : memref<128x64xf32, #tpu.memory_space<vmem>>[vector<16xi32>, vector<16xi32>], vector<16xf32>,
          %gather3A_608 = tpu.vector_load_idx %arg9[%add3A_9, %add3A_599] : memref<128x64xf32, #tpu.memory_space<vmem>>[vector<16xi32>, vector<16xi32>], vector<16xf32>,
          %gather3A_609 = tpu.vector_load_idx %arg9[%add3A_12, %add3A_599] : memref<128x64xf32, #tpu.memory_space<vmem>>[vector<16xi32>, vector<16xi32>], vector<16xf32>,
          %gather3A_610 = tpu.vector_load_idx %arg9[%add3A_15, %add3A_599] : memref<128x64xf32, #tpu.memory_space<vmem>>[vector<16xi32>, vector<16xi32>], vector<16xf32>,
          %gather3A_611 = tpu.vector_load_idx %arg9[%add3A_18, %add3A_599] : memref<128x64xf32, #tpu.memory_space<vmem>>[vector<16xi32>, vector<16xi32>], vector<16xf32>,
          %gather3A_612 = tpu.vector_load_idx %arg9[%add3A_21, %add3A_599] : memref<128x64xf32, #tpu.memory_space<vmem>>[vector<16xi32>, vector<16xi32>], vector<16xf32>,
          %gather3A_613 = tpu.vector_load_idx %arg9[%add3A_24, %add3A_599] : memref<128x64xf32, #tpu.memory_space<vmem>>[vector<16xi32>, vector<16xi32>], vector<16xf32>,
          %mul3A_614 = arith.mulf %gather3A_606, %select_n3A_469 : vector<16xf32>
          tpu.vector_store_idx %arg11[%shift_right_arithmetic3A_602, %and3A_605, %add3A_3], %mul3A_614 : memref<8x8x128xf32, #tpu.memory_space<vmem>>[vector<16xi32>, vector<16xi32>, vector<16xi32>], vector<16xf32>,
          %mul3A_615 = arith.mulf %gather3A_607, %select_n3A_480 : vector<16xf32>
          tpu.vector_store_idx %arg11[%shift_right_arithmetic3A_602, %and3A_605, %add3A_6], %mul3A_615 : memref<8x8x128xf32, #tpu.memory_space<vmem>>[vector<16xi32>, vector<16xi32>, vector<16xi32>], vector<16xf32>,
          %mul3A_616 = arith.mulf %gather3A_608, %select_n3A_491 : vector<16xf32>
          tpu.vector_store_idx %arg11[%shift_right_arithmetic3A_602, %and3A_605, %add3A_9], %mul3A_616 : memref<8x8x128xf32, #tpu.memory_space<vmem>>[vector<16xi32>, vector<16xi32>, vector<16xi32>], vector<16xf32>,
          %mul3A_617 = arith.mulf %gather3A_609, %select_n3A_502 : vector<16xf32>
          tpu.vector_store_idx %arg11[%shift_right_arithmetic3A_602, %and3A_605, %add3A_12], %mul3A_617 : memref<8x8x128xf32, #tpu.memory_space<vmem>>[vector<16xi32>, vector<16xi32>, vector<16xi32>], vector<16xf32>,
          %mul3A_618 = arith.mulf %gather3A_610, %select_n3A_513 : vector<16xf32>
          tpu.vector_store_idx %arg11[%shift_right_arithmetic3A_602, %and3A_605, %add3A_15], %mul3A_618 : memref<8x8x128xf32, #tpu.memory_space<vmem>>[vector<16xi32>, vector<16xi32>, vector<16xi32>], vector<16xf32>,
          %mul3A_619 = arith.mulf %gather3A_611, %select_n3A_524 : vector<16xf32>
          tpu.vector_store_idx %arg11[%shift_right_arithmetic3A_602, %and3A_605, %add3A_18], %mul3A_619 : memref<8x8x128xf32, #tpu.memory_space<vmem>>[vector<16xi32>, vector<16xi32>, vector<16xi32>], vector<16xf32>,
          %mul3A_620 = arith.mulf %gather3A_612, %select_n3A_535 : vector<16xf32>
          tpu.vector_store_idx %arg11[%shift_right_arithmetic3A_602, %and3A_605, %add3A_21], %mul3A_620 : memref<8x8x128xf32, #tpu.memory_space<vmem>>[vector<16xi32>, vector<16xi32>, vector<16xi32>], vector<16xf32>,
          %mul3A_621 = arith.mulf %gather3A_613, %select_n3A_546 : vector<16xf32>
          tpu.vector_store_idx %arg11[%shift_right_arithmetic3A_602, %and3A_605, %add3A_24], %mul3A_621 : memref<8x8x128xf32, #tpu.memory_space<vmem>>[vector<16xi32>, vector<16xi32>, vector<16xi32>], vector<16xf32>,
          %add3A_622 = arith.constant 32 : i32
          %add3A_623 = vector.broadcast %add3A_622 : i32 to vector<16xi32>
          %add3A_624 = arith.addi %and3A_573, %add3A_623 : vector<16xi32>
          %shift_right_arithmetic3A_625 = arith.constant 3 : i32
          %shift_right_arithmetic3A_626 = vector.broadcast %shift_right_arithmetic3A_625 : i32 to vector<16xi32>
          %shift_right_arithmetic3A_627 = arith.shrsi %add3A_624, %shift_right_arithmetic3A_626 : vector<16xi32>
          %and3A_628 = arith.constant 7 : i32
          %and3A_629 = vector.broadcast %and3A_628 : i32 to vector<16xi32>
          %and3A_630 = arith.andi %add3A_624, %and3A_629 : vector<16xi32>
          %gather3A_631 = tpu.vector_load_idx %arg9[%add3A_3, %add3A_624] : memref<128x64xf32, #tpu.memory_space<vmem>>[vector<16xi32>, vector<16xi32>], vector<16xf32>,
          %gather3A_632 = tpu.vector_load_idx %arg9[%add3A_6, %add3A_624] : memref<128x64xf32, #tpu.memory_space<vmem>>[vector<16xi32>, vector<16xi32>], vector<16xf32>,
          %gather3A_633 = tpu.vector_load_idx %arg9[%add3A_9, %add3A_624] : memref<128x64xf32, #tpu.memory_space<vmem>>[vector<16xi32>, vector<16xi32>], vector<16xf32>,
          %gather3A_634 = tpu.vector_load_idx %arg9[%add3A_12, %add3A_624] : memref<128x64xf32, #tpu.memory_space<vmem>>[vector<16xi32>, vector<16xi32>], vector<16xf32>,
          %gather3A_635 = tpu.vector_load_idx %arg9[%add3A_15, %add3A_624] : memref<128x64xf32, #tpu.memory_space<vmem>>[vector<16xi32>, vector<16xi32>], vector<16xf32>,
          %gather3A_636 = tpu.vector_load_idx %arg9[%add3A_18, %add3A_624] : memref<128x64xf32, #tpu.memory_space<vmem>>[vector<16xi32>, vector<16xi32>], vector<16xf32>,
          %gather3A_637 = tpu.vector_load_idx %arg9[%add3A_21, %add3A_624] : memref<128x64xf32, #tpu.memory_space<vmem>>[vector<16xi32>, vector<16xi32>], vector<16xf32>,
          %gather3A_638 = tpu.vector_load_idx %arg9[%add3A_24, %add3A_624] : memref<128x64xf32, #tpu.memory_space<vmem>>[vector<16xi32>, vector<16xi32>], vector<16xf32>,
          %mul3A_639 = arith.mulf %gather3A_631, %select_n3A_469 : vector<16xf32>
          tpu.vector_store_idx %arg11[%shift_right_arithmetic3A_627, %and3A_630, %add3A_3], %mul3A_639 : memref<8x8x128xf32, #tpu.memory_space<vmem>>[vector<16xi32>, vector<16xi32>, vector<16xi32>], vector<16xf32>,
          %mul3A_640 = arith.mulf %gather3A_632, %select_n3A_480 : vector<16xf32>
          tpu.vector_store_idx %arg11[%shift_right_arithmetic3A_627, %and3A_630, %add3A_6], %mul3A_640 : memref<8x8x128xf32, #tpu.memory_space<vmem>>[vector<16xi32>, vector<16xi32>, vector<16xi32>], vector<16xf32>,
          %mul3A_641 = arith.mulf %gather3A_633, %select_n3A_491 : vector<16xf32>
          tpu.vector_store_idx %arg11[%shift_right_arithmetic3A_627, %and3A_630, %add3A_9], %mul3A_641 : memref<8x8x128xf32, #tpu.memory_space<vmem>>[vector<16xi32>, vector<16xi32>, vector<16xi32>], vector<16xf32>,
          %mul3A_642 = arith.mulf %gather3A_634, %select_n3A_502 : vector<16xf32>
          tpu.vector_store_idx %arg11[%shift_right_arithmetic3A_627, %and3A_630, %add3A_12], %mul3A_642 : memref<8x8x128xf32, #tpu.memory_space<vmem>>[vector<16xi32>, vector<16xi32>, vector<16xi32>], vector<16xf32>,
          %mul3A_643 = arith.mulf %gather3A_635, %select_n3A_513 : vector<16xf32>
          tpu.vector_store_idx %arg11[%shift_right_arithmetic3A_627, %and3A_630, %add3A_15], %mul3A_643 : memref<8x8x128xf32, #tpu.memory_space<vmem>>[vector<16xi32>, vector<16xi32>, vector<16xi32>], vector<16xf32>,
          %mul3A_644 = arith.mulf %gather3A_636, %select_n3A_524 : vector<16xf32>
          tpu.vector_store_idx %arg11[%shift_right_arithmetic3A_627, %and3A_630, %add3A_18], %mul3A_644 : memref<8x8x128xf32, #tpu.memory_space<vmem>>[vector<16xi32>, vector<16xi32>, vector<16xi32>], vector<16xf32>,
          %mul3A_645 = arith.mulf %gather3A_637, %select_n3A_535 : vector<16xf32>
          tpu.vector_store_idx %arg11[%shift_right_arithmetic3A_627, %and3A_630, %add3A_21], %mul3A_645 : memref<8x8x128xf32, #tpu.memory_space<vmem>>[vector<16xi32>, vector<16xi32>, vector<16xi32>], vector<16xf32>,
          %mul3A_646 = arith.mulf %gather3A_638, %select_n3A_546 : vector<16xf32>
          tpu.vector_store_idx %arg11[%shift_right_arithmetic3A_627, %and3A_630, %add3A_24], %mul3A_646 : memref<8x8x128xf32, #tpu.memory_space<vmem>>[vector<16xi32>, vector<16xi32>, vector<16xi32>], vector<16xf32>,
          %add3A_647 = arith.constant 48 : i32
          %add3A_648 = vector.broadcast %add3A_647 : i32 to vector<16xi32>
          %add3A_649 = arith.addi %and3A_573, %add3A_648 : vector<16xi32>
          %shift_right_arithmetic3A_650 = arith.constant 3 : i32
          %shift_right_arithmetic3A_651 = vector.broadcast %shift_right_arithmetic3A_650 : i32 to vector<16xi32>
          %shift_right_arithmetic3A_652 = arith.shrsi %add3A_649, %shift_right_arithmetic3A_651 : vector<16xi32>
          %and3A_653 = arith.constant 7 : i32
          %and3A_654 = vector.broadcast %and3A_653 : i32 to vector<16xi32>
          %and3A_655 = arith.andi %add3A_649, %and3A_654 : vector<16xi32>
          %gather3A_656 = tpu.vector_load_idx %arg9[%add3A_3, %add3A_649] : memref<128x64xf32, #tpu.memory_space<vmem>>[vector<16xi32>, vector<16xi32>], vector<16xf32>,
          %gather3A_657 = tpu.vector_load_idx %arg9[%add3A_6, %add3A_649] : memref<128x64xf32, #tpu.memory_space<vmem>>[vector<16xi32>, vector<16xi32>], vector<16xf32>,
          %gather3A_658 = tpu.vector_load_idx %arg9[%add3A_9, %add3A_649] : memref<128x64xf32, #tpu.memory_space<vmem>>[vector<16xi32>, vector<16xi32>], vector<16xf32>,
          %gather3A_659 = tpu.vector_load_idx %arg9[%add3A_12, %add3A_649] : memref<128x64xf32, #tpu.memory_space<vmem>>[vector<16xi32>, vector<16xi32>], vector<16xf32>,
          %gather3A_660 = tpu.vector_load_idx %arg9[%add3A_15, %add3A_649] : memref<128x64xf32, #tpu.memory_space<vmem>>[vector<16xi32>, vector<16xi32>], vector<16xf32>,
          %gather3A_661 = tpu.vector_load_idx %arg9[%add3A_18, %add3A_649] : memref<128x64xf32, #tpu.memory_space<vmem>>[vector<16xi32>, vector<16xi32>], vector<16xf32>,
          %gather3A_662 = tpu.vector_load_idx %arg9[%add3A_21, %add3A_649] : memref<128x64xf32, #tpu.memory_space<vmem>>[vector<16xi32>, vector<16xi32>], vector<16xf32>,
          %gather3A_663 = tpu.vector_load_idx %arg9[%add3A_24, %add3A_649] : memref<128x64xf32, #tpu.memory_space<vmem>>[vector<16xi32>, vector<16xi32>], vector<16xf32>,
          %mul3A_664 = arith.mulf %gather3A_656, %select_n3A_469 : vector<16xf32>
          tpu.vector_store_idx %arg11[%shift_right_arithmetic3A_652, %and3A_655, %add3A_3], %mul3A_664 : memref<8x8x128xf32, #tpu.memory_space<vmem>>[vector<16xi32>, vector<16xi32>, vector<16xi32>], vector<16xf32>,
          %mul3A_665 = arith.mulf %gather3A_657, %select_n3A_480 : vector<16xf32>
          tpu.vector_store_idx %arg11[%shift_right_arithmetic3A_652, %and3A_655, %add3A_6], %mul3A_665 : memref<8x8x128xf32, #tpu.memory_space<vmem>>[vector<16xi32>, vector<16xi32>, vector<16xi32>], vector<16xf32>,
          %mul3A_666 = arith.mulf %gather3A_658, %select_n3A_491 : vector<16xf32>
          tpu.vector_store_idx %arg11[%shift_right_arithmetic3A_652, %and3A_655, %add3A_9], %mul3A_666 : memref<8x8x128xf32, #tpu.memory_space<vmem>>[vector<16xi32>, vector<16xi32>, vector<16xi32>], vector<16xf32>,
          %mul3A_667 = arith.mulf %gather3A_659, %select_n3A_502 : vector<16xf32>
          tpu.vector_store_idx %arg11[%shift_right_arithmetic3A_652, %and3A_655, %add3A_12], %mul3A_667 : memref<8x8x128xf32, #tpu.memory_space<vmem>>[vector<16xi32>, vector<16xi32>, vector<16xi32>], vector<16xf32>,
          %mul3A_668 = arith.mulf %gather3A_660, %select_n3A_513 : vector<16xf32>
          tpu.vector_store_idx %arg11[%shift_right_arithmetic3A_652, %and3A_655, %add3A_15], %mul3A_668 : memref<8x8x128xf32, #tpu.memory_space<vmem>>[vector<16xi32>, vector<16xi32>, vector<16xi32>], vector<16xf32>,
          %mul3A_669 = arith.mulf %gather3A_661, %select_n3A_524 : vector<16xf32>
          tpu.vector_store_idx %arg11[%shift_right_arithmetic3A_652, %and3A_655, %add3A_18], %mul3A_669 : memref<8x8x128xf32, #tpu.memory_space<vmem>>[vector<16xi32>, vector<16xi32>, vector<16xi32>], vector<16xf32>,
          %mul3A_670 = arith.mulf %gather3A_662, %select_n3A_535 : vector<16xf32>
          tpu.vector_store_idx %arg11[%shift_right_arithmetic3A_652, %and3A_655, %add3A_21], %mul3A_670 : memref<8x8x128xf32, #tpu.memory_space<vmem>>[vector<16xi32>, vector<16xi32>, vector<16xi32>], vector<16xf32>,
          %mul3A_671 = arith.mulf %gather3A_663, %select_n3A_546 : vector<16xf32>
          tpu.vector_store_idx %arg11[%shift_right_arithmetic3A_652, %and3A_655, %add3A_24], %mul3A_671 : memref<8x8x128xf32, #tpu.memory_space<vmem>>[vector<16xi32>, vector<16xi32>, vector<16xi32>], vector<16xf32>,
        }
        %scan3A_558 = arith.constant 16 : i32
        %dma_start3A_559 = arith.constant 0 : i32
        %dma_start3A_560 = arith.constant 0 : i32
        %dma_start3A_561 = arith.constant 0 : i32
        %dma_start3A_562 = tpu.memref_slice %arg4[%add3A_446, %dma_start3A_559, %add3A_34, %dma_start3A_560, %dma_start3A_561] : memref<200x8x128x8x128xf32, #tpu.memory_space<hbm>> -> memref<1x8x1x8x128xf32, #tpu.memory_space<hbm>>
        %dma_start3A_563 = tpu.memref_squeeze %dma_start3A_562 : memref<1x8x1x8x128xf32, #tpu.memory_space<hbm>> -> memref<8x8x128xf32, #tpu.memory_space<hbm>>
        %dma_start3A_564 = arith.constant 0 : i32
        %dma_start3A_565 = arith.constant 0 : i32
        %dma_start3A_566 = arith.constant 0 : i32
        %dma_start3A_567 = tpu.memref_slice %arg4[%add3A_446, %dma_start3A_564, %add3A_34, %dma_start3A_565, %dma_start3A_566] : memref<200x8x128x8x128xf32, #tpu.memory_space<hbm>> -> memref<1x8x1x8x128xf32, #tpu.memory_space<hbm>>
        %dma_start3A_568 = tpu.memref_squeeze %dma_start3A_567 : memref<1x8x1x8x128xf32, #tpu.memory_space<hbm>> -> memref<8x8x128xf32, #tpu.memory_space<hbm>>
        tpu.enqueue_dma source(%arg11 : memref<8x8x128xf32, #tpu.memory_space<vmem>>) target(%dma_start3A_568 : memref<8x8x128xf32, #tpu.memory_space<hbm>>) target_semaphore(%arg17 : memref<!tpu.dma_semaphore, #tpu.memory_space<semaphore_mem>>)
      }
      %scan3A_60 = arith.constant 50 : i32
      %dma_wait3A = arith.constant 0 : i32
      %dma_wait3A_61 = arith.constant 0 : i32
      %dma_wait3A_62 = tpu.memref_slice %arg2[%dma_wait3A, %dma_wait3A_61] : memref<100000x64xf32, #tpu.memory_space<hbm>> -> memref<128x64xf32, #tpu.memory_space<hbm>>
      %dma_wait3A_63 = arith.constant 0 : i32
      %dma_wait3A_64 = arith.constant 0 : i32
      %dma_wait3A_65 = tpu.memref_slice %arg2[%dma_wait3A_63, %dma_wait3A_64] : memref<100000x64xf32, #tpu.memory_space<hbm>> -> memref<128x64xf32, #tpu.memory_space<hbm>>
      tpu.wait_dma2 semaphore(%arg16 : memref<!tpu.dma_semaphore, #tpu.memory_space<semaphore_mem>>) src(%dma_wait3A_65 : memref<128x64xf32, #tpu.memory_space<hbm>>) dst(%arg6 : memref<128x64xf32, #tpu.memory_space<vmem>>)
      %dma_wait3A_66 = arith.constant 0 : i32
      %dma_wait3A_67 = arith.constant 0 : i32
      %dma_wait3A_68 = tpu.memref_slice %arg2[%dma_wait3A_66, %dma_wait3A_67] : memref<100000x64xf32, #tpu.memory_space<hbm>> -> memref<128x64xf32, #tpu.memory_space<hbm>>
      %dma_wait3A_69 = arith.constant 0 : i32
      %dma_wait3A_70 = arith.constant 0 : i32
      %dma_wait3A_71 = tpu.memref_slice %arg2[%dma_wait3A_69, %dma_wait3A_70] : memref<100000x64xf32, #tpu.memory_space<hbm>> -> memref<128x64xf32, #tpu.memory_space<hbm>>
      tpu.wait_dma2 semaphore(%arg17 : memref<!tpu.dma_semaphore, #tpu.memory_space<semaphore_mem>>) src(%dma_wait3A_71 : memref<128x64xf32, #tpu.memory_space<hbm>>) dst(%arg7 : memref<128x64xf32, #tpu.memory_space<vmem>>)
    }
    %scan3A_30 = arith.constant 4 : i32
    return
  }
}

</mosaic_0001>

<sc_bundles>
// kernel: kernel.3.cloned.1.call-start
scs
__scs_entry_jumppad:
0x0: {  	(pc) =	sbr.rel $0x88, $3  }
0x1: {  	(tag) =	ssettag $0x0;
	lr =	simm.s32 $0x1  }
0x2: {  	[smem:$0x3F9F] =	sst lr;
	_ =	strace $0xD0000000  }
0x3: {  	_ = 	snop  }
0x4: {  	_ = 	snop  }
0x5: {  	_ = 	snop  }
0x6: {  	_ = 	snop  }
0x7: {  	_ = 	snop  }
__scs_overlays_trampoline_lowered:
0x8: {  	[smem:$0x3FAE] =	sst s0  }
0x9: {  	[smem:$0x3FAF] =	sst s1  }
0xa: {  	[smem:$0x3FB0] =	sst s2  }
0xb: {  	[smem:$0x3FB1] =	sst s3  }
0xc: {  	[smem:$0x3FB2] =	sst s4  }
0xd: {  	[smem:$0x3FB3] =	sst s5  }
0xe: {  	[smem:$0x3FB4] =	sst s6  }
0xf: {  	[smem:$0x3FB5] =	sst s7  }
0x10: {  	[smem:$0x3FB6] =	sst s8  }
0x11: {  	[smem:$0x3FB7] =	sst s9;
	s0 =	simm.s32 @!p0 $0x0  }
0x12: {  	s1 =	sld [smem:$0x3F9D];
	s0 =	simm.s32 @p0 $0x1  }
0x13: {  	[smem:$0x3FB8] =	sst s0;
	s0 =	simm.s32 @!p1 $0x0  }
0x14: {  	s2 =	sld [smem:$0x3F9C];
	s0 =	simm.s32 @p1 $0x1  }
0x15: {  	[smem:$0x3FB9] =	sst s0;
	s0 =	simm.s32 @!p2 $0x0  }
0x16: {  	s3 =	sld [smem:$0x3FDB];
	s0 =	simm.s32 @p2 $0x1  }
0x17: {  	s4 =	simm.s32 $0x1BF5;
	[smem:$0x3FBB] =	sst s0  }
0x18: {  	s0 =	sld [smem:$0x3F9E];
	_ =	swait.ge [sflag:s4], $0x0  }
0x19: {  	s7 =	sld [smem:$0x3F9F]  }
0x1a: {  	s8 =	sadd.s32 $0xFFFFE003, lr  }
0x1b: {  	s9 =	sadd.s32 $0xFFFFFEF7, lr;
	s5 =	simm.s32 $0xFFFFFFFF;
	p2 =	slt.u32 s8, $0xFFFFF086  }
0x1c: {  	p1 =	slt.u32 s9, $0xF7A;
	s5 =	simm.s32 @!p2 $0x0  }
0x1d: {  	s5 =	simm.s32 @p1 $0x1;
	p0 =	seq.s32 s7, s2  }
0x1e: {  	s7 =	smul.u32 @!p0 $0xF7A, s2;
	p2 =	seq.s32 @!p0 s5, $0x0  }
0x1f: {  	s9 =	smul.u32 $0xF7A, s1;
	s8 =	simm.s32 @!p0 $0x1BF5;
	p2 =	por !p2, p0  }
0x20: {  	[sflag:s8] =	ssyncset.s32 @!p0 $0xFFFFF086;
	s6 =	sadd.s32 @!p0 s3, s7;
	s7 =	simm.s32 @!p0 $0x108  }
0x21: {  	s3 =	sadd.s32 s3, s9;
	s6 =	sadd.s32 @!p0 $0x88, s6;
	s7 =	simm.s32 @p2 $0x1082  }
0x22: {  	[simem:s7], [sflag:s8] =	dma.local @!p0 [hbm:s6], $0xF7A  }
0x23: {  	s9 =	sor.u32 $0xD0000000, s2;
	s6 =	simm.s32 $0x108;
	_ =	swait.ge @!p0 [sflag:s8], $0x0  }
0x24: {  	s3 =	sadd.s32 $0x88, s3;
	s6 =	simm.s32 @!p1 $0x1082;
	[sflag:s4] =	ssyncset.s32 $0xFFFFF086  }
0x25: {  	[simem:s6], [sflag:s4] =	dma.local [hbm:s3], $0xF7A  }
0x26: {  	[smem:$0x3F9F] =	sst s1;
	(tag) =	ssettag s2;
	_ =	strace s9  }
0x27: {  	s1 =	sld [smem:$0x3FAF]  }
0x28: {  	s2 =	sld [smem:$0x3FB0]  }
0x29: {  	s4 =	sld [smem:$0x3FB2]  }
0x2a: {  	p0 =	seq.s32 s5, $0x0;
	s5 =	sld [smem:$0x3FB3]  }
0x2b: {  	s6 =	sld [smem:$0x3FB4]  }
0x2c: {  	s7 =	sld [smem:$0x3FB5]  }
0x2d: {  	s3 =	simm.s32 $0x108;
	s8 =	sld [smem:$0x3FB6]  }
0x2e: {  	s3 =	simm.s32 @!p0 $0x1082;
	s9 =	sld [smem:$0x3FB7]  }
0x2f: {  	lr =	sadd.s32 s0, s3;
	s0 =	sld [smem:$0x3FAE]  }
0x30: {  	s3 =	sld [smem:$0x3FB1]  }
0x31: {  	[smem:$0x3FBA] =	sst s10  }
0x32: {  	s10 =	sld [smem:$0x3FB8];
	_ =	sdelay $0x3  }
0x33: {  	p0 =	seq.s32 s10, $0x1;
	s10 =	sld [smem:$0x3FBA];
	_ =	sdelay $0x3  }
0x34: {  	[smem:$0x3FBA] =	sst s10  }
0x35: {  	s10 =	sld [smem:$0x3FB9];
	_ =	sdelay $0x3  }
0x36: {  	p1 =	seq.s32 s10, $0x1;
	s10 =	sld [smem:$0x3FBA];
	_ =	sdelay $0x3  }
0x37: {  	[smem:$0x3FBA] =	sst s10  }
0x38: {  	s10 =	sld [smem:$0x3FBB]  }
0x39: {  	_ = 	snop;
	(pc) =	sbr.ind lr, $3  }
0x3a: {  	_ = 	snop  }
0x3b: {  	_ = 	snop  }
0x3c: {  	p2 =	seq.s32 s10, $0x1;
	s10 =	sld [smem:$0x3FBA]  }
0x3d: {  	_ =	shalt  }
0x3e: {  	_ =	shalt  }
0x3f: {  	_ =	shalt  }
0x40: {  	_ =	shalt  }
0x41: {  	_ =	shalt  }
0x42: {  	_ =	shalt  }
0x43: {  	_ =	shalt  }
0x44: {  	_ =	shalt  }
0x45: {  	_ =	shalt  }
0x46: {  	_ =	shalt  }
0x47: {  	_ =	shalt  }
0x48: {  	_ =	shalt  }
0x49: {  	_ =	shalt  }
0x4a: {  	_ =	shalt  }
0x4b: {  	_ =	shalt  }
0x4c: {  	_ =	shalt  }
0x4d: {  	_ =	shalt  }
0x4e: {  	_ =	shalt  }
0x4f: {  	_ =	shalt  }
0x50: {  	_ =	shalt  }
0x51: {  	_ =	shalt  }
0x52: {  	_ =	shalt  }
0x53: {  	_ =	shalt  }
0x54: {  	_ =	shalt  }
0x55: {  	_ =	shalt  }
0x56: {  	_ =	shalt  }
0x57: {  	_ =	shalt  }
0x58: {  	_ =	shalt  }
0x59: {  	_ =	shalt  }
0x5a: {  	_ =	shalt  }
0x5b: {  	_ =	shalt  }
0x5c: {  	_ =	shalt  }
0x5d: {  	_ =	shalt  }
0x5e: {  	_ =	shalt  }
0x5f: {  	_ =	shalt  }
0x60: {  	_ =	shalt  }
0x61: {  	_ =	shalt  }
0x62: {  	_ =	shalt  }
0x63: {  	_ =	shalt  }
0x64: {  	_ =	shalt  }
0x65: {  	_ =	shalt  }
0x66: {  	_ =	shalt  }
0x67: {  	_ =	shalt  }
0x68: {  	_ =	shalt  }
0x69: {  	_ =	shalt  }
0x6a: {  	_ =	shalt  }
0x6b: {  	_ =	shalt  }
0x6c: {  	_ =	shalt  }
0x6d: {  	_ =	shalt  }
0x6e: {  	_ =	shalt  }
0x6f: {  	_ =	shalt  }
0x70: {  	_ =	shalt  }
0x71: {  	_ =	shalt  }
0x72: {  	_ =	shalt  }
0x73: {  	_ =	shalt  }
0x74: {  	_ =	shalt  }
0x75: {  	_ =	shalt  }
0x76: {  	_ =	shalt  }
0x77: {  	_ =	shalt  }
0x78: {  	_ =	shalt  }
0x79: {  	_ =	shalt  }
0x7a: {  	_ =	shalt  }
0x7b: {  	_ =	shalt  }
0x7c: {  	_ =	shalt  }
0x7d: {  	_ =	shalt  }
0x7e: {  	_ =	shalt  }
0x7f: {  	_ =	shalt  }
0x80: {  	_ =	shalt  }
0x81: {  	_ =	shalt  }
0x82: {  	_ =	shalt  }
0x83: {  	_ =	shalt  }
0x84: {  	_ =	shalt  }
0x85: {  	_ =	shalt  }
0x86: {  	_ =	shalt  }
0x87: {  	_ =	shalt  }
.Lfunc_end0:
.L_simem_size_0:
called_computation_lowered:
.L_overlay_start_0:
0x88: {  	s2 =	sld [smem:$0x3FD9]  }
0x89: {  	s3 =	sld [smem:$0x3FFE];
	_ =	sdelay $0x1  }
0x8a: {  	s1 =	srdreg.scid  }
0x8b: {  	s0 =	sand.u32 $0x1, s1  }
0x8c: {  	s17 =	sshll.u32 s0, $0xA;
	s2 =	sadd.s32 s3, s2  }
0x8d: {  	s2 =	sadd.s32 s2, s17  }
0x8e: {  	[smem:$0x3FC6] =	sst s2  }
0x8f: {  	_ = 	snop  }
0x90: {  	s2 =	sld [smem:$0x3FD0];
	(tm) =	ssettm $0x1  }
0x91: {  	s18 =	sld [smem:$0x3FFB];
	_ =	sdelay $0x3  }
0x92: {  	_ =	strace s18  }
0x93: {  	s3 =	sld [smem:$0x3FFC];
	_ =	sdelay $0x3  }
0x94: {  	_ =	strace s3  }
0x95: {  	s3 =	sld [smem:$0x3FFD];
	_ =	sdelay $0x3  }
0x96: {  	_ =	strace s3  }
0x97: {  	_ =	strace $0x8FFFFFFF  }
0x98: {  	s19 =	sld [smem:$0x3FDB];
	_ =	sdelay $0x1  }
0x99: {  	s4 =	simm.s32 $_scs_section_size  }
0x9a: {  	s5 =	simm.s32 $_size__tile_overlayer_lowered;
	s6 =	simm.s32 $_tile_overlayer_lowered  }
0x9b: {  	s22 =	simm.s32 $0x1BFF;
	s21 =	sshll.u32 s6, $0x1;
	s3 =	sadd.s32 s4, s19  }
0x9c: {  	s7 =	simm.s32 $0x0;
	s20 =	sshll.u32 s5, $0x1;
	s5 =	sadd.s32 s21, s3  }
0x9d: {  	[timem:s7], [sflag:s22] =	dma.local [hbm:s5], s20  }
0x9e: {  	_ =	swait.ge [sflag:s22], s20  }
0x9f: {  	s4 =	ssub.s32 $0x0, s20;
	[sflag:s22] =	ssyncset.done $0x0  }
0xa0: {  	[sflag:s22] =	ssyncadd.s32 s4;
	_ =	sdelay $0x1  }
0xa1: {  	s23 =	simm.s32 $0x1B8B  }
0xa2: {  	_ =	swait.ge [sflag:s23], $0x1  }
0xa3: {  	[sflag:s23] =	ssyncset.done $0x0  }
0xa4: {  	s25 =	simm.s32 $0x1B8E;
	s24 =	sld [smem:$0x3FFE];
	[sflag:s23] =	ssyncadd.s32 $0xFFFFFFFF  }
0xa5: {  	s26 =	simm.s32 $execute0_lowered;
	[smem:$0x3FD2] =	sst s25  }
0xa6: {  	s5 =	sshll.u32 s26, $0x1;
	_ =	strace $0x80000046;
	[dreg:$0x1] =	wrdreg $0xFFFFFFFF  }
0xa7: {  	s28 =	simm.s32 $_size_execute0_lowered;
	s3 =	sadd.s32 s3, s5;
	[dreg:$0x0] =	wrdreg $0x0  }
0xa8: {  	s5 =	sshll.u32 s28, $0x1;
	[dreg:$0x2] =	wrdreg s3  }
0xa9: {  	[dreg:$0x3] =	wrdreg s5  }
0xaa: {  	[dreg:$0x4] =	wrdreg $0xC0  }
0xab: {  	_ =	task [dreg:s7], $0x5FFFF  }
0xac: {  	[dreg:$0x1] =	wrdreg $0xFFFFFFFF  }
0xad: {  	[dreg:$0x0] =	wrdreg $0x60  }
0xae: {  	[dreg:$0x2] =	wrdreg s24  }
0xaf: {  	[dreg:$0x3] =	wrdreg s2  }
0xb0: {  	[dreg:$0x4] =	wrdreg $0x9  }
0xb1: {  	_ =	task.clear_ibuf [dreg:s7], $0x5FFFF;
	_ =	strace $0x90000046  }
0xb2: {  	s29 =	simm.s32 $0x9;
	_ =	strace $0x80000048  }
0xb3: {  	_ =	swait.ge [sflag:s29], $0x1  }
0xb4: {  	[sflag:s29] =	ssyncadd.s32 $0xFFFFFFFF  }
0xb5: {  	_ =	strace $0x90000048  }
0xb6: {  	_ =	sfence  }
0xb7: {  	s30 =	sld [smem:$0x0];
	_ =	sdelay $0x2  }
0xb8: {  	s31 =	sshll.u32 s1, $0xD;
	s1 =	sshrl.u32 s1, $0x2  }
0xb9: {  	s3 =	sand.u32 $0x4000, s31;
	s1 =	sadd.s32 s1, s30  }
0xba: {  	s0 =	sor.u32 s3, s0;
	s1 =	sshll.u32 s1, $0x11  }
0xbb: {  	s0 =	sor.u32 s1, s0  }
0xbc: {  	s0 =	sadd.s32 $0x8F2B, s0  }
0xbd: {  	[sflag:s0] =	ssyncadd.remote.s32 $0x1  }
0xbe: {  	_ =	sfence.sel $0xFFFF  }
0xbf: {  	[dreg:$0x0] =	wrdreg $0xFFFFFFFF;
	(pc) =	sbr.abs _section_cstart, $3  }
0xc0: {  	[dreg:$0x1] =	wrdreg $0xFFFFFFFF  }
0xc1: {  	_ =	task.clear_ibuf [dreg:s7], $0x2FFFF;
	_ =	strace $0x9FFFFFFF  }
0xc2: {  	(tm) =	ssettm $0x7FFFFFFF  }
0xc3: {  	_ =	shalt  }
tec
execute0_lowered:
.L_overlay_start_1:
0x0: {  	(tag) =	ssettag $0x1  }
0x1: {  	s0 =	rddreg [dreg:$0x0]  }
0x2: {  	s1 =	rddreg [dreg:$0x1]  }
0x3: {  	s12 =	simm.s32 $0x0;
	s2 =	srdreg.scid;
	s5 =	stileid.u32  }
0x4: {  	s8 =	simm.s32 $0x7;
	s9 =	simm.s32 $0x80;
	s10 =	simm.s32 $0x6400  }
0x5: {  	s11 =	simm.s32 $0x8400;
	s13 =	simm.s32 $0xA400;
	s14 =	simm.s32 $0xC400  }
0x6: {  	s15 =	simm.s32 $0x1;
	s16 =	simm.s32 $0xE400;
	s17 =	simm.s32 $0x400  }
0x7: {  	s18 =	simm.s32 $0x20000;
	s19 =	simm.s32 $0x2;
	s20 =	simm.s32 $0x10400  }
0x8: {  	v0 =	vlaneseq.u32;
	v2 =	vimm.f32 $8.000000000e+00;
	s21 =	simm.s32 $0x5;
	s22 =	simm.s32 $0x3;
	s2 =	sand.u32 $0x1, s2  }
0x9: {  	s23 =	simm.s32 $0x6;
	s24 =	simm.s32 $0x4;
	v1 =	vmul.u32 $0x40, v0;
	v10 =	vor.u32 $0x10, v0;
	v11 =	vor.u32 $0x20, v0;
	s3 =	ssub.s32 $0x2, s2  }
0xa: {  	s26 =	simm.s32 $0x0;
	[smem:$0x7FF] =	sst s12;
	v12 =	vor.u32 $0x30, v0;
	v13 =	vor.u32 $0x40, v0;
	v14 =	vor.u32 $0x50, v0;
	s6 =	sshrl.u32 s3, $0x1  }
0xb: {  	s4 =	sadd.s32 $0x64800, s0;
	s7 =	sshll.u32 s5, $0x3;
	v15 =	vor.u32 $0x60, v0;
	v16 =	vor.u32 $0x70, v0;
	v3 =	vor.u32 $0x400, v1;
	s31 =	ssub.s32 s3, s6  }
0xc: {  	s5 =	sadd.s32 $0x800, s0;
	s2 =	sshll.u32 s2, $0x2;
	v4 =	vor.u32 $0x800, v1;
	v5 =	vor.u32 $0xC00, v1;
	v6 =	vor.u32 $0x1000, v1;
	s0 =	smax.u32 s31, $0x1  }
0xd: {  	_ =	strace $0x80000047;
	v7 =	vor.u32 $0x1400, v1;
	v8 =	vor.u32 $0x1800, v1;
	v9 =	vor.u32 $0x1C00, v1;
	s6 =	sor.u32 s2, s7;
	[dreg:$0x4] =	wrdreg s0  }
.LBB2_1:
0xe: {  	[dreg:$0x3] =	wrdreg s12;
	s25 =	simm.s32 $0x0  }
.LBB2_2:
0xf: {  	s0 =	sadd.s32 s6, s25  }
0x10: {  	s2 =	smul.u32 $0xC80, s0;
	_ =	sdelay $0x1  }
0x11: {  	s2 =	sadd.s32 s5, s2  }
0x12: {  	[tilespmem:s26], [sflag:$0x7] =	stream.linear.gather [hbm4b:s2+s26], $0x6400, $0x38;
	[tilespmem:$0x12400] =	vst v63  }
0x13: {  	_ =	swait.ge [sflag:s8], $0x6400  }
0x14: {  	[sflag:s8] =	ssyncset.done $0x0  }
0x15: {  	[sflag:s8] =	ssyncadd.s32 $0xFFFF9C00  }
0x16: {  	[tilespmem:s10], [sflag:$0x1] =	stream.indirect.gather [hbm4b:s4+s9], $0x40, s26, s9, $0xb8;
	[tilespmem:$0x12400] =	vst v63  }
0x17: {  	_ = 	snop  }
0x18: {  	[tilespmem:s11], [sflag:$0x2] =	stream.indirect.gather [hbm4b:s4+s9], $0x40, s9, s9, $0xb8;
	[tilespmem:$0x12400] =	vst v63  }
0x19: {  	s31 =	simm.s32 $0x100;
	s29 =	simm.s32 $0x0;
	s28 =	sshll.u32 s0, $0xA  }
0x1a: {  	[tilespmem:s13], [sflag:$0x3] =	stream.indirect.gather [hbm4b:s4+s9], $0x40, s31, s9, $0xb8;
	[tilespmem:$0x12400] =	vst v63  }
.LBB2_3:
0x1b: {  	p0 =	seq.s32 s29, $0x0;
	s3 =	sshll.u32 s29, $0x2  }
0x1c: {  	s0 =	simm.s32 @!p0 $0x5;
	s30 =	sor.u32 $0x3, s3  }
0x1d: {  	_ =	swait.ge @!p0 [sflag:s0], $0x2000;
	s2 =	sshll.u32 s30, $0x7  }
0x1e: {  	s7 =	sshll.u32 s29, $0x9;
	[sflag:s0] =	ssyncset.done @!p0 $0x0;
	s31 =	sand.u32 $0x3FFFFF80, s2  }
0x1f: {  	[sflag:s0] =	ssyncadd.s32 @!p0 $0xFFFFE000;
	s0 =	sand.u32 $0x3FFFFE00, s7  }
0x20: {  	[tilespmem:s14], [sflag:$0x4] =	stream.indirect.gather [hbm4b:s4+s9], $0x40, s31, s9, $0xb8;
	[tilespmem:$0x12400] =	vst v63  }
0x21: {  	v17 =	vld [tilespmem:s0+$0x0]  }
0x22: {  	v18 =	vld [tilespmem:s0+$0x10]  }
0x23: {  	v19 =	vld [tilespmem:s0+$0x20]  }
0x24: {  	v25 =	vadd.s32 s26, v0;
	v20 =	vld [tilespmem:s0+$0x30]  }
0x25: {  	v26 =	vand.u32 $0xF, v25;
	v21 =	vld [tilespmem:s0+$0x40]  }
0x26: {  	v24 =	vor.u32 v1, v26;
	v22 =	vld [tilespmem:s0+$0x50]  }
0x27: {  	v28 =	vor.u32 v3, v26;
	v23 =	vld [tilespmem:s0+$0x60]  }
0x28: {  	v29 =	vor.u32 v4, v26;
	v27 =	vld [tilespmem:s0+$0x70];
	_ =	swait.ge [sflag:s15], $0x2000  }
0x29: {  	v30 =	vor.u32 v5, v26;
	[sflag:s15] =	ssyncset.done $0x0  }
0x2a: {  	v33 =	vshll.u32 v25, $0x7;
	v31 =	vor.u32 v6, v26;
	[sflag:s15] =	ssyncadd.s32 $0xFFFFE000  }
0x2b: {  	v56 =	vor.u32 $0x10, v25;
	v32 =	vor.u32 v7, v26;
	v34 =	vor.u32 v8, v26;
	v24 =	vld.idx.msk [tilespmem:v24+s10+$0x0], $0xffff  }
0x2c: {  	v35 =	vor.u32 v9, v26;
	v36 =	vand.u32 $0x780, v33;
	v57 =	vand.u32 $0x1F, v56;
	v28 =	vld.idx.msk [tilespmem:v28+s10+$0x0], $0xffff  }
0x2d: {  	v37 =	vor.u32 v0, v36;
	v38 =	vor.u32 v10, v36;
	v39 =	vor.u32 v11, v36;
	v29 =	vld.idx.msk [tilespmem:v29+s10+$0x0], $0xffff  }
0x2e: {  	v40 =	vor.u32 v12, v36;
	v41 =	vor.u32 v13, v36;
	v30 =	vld.idx.msk [tilespmem:v30+s10+$0x0], $0xffff;
	vm0 =	veq.s32 v17, $0x0  }
0x2f: {  	v31 =	vld.idx.msk [tilespmem:v31+s10+$0x0], $0xffff;
	vm9 =	veq.s32 v18, $0x0;
	vm10 =	veq.s32 v19, $0x0;
	vm11 =	veq.s32 v20, $0x0  }
0x30: {  	v32 =	vld.idx.msk [tilespmem:v32+s10+$0x0], $0xffff;
	vm12 =	veq.s32 v21, $0x0;
	vm13 =	veq.s32 v22, $0x0;
	v17 =	vsel vm0, $0x0, v2  }
0x31: {  	v34 =	vld.idx.msk [tilespmem:v34+s10+$0x0], $0xffff;
	vm14 =	veq.s32 v23, $0x0;
	v18 =	vsel vm9, $0x0, v2;
	v24 =	vmul.f32 v24, v17  }
0x32: {  	v35 =	vld.idx.msk [tilespmem:v35+s10+$0x0], $0xffff;
	vm15 =	veq.s32 v27, $0x0;
	v19 =	vsel vm10, $0x0, v2;
	v28 =	vmul.f32 v28, v18  }
0x33: {  	v20 =	vsel vm11, $0x0, v2;
	[tilespmem:v37+s16+$0x0] =	vst.idx.msk $0xffff, v24;
	v24 =	vmul.f32 v29, v19;
	v29 =	vor.u32 v14, v36  }
0x34: {  	v21 =	vsel vm12, $0x0, v2;
	[tilespmem:v38+s16+$0x0] =	vst.idx.msk $0xffff, v28;
	v28 =	vmul.f32 v30, v20;
	v30 =	vor.u32 v15, v36  }
0x35: {  	v22 =	vsel vm13, $0x0, v2;
	v31 =	vmul.f32 v31, v21;
	v36 =	vor.u32 v16, v36;
	[tilespmem:v39+s16+$0x0] =	vst.idx.msk $0xffff, v24  }
0x36: {  	v23 =	vsel vm14, $0x0, v2;
	v27 =	vmul.f32 v32, v22;
	[tilespmem:v40+s16+$0x0] =	vst.idx.msk $0xffff, v28;
	v28 =	vor.u32 v1, v57  }
0x37: {  	v58 =	vor.u32 v3, v57;
	v24 =	vsel vm15, $0x0, v2;
	[tilespmem:v41+s16+$0x0] =	vst.idx.msk $0xffff, v31;
	v31 =	vmul.f32 v34, v23  }
0x38: {  	[tilespmem:v29+s16+$0x0] =	vst.idx.msk $0xffff, v27;
	v27 =	vmul.f32 v35, v24;
	v29 =	vor.u32 v4, v57  }
0x39: {  	[tilespmem:v30+s16+$0x0] =	vst.idx.msk $0xffff, v31;
	v30 =	vor.u32 v5, v57  }
0x3a: {  	v31 =	vshll.u32 v56, $0x7;
	[tilespmem:v36+s16+$0x0] =	vst.idx.msk $0xffff, v27;
	v27 =	vor.u32 v6, v57  }
0x3b: {  	v33 =	vand.u32 $0x380, v33;
	v59 =	vor.u32 v7, v57;
	v31 =	vand.u32 $0xC00, v31;
	v28 =	vld.idx.msk [tilespmem:v28+s10+$0x0], $0xffff  }
0x3c: {  	v60 =	vor.u32 v8, v57;
	v32 =	vld.idx.msk [tilespmem:v58+s10+$0x0], $0xffff;
	v31 =	vor.u32 v33, v31  }
0x3d: {  	v61 =	vor.u32 v9, v57;
	v62 =	vor.u32 v0, v31;
	v29 =	vld.idx.msk [tilespmem:v29+s10+$0x0], $0xffff  }
0x3e: {  	v63 =	vor.u32 v10, v31;
	v30 =	vld.idx.msk [tilespmem:v30+s10+$0x0], $0xffff  }
0x3f: {  	v45 =	vand.u32 $0x7, v25;
	v26 =	vor.u32 $0x20, v26;
	v46 =	vor.u32 v11, v31;
	v27 =	vld.idx.msk [tilespmem:v27+s10+$0x0], $0xffff  }
0x40: {  	v47 =	vand.u32 $0x28, v26;
	v34 =	vld.idx.msk [tilespmem:v59+s10+$0x0], $0xffff;
	v42 =	vor.u32 v12, v31;
	v28 =	vmul.f32 v28, v17  }
0x41: {  	v39 =	vor.u32 v45, v47;
	v35 =	vld.idx.msk [tilespmem:v60+s10+$0x0], $0xffff;
	v48 =	vor.u32 v13, v31;
	v32 =	vmul.f32 v32, v18  }
0x42: {  	v36 =	vld.idx.msk [tilespmem:v61+s10+$0x0], $0xffff;
	[tilespmem:v62+s16+$0x0] =	vst.idx.msk $0xffff, v28;
	v28 =	vmul.f32 v29, v19;
	v29 =	vor.u32 v14, v31  }
0x43: {  	v49 =	vor.u32 v15, v31;
	[tilespmem:v63+s16+$0x0] =	vst.idx.msk $0xffff, v32;
	v30 =	vmul.f32 v30, v20  }
0x44: {  	[tilespmem:v46+s16+$0x0] =	vst.idx.msk $0xffff, v28;
	v27 =	vmul.f32 v27, v21;
	v28 =	vor.u32 v16, v31  }
0x45: {  	v31 =	vor.u32 v1, v39;
	[tilespmem:v42+s16+$0x0] =	vst.idx.msk $0xffff, v30;
	v30 =	vmul.f32 v34, v22  }
0x46: {  	v50 =	vor.u32 v3, v39;
	[tilespmem:v48+s16+$0x0] =	vst.idx.msk $0xffff, v27;
	v27 =	vmul.f32 v35, v23  }
0x47: {  	[tilespmem:v29+s16+$0x0] =	vst.idx.msk $0xffff, v30;
	v29 =	vmul.f32 v36, v24;
	v30 =	vor.u32 v4, v39  }
0x48: {  	[tilespmem:v49+s16+$0x0] =	vst.idx.msk $0xffff, v27;
	v27 =	vor.u32 v5, v39  }
0x49: {  	v26 =	vshll.u32 v26, $0x7;
	[tilespmem:v28+s16+$0x0] =	vst.idx.msk $0xffff, v29;
	v28 =	vor.u32 v6, v39  }
0x4a: {  	v26 =	vand.u32 $0x1400, v26;
	v29 =	vld.idx.msk [tilespmem:v31+s10+$0x0], $0xffff;
	v31 =	vor.u32 v7, v39  }
0x4b: {  	v26 =	vor.u32 v33, v26;
	v51 =	vor.u32 v8, v39;
	v32 =	vld.idx.msk [tilespmem:v50+s10+$0x0], $0xffff  }
0x4c: {  	v53 =	vor.u32 v0, v26;
	v52 =	vor.u32 v9, v39;
	v30 =	vld.idx.msk [tilespmem:v30+s10+$0x0], $0xffff  }
0x4d: {  	v54 =	vor.u32 v10, v26;
	v27 =	vld.idx.msk [tilespmem:v27+s10+$0x0], $0xffff  }
0x4e: {  	v55 =	vor.u32 v11, v26;
	v28 =	vld.idx.msk [tilespmem:v28+s10+$0x0], $0xffff  }
0x4f: {  	v56 =	vor.u32 v12, v26;
	v31 =	vld.idx.msk [tilespmem:v31+s10+$0x0], $0xffff;
	v29 =	vmul.f32 v29, v17  }
0x50: {  	v57 =	vor.u32 v13, v26;
	v34 =	vld.idx.msk [tilespmem:v51+s10+$0x0], $0xffff;
	v32 =	vmul.f32 v32, v18  }
0x51: {  	v35 =	vld.idx.msk [tilespmem:v52+s10+$0x0], $0xffff;
	[tilespmem:v53+s16+$0x0] =	vst.idx.msk $0xffff, v29;
	v29 =	vmul.f32 v30, v19;
	v30 =	vor.u32 v14, v26  }
0x52: {  	v25 =	vor.u32 $0x30, v25;
	v58 =	vor.u32 v15, v26;
	[tilespmem:v54+s16+$0x0] =	vst.idx.msk $0xffff, v32;
	v27 =	vmul.f32 v27, v20  }
0x53: {  	v59 =	vand.u32 $0x3F, v25;
	v26 =	vor.u32 v16, v26;
	[tilespmem:v55+s16+$0x0] =	vst.idx.msk $0xffff, v29;
	v28 =	vmul.f32 v28, v21  }
0x54: {  	v29 =	vor.u32 v3, v59;
	[tilespmem:v56+s16+$0x0] =	vst.idx.msk $0xffff, v27;
	v27 =	vmul.f32 v31, v22  }
0x55: {  	v31 =	vor.u32 v1, v59;
	[tilespmem:v57+s16+$0x0] =	vst.idx.msk $0xffff, v28;
	v28 =	vmul.f32 v34, v23  }
0x56: {  	v25 =	vshll.u32 v25, $0x7;
	v60 =	vor.u32 v4, v59;
	[tilespmem:v30+s16+$0x0] =	vst.idx.msk $0xffff, v27;
	v27 =	vmul.f32 v35, v24  }
0x57: {  	v25 =	vand.u32 $0x1C00, v25;
	v62 =	vor.u32 v6, v59;
	[tilespmem:v58+s16+$0x0] =	vst.idx.msk $0xffff, v28  }
0x58: {  	v61 =	vor.u32 v33, v25;
	v28 =	vor.u32 v5, v59;
	[tilespmem:v26+s16+$0x0] =	vst.idx.msk $0xffff, v27  }
0x59: {  	v25 =	vor.u32 v14, v61;
	v33 =	vor.u32 v13, v61;
	v63 =	vor.u32 v7, v59;
	v38 =	vld.idx.msk [tilespmem:v29+s10+$0x0], $0xffff  }
0x5a: {  	v45 =	vor.u32 v0, v61;
	v43 =	vor.u32 v10, v61;
	v48 =	vor.u32 v8, v59;
	v51 =	vld.idx.msk [tilespmem:v31+s10+$0x0], $0xffff  }
0x5b: {  	s12 =	simm.s32 $0x1;
	v36 =	vor.u32 v12, v61;
	v49 =	vor.u32 v9, v59;
	v39 =	vor.u32 v11, v61;
	v42 =	vld.idx.msk [tilespmem:v60+s10+$0x0], $0xffff  }
0x5c: {  	v30 =	vor.u32 v16, v61;
	v26 =	vadd.s32 s12, v0;
	v31 =	vor.u32 v15, v61;
	v46 =	vld.idx.msk [tilespmem:v62+s10+$0x0], $0xffff  }
0x5d: {  	v27 =	vshll.u32 v26, $0x7;
	v32 =	vor.u32 $0x10, v26;
	v44 =	vld.idx.msk [tilespmem:v28+s10+$0x0], $0xffff;
	v28 =	vand.u32 $0xF, v26  }
0x5e: {  	v29 =	vand.u32 $0x7, v26;
	v47 =	vld.idx.msk [tilespmem:v63+s10+$0x0], $0xffff;
	v40 =	vor.u32 v1, v28;
	v37 =	vor.u32 v3, v28  }
0x5f: {  	v48 =	vld.idx.msk [tilespmem:v48+s10+$0x0], $0xffff;
	v41 =	vor.u32 v4, v28;
	v34 =	vor.u32 v5, v28;
	v35 =	vor.u32 v7, v28  }
0x60: {  	s7 =	simm.s32 $0x2;
	v49 =	vld.idx.msk [tilespmem:v49+s10+$0x0], $0xffff;
	v50 =	vmul.f32 v38, v18;
	v38 =	vor.u32 v6, v28;
	v51 =	vmul.f32 v51, v17  }
.LBB2_4:
0x61: {  	p1 =	sne.s32 s7, $0xF;
	v52 =	vor.u32 v8, v28;
	v53 =	vand.u32 $0x1F, v32;
	v42 =	vmul.f32 v42, v19;
	s2 =	smov.u32 s7;
	s7 =	sadd.s32 $0x1, s7  }
0x62: {  	v32 =	vshll.u32 v32, $0x7;
	v54 =	vor.u32 $0x20, v28;
	v44 =	vmul.f32 v44, v20;
	[tilespmem:v45+s16+$0x0] =	vst.idx.msk $0xffff, v51  }
0x63: {  	v32 =	vand.u32 $0xC00, v32;
	v45 =	vand.u32 $0x28, v54;
	[tilespmem:v43+s16+$0x0] =	vst.idx.msk $0xffff, v50;
	v43 =	vmul.f32 v46, v21  }
0x64: {  	v29 =	vor.u32 v29, v45;
	v45 =	vshll.u32 v54, $0x7;
	[tilespmem:v39+s16+$0x0] =	vst.idx.msk $0xffff, v42;
	v39 =	vmul.f32 v47, v22  }
0x65: {  	v42 =	vor.u32 $0x30, v26;
	[tilespmem:v36+s16+$0x0] =	vst.idx.msk $0xffff, v44;
	v36 =	vmul.f32 v48, v23  }
0x66: {  	v26 =	vand.u32 $0x3F, v42;
	v42 =	vshll.u32 v42, $0x7;
	[tilespmem:v33+s16+$0x0] =	vst.idx.msk $0xffff, v43;
	v33 =	vmul.f32 v49, v24  }
0x67: {  	[tilespmem:v25+s16+$0x0] =	vst.idx.msk $0xffff, v39  }
0x68: {  	[tilespmem:v31+s16+$0x0] =	vst.idx.msk $0xffff, v36  }
0x69: {  	[tilespmem:v30+s16+$0x0] =	vst.idx.msk $0xffff, v33  }
0x6a: {  	v25 =	vld.idx.msk [tilespmem:v40+s10+$0x0], $0xffff  }
0x6b: {  	v30 =	vld.idx.msk [tilespmem:v37+s10+$0x0], $0xffff  }
0x6c: {  	v28 =	vor.u32 v9, v28;
	v33 =	vand.u32 $0x780, v27;
	v31 =	vld.idx.msk [tilespmem:v41+s10+$0x0], $0xffff  }
0x6d: {  	v36 =	vor.u32 v0, v33;
	v34 =	vld.idx.msk [tilespmem:v34+s10+$0x0], $0xffff  }
0x6e: {  	v37 =	vld.idx.msk [tilespmem:v38+s10+$0x0], $0xffff;
	v38 =	vor.u32 v10, v33  }
0x6f: {  	v39 =	vor.u32 v11, v33;
	v35 =	vld.idx.msk [tilespmem:v35+s10+$0x0], $0xffff  }
0x70: {  	v41 =	vor.u32 v12, v33;
	v25 =	vmul.f32 v25, v17;
	v40 =	vld.idx.msk [tilespmem:v52+s10+$0x0], $0xffff  }
0x71: {  	v43 =	vor.u32 v13, v33;
	v30 =	vmul.f32 v30, v18;
	v28 =	vld.idx.msk [tilespmem:v28+s10+$0x0], $0xffff  }
0x72: {  	[tilespmem:v36+s16+$0x0] =	vst.idx.msk $0xffff, v25;
	v25 =	vmul.f32 v31, v19;
	v31 =	vor.u32 v14, v33  }
0x73: {  	[tilespmem:v38+s16+$0x0] =	vst.idx.msk $0xffff, v30;
	v30 =	vmul.f32 v34, v20;
	v34 =	vor.u32 v15, v33  }
0x74: {  	v33 =	vor.u32 v16, v33;
	[tilespmem:v39+s16+$0x0] =	vst.idx.msk $0xffff, v25;
	v25 =	vmul.f32 v37, v21  }
0x75: {  	[tilespmem:v41+s16+$0x0] =	vst.idx.msk $0xffff, v30;
	v30 =	vmul.f32 v35, v22;
	v35 =	vor.u32 v1, v53  }
0x76: {  	v36 =	vor.u32 v3, v53;
	[tilespmem:v43+s16+$0x0] =	vst.idx.msk $0xffff, v25;
	v25 =	vmul.f32 v40, v23  }
0x77: {  	v28 =	vmul.f32 v28, v24;
	[tilespmem:v31+s16+$0x0] =	vst.idx.msk $0xffff, v30;
	v30 =	vor.u32 v4, v53  }
0x78: {  	[tilespmem:v34+s16+$0x0] =	vst.idx.msk $0xffff, v25;
	v25 =	vor.u32 v5, v53  }
0x79: {  	[tilespmem:v33+s16+$0x0] =	vst.idx.msk $0xffff, v28;
	v28 =	vor.u32 v6, v53  }
0x7a: {  	v34 =	vand.u32 $0x1400, v45;
	v33 =	vor.u32 v7, v53;
	v31 =	vld.idx.msk [tilespmem:v35+s10+$0x0], $0xffff  }
0x7b: {  	v27 =	vand.u32 $0x380, v27;
	v37 =	vand.u32 $0x1C00, v42;
	v35 =	vld.idx.msk [tilespmem:v36+s10+$0x0], $0xffff;
	v36 =	vor.u32 v8, v53  }
0x7c: {  	v32 =	vor.u32 v27, v32;
	v38 =	vor.u32 v9, v53;
	v37 =	vor.u32 v27, v37;
	v30 =	vld.idx.msk [tilespmem:v30+s10+$0x0], $0xffff  }
0x7d: {  	v40 =	vor.u32 v0, v32;
	v27 =	vor.u32 v27, v34;
	v39 =	vld.idx.msk [tilespmem:v25+s10+$0x0], $0xffff;
	v25 =	vor.u32 v14, v37  }
0x7e: {  	v34 =	vor.u32 v10, v32;
	v28 =	vld.idx.msk [tilespmem:v28+s10+$0x0], $0xffff  }
0x7f: {  	v41 =	vor.u32 v11, v32;
	v33 =	vld.idx.msk [tilespmem:v33+s10+$0x0], $0xffff  }
0x80: {  	v42 =	vor.u32 v12, v32;
	v31 =	vmul.f32 v31, v17;
	v36 =	vld.idx.msk [tilespmem:v36+s10+$0x0], $0xffff  }
0x81: {  	v43 =	vor.u32 v13, v32;
	v35 =	vmul.f32 v35, v18;
	v38 =	vld.idx.msk [tilespmem:v38+s10+$0x0], $0xffff  }
0x82: {  	v30 =	vmul.f32 v30, v19;
	[tilespmem:v40+s16+$0x0] =	vst.idx.msk $0xffff, v31;
	v31 =	vor.u32 v14, v32  }
0x83: {  	[tilespmem:v34+s16+$0x0] =	vst.idx.msk $0xffff, v35;
	v34 =	vmul.f32 v39, v20;
	v35 =	vor.u32 v15, v32  }
0x84: {  	v28 =	vmul.f32 v28, v21;
	[tilespmem:v41+s16+$0x0] =	vst.idx.msk $0xffff, v30;
	v30 =	vor.u32 v16, v32  }
0x85: {  	v32 =	vmul.f32 v33, v22;
	v33 =	vor.u32 v1, v29;
	[tilespmem:v42+s16+$0x0] =	vst.idx.msk $0xffff, v34  }
0x86: {  	v34 =	vor.u32 v3, v29;
	[tilespmem:v43+s16+$0x0] =	vst.idx.msk $0xffff, v28;
	v28 =	vmul.f32 v36, v23  }
0x87: {  	[tilespmem:v31+s16+$0x0] =	vst.idx.msk $0xffff, v32;
	v31 =	vmul.f32 v38, v24;
	v32 =	vor.u32 v4, v29  }
0x88: {  	[tilespmem:v35+s16+$0x0] =	vst.idx.msk $0xffff, v28;
	v28 =	vor.u32 v5, v29  }
0x89: {  	[tilespmem:v30+s16+$0x0] =	vst.idx.msk $0xffff, v31;
	v30 =	vor.u32 v6, v29  }
0x8a: {  	v31 =	vld.idx.msk [tilespmem:v33+s10+$0x0], $0xffff;
	v33 =	vor.u32 v7, v29  }
0x8b: {  	v35 =	vor.u32 v8, v29;
	v34 =	vld.idx.msk [tilespmem:v34+s10+$0x0], $0xffff  }
0x8c: {  	v29 =	vor.u32 v9, v29;
	v32 =	vld.idx.msk [tilespmem:v32+s10+$0x0], $0xffff  }
0x8d: {  	v36 =	vor.u32 v0, v27;
	v28 =	vld.idx.msk [tilespmem:v28+s10+$0x0], $0xffff  }
0x8e: {  	v38 =	vor.u32 v10, v27;
	v30 =	vld.idx.msk [tilespmem:v30+s10+$0x0], $0xffff  }
0x8f: {  	v39 =	vor.u32 v11, v27;
	v33 =	vld.idx.msk [tilespmem:v33+s10+$0x0], $0xffff  }
0x90: {  	v40 =	vor.u32 v12, v27;
	v31 =	vmul.f32 v31, v17;
	v35 =	vld.idx.msk [tilespmem:v35+s10+$0x0], $0xffff  }
0x91: {  	v41 =	vor.u32 v13, v27;
	v42 =	vor.u32 v3, v26;
	v34 =	vmul.f32 v34, v18;
	v29 =	vld.idx.msk [tilespmem:v29+s10+$0x0], $0xffff  }
0x92: {  	[tilespmem:v36+s16+$0x0] =	vst.idx.msk $0xffff, v31;
	v31 =	vmul.f32 v32, v19;
	v32 =	vor.u32 v14, v27  }
0x93: {  	v28 =	vmul.f32 v28, v20;
	[tilespmem:v38+s16+$0x0] =	vst.idx.msk $0xffff, v34;
	v34 =	vor.u32 v15, v27  }
0x94: {  	v30 =	vmul.f32 v30, v21;
	v27 =	vor.u32 v16, v27;
	[tilespmem:v39+s16+$0x0] =	vst.idx.msk $0xffff, v31  }
0x95: {  	v31 =	vor.u32 v1, v26;
	[tilespmem:v40+s16+$0x0] =	vst.idx.msk $0xffff, v28;
	v28 =	vmul.f32 v33, v22  }
0x96: {  	[tilespmem:v41+s16+$0x0] =	vst.idx.msk $0xffff, v30;
	v30 =	vmul.f32 v35, v23  }
0x97: {  	[tilespmem:v32+s16+$0x0] =	vst.idx.msk $0xffff, v28;
	v28 =	vmul.f32 v29, v24;
	v29 =	vor.u32 v4, v26  }
0x98: {  	v32 =	vor.u32 v5, v26;
	[tilespmem:v34+s16+$0x0] =	vst.idx.msk $0xffff, v30  }
0x99: {  	v34 =	vor.u32 v6, v26;
	[tilespmem:v27+s16+$0x0] =	vst.idx.msk $0xffff, v28  }
0x9a: {  	v49 =	vor.u32 v9, v26;
	v38 =	vor.u32 v7, v26;
	v35 =	vld.idx.msk [tilespmem:v42+s10+$0x0], $0xffff  }
0x9b: {  	v48 =	vor.u32 v8, v26;
	v30 =	vor.u32 v16, v37;
	v51 =	vld.idx.msk [tilespmem:v31+s10+$0x0], $0xffff;
	v31 =	vor.u32 v15, v37  }
0x9c: {  	v36 =	vor.u32 v12, v37;
	v39 =	vor.u32 v11, v37;
	v33 =	vor.u32 v13, v37;
	v42 =	vld.idx.msk [tilespmem:v29+s10+$0x0], $0xffff  }
.Ltmp0:
0x9d: {  	v45 =	vor.u32 v0, v37;
	v43 =	vor.u32 v10, v37;
	v26 =	vadd.s32 s2, v0;
	v44 =	vld.idx.msk [tilespmem:v32+s10+$0x0], $0xffff;
	(pc) =	sbr.rel @p1 .LBB2_4-.Ltmp0, $4  }
0x9e: {  	v28 =	vand.u32 $0xF, v26;
	v27 =	vshll.u32 v26, $0x7;
	v32 =	vor.u32 $0x10, v26;
	v46 =	vld.idx.msk [tilespmem:v34+s10+$0x0], $0xffff  }
0x9f: {  	v40 =	vor.u32 v1, v28;
	v37 =	vor.u32 v3, v28;
	v29 =	vand.u32 $0x7, v26;
	v47 =	vld.idx.msk [tilespmem:v38+s10+$0x0], $0xffff  }
0xa0: {  	v41 =	vor.u32 v4, v28;
	v34 =	vor.u32 v5, v28;
	v50 =	vmul.f32 v35, v18;
	v48 =	vld.idx.msk [tilespmem:v48+s10+$0x0], $0xffff  }
0xa1: {  	v38 =	vor.u32 v6, v28;
	v35 =	vor.u32 v7, v28;
	v51 =	vmul.f32 v51, v17;
	v49 =	vld.idx.msk [tilespmem:v49+s10+$0x0], $0xffff  }
0xa2: {  	_ =	sdelay $0x3  }
0xa3: {  	v42 =	vmul.f32 v42, v19;
	[tilespmem:v45+s16+$0x0] =	vst.idx.msk $0xffff, v51  }
0xa4: {  	v44 =	vmul.f32 v44, v20;
	[tilespmem:v43+s16+$0x0] =	vst.idx.msk $0xffff, v50  }
0xa5: {  	v57 =	vmul.f32 v46, v21;
	[tilespmem:v39+s16+$0x0] =	vst.idx.msk $0xffff, v42  }
0xa6: {  	v58 =	vmul.f32 v47, v22;
	[tilespmem:v36+s16+$0x0] =	vst.idx.msk $0xffff, v44  }
0xa7: {  	v59 =	vmul.f32 v48, v23;
	[tilespmem:v33+s16+$0x0] =	vst.idx.msk $0xffff, v57  }
0xa8: {  	v60 =	vmul.f32 v49, v24;
	[tilespmem:v25+s16+$0x0] =	vst.idx.msk $0xffff, v58  }
0xa9: {  	[tilespmem:v31+s16+$0x0] =	vst.idx.msk $0xffff, v59  }
0xaa: {  	[tilespmem:v30+s16+$0x0] =	vst.idx.msk $0xffff, v60  }
0xab: {  	v25 =	vld.idx.msk [tilespmem:v40+s10+$0x0], $0xffff  }
0xac: {  	v62 =	vand.u32 $0x780, v27;
	v30 =	vor.u32 v8, v28;
	v31 =	vld.idx.msk [tilespmem:v37+s10+$0x0], $0xffff  }
0xad: {  	v61 =	vor.u32 v9, v28;
	v63 =	vor.u32 v0, v62;
	v33 =	vld.idx.msk [tilespmem:v41+s10+$0x0], $0xffff  }
0xae: {  	v45 =	vor.u32 v10, v62;
	v34 =	vld.idx.msk [tilespmem:v34+s10+$0x0], $0xffff  }
0xaf: {  	v46 =	vor.u32 v11, v62;
	v38 =	vld.idx.msk [tilespmem:v38+s10+$0x0], $0xffff  }
0xb0: {  	v47 =	vor.u32 v12, v62;
	v35 =	vld.idx.msk [tilespmem:v35+s10+$0x0], $0xffff;
	v25 =	vmul.f32 v25, v17  }
0xb1: {  	v48 =	vor.u32 v13, v62;
	v30 =	vld.idx.msk [tilespmem:v30+s10+$0x0], $0xffff;
	v31 =	vmul.f32 v31, v18  }
0xb2: {  	v49 =	vor.u32 v14, v62;
	v36 =	vld.idx.msk [tilespmem:v61+s10+$0x0], $0xffff;
	[tilespmem:v63+s16+$0x0] =	vst.idx.msk $0xffff, v25;
	v25 =	vmul.f32 v33, v19  }
0xb3: {  	v50 =	vor.u32 v15, v62;
	[tilespmem:v45+s16+$0x0] =	vst.idx.msk $0xffff, v31;
	v31 =	vmul.f32 v34, v20  }
0xb4: {  	v51 =	vand.u32 $0x1F, v32;
	v37 =	vor.u32 v16, v62;
	[tilespmem:v46+s16+$0x0] =	vst.idx.msk $0xffff, v25;
	v25 =	vmul.f32 v38, v21  }
0xb5: {  	v52 =	vor.u32 v1, v51;
	[tilespmem:v47+s16+$0x0] =	vst.idx.msk $0xffff, v31;
	v31 =	vmul.f32 v35, v22  }
0xb6: {  	[tilespmem:v48+s16+$0x0] =	vst.idx.msk $0xffff, v25;
	v25 =	vmul.f32 v30, v23;
	v30 =	vor.u32 v3, v51  }
0xb7: {  	v53 =	vor.u32 v4, v51;
	[tilespmem:v49+s16+$0x0] =	vst.idx.msk $0xffff, v31;
	v31 =	vmul.f32 v36, v24  }
0xb8: {  	[tilespmem:v50+s16+$0x0] =	vst.idx.msk $0xffff, v25;
	v25 =	vor.u32 v5, v51  }
0xb9: {  	v54 =	vshll.u32 v32, $0x7;
	[tilespmem:v37+s16+$0x0] =	vst.idx.msk $0xffff, v31;
	v31 =	vor.u32 v6, v51  }
0xba: {  	v27 =	vand.u32 $0x380, v27;
	v32 =	vand.u32 $0xC00, v54;
	v55 =	vor.u32 v7, v51;
	v34 =	vld.idx.msk [tilespmem:v52+s10+$0x0], $0xffff  }
0xbb: {  	v56 =	vor.u32 v8, v51;
	v32 =	vor.u32 v27, v32;
	v30 =	vld.idx.msk [tilespmem:v30+s10+$0x0], $0xffff  }
0xbc: {  	v57 =	vor.u32 v9, v51;
	v58 =	vor.u32 v0, v32;
	v33 =	vld.idx.msk [tilespmem:v53+s10+$0x0], $0xffff  }
0xbd: {  	v59 =	vor.u32 v10, v32;
	v25 =	vld.idx.msk [tilespmem:v25+s10+$0x0], $0xffff  }
0xbe: {  	v28 =	vor.u32 $0x20, v28;
	v60 =	vor.u32 v11, v32;
	v31 =	vld.idx.msk [tilespmem:v31+s10+$0x0], $0xffff  }
0xbf: {  	v61 =	vand.u32 $0x28, v28;
	v62 =	vor.u32 v12, v32;
	v35 =	vld.idx.msk [tilespmem:v55+s10+$0x0], $0xffff;
	v34 =	vmul.f32 v34, v17  }
0xc0: {  	v29 =	vor.u32 v29, v61;
	v63 =	vor.u32 v13, v32;
	v36 =	vld.idx.msk [tilespmem:v56+s10+$0x0], $0xffff;
	v30 =	vmul.f32 v30, v18  }
0xc1: {  	v38 =	vor.u32 v14, v32;
	v37 =	vld.idx.msk [tilespmem:v57+s10+$0x0], $0xffff;
	v33 =	vmul.f32 v33, v19;
	[tilespmem:v58+s16+$0x0] =	vst.idx.msk $0xffff, v34  }
0xc2: {  	[tilespmem:v59+s16+$0x0] =	vst.idx.msk $0xffff, v30;
	v25 =	vmul.f32 v25, v20;
	v30 =	vor.u32 v15, v32  }
0xc3: {  	v32 =	vor.u32 v16, v32;
	[tilespmem:v60+s16+$0x0] =	vst.idx.msk $0xffff, v33;
	v31 =	vmul.f32 v31, v21  }
0xc4: {  	v40 =	vor.u32 v1, v29;
	[tilespmem:v62+s16+$0x0] =	vst.idx.msk $0xffff, v25;
	v25 =	vmul.f32 v35, v22  }
0xc5: {  	v42 =	vor.u32 v3, v29;
	[tilespmem:v63+s16+$0x0] =	vst.idx.msk $0xffff, v31;
	v31 =	vmul.f32 v36, v23  }
0xc6: {  	v43 =	vor.u32 v4, v29;
	[tilespmem:v38+s16+$0x0] =	vst.idx.msk $0xffff, v25;
	v25 =	vmul.f32 v37, v24  }
0xc7: {  	[tilespmem:v30+s16+$0x0] =	vst.idx.msk $0xffff, v31;
	v30 =	vor.u32 v5, v29  }
0xc8: {  	v28 =	vshll.u32 v28, $0x7;
	[tilespmem:v32+s16+$0x0] =	vst.idx.msk $0xffff, v25;
	v25 =	vor.u32 v6, v29  }
0xc9: {  	v28 =	vand.u32 $0x1400, v28;
	v44 =	vor.u32 v7, v29;
	v31 =	vld.idx.msk [tilespmem:v40+s10+$0x0], $0xffff  }
0xca: {  	v28 =	vor.u32 v27, v28;
	v46 =	vor.u32 v8, v29;
	v45 =	vld.idx.msk [tilespmem:v42+s10+$0x0], $0xffff  }
0xcb: {  	v47 =	vor.u32 v0, v28;
	v29 =	vor.u32 v9, v29;
	v34 =	vld.idx.msk [tilespmem:v43+s10+$0x0], $0xffff  }
0xcc: {  	v48 =	vor.u32 v10, v28;
	v30 =	vld.idx.msk [tilespmem:v30+s10+$0x0], $0xffff  }
0xcd: {  	v49 =	vor.u32 v11, v28;
	v25 =	vld.idx.msk [tilespmem:v25+s10+$0x0], $0xffff  }
0xce: {  	v50 =	vor.u32 v12, v28;
	v32 =	vld.idx.msk [tilespmem:v44+s10+$0x0], $0xffff;
	v31 =	vmul.f32 v31, v17  }
0xcf: {  	v51 =	vor.u32 v13, v28;
	v35 =	vld.idx.msk [tilespmem:v46+s10+$0x0], $0xffff;
	v33 =	vmul.f32 v45, v18  }
0xd0: {  	v52 =	vor.u32 v14, v28;
	v29 =	vld.idx.msk [tilespmem:v29+s10+$0x0], $0xffff;
	[tilespmem:v47+s16+$0x0] =	vst.idx.msk $0xffff, v31;
	v31 =	vmul.f32 v34, v19  }
0xd1: {  	v26 =	vor.u32 $0x30, v26;
	v53 =	vor.u32 v15, v28;
	[tilespmem:v48+s16+$0x0] =	vst.idx.msk $0xffff, v33;
	v30 =	vmul.f32 v30, v20  }
0xd2: {  	v54 =	vand.u32 $0x3F, v26;
	v28 =	vor.u32 v16, v28;
	[tilespmem:v49+s16+$0x0] =	vst.idx.msk $0xffff, v31;
	v25 =	vmul.f32 v25, v21  }
0xd3: {  	v31 =	vor.u32 v3, v54;
	[tilespmem:v50+s16+$0x0] =	vst.idx.msk $0xffff, v30;
	v30 =	vmul.f32 v32, v22  }
0xd4: {  	v55 =	vor.u32 v1, v54;
	[tilespmem:v51+s16+$0x0] =	vst.idx.msk $0xffff, v25;
	v25 =	vmul.f32 v35, v23  }
0xd5: {  	v29 =	vmul.f32 v29, v24;
	[tilespmem:v52+s16+$0x0] =	vst.idx.msk $0xffff, v30  }
0xd6: {  	v30 =	vor.u32 v4, v54;
	[tilespmem:v53+s16+$0x0] =	vst.idx.msk $0xffff, v25  }
0xd7: {  	v25 =	vor.u32 v5, v54;
	[tilespmem:v28+s16+$0x0] =	vst.idx.msk $0xffff, v29  }
0xd8: {  	v26 =	vshll.u32 v26, $0x7;
	v28 =	vor.u32 v6, v54;
	v29 =	vld.idx.msk [tilespmem:v31+s10+$0x0], $0xffff  }
0xd9: {  	v26 =	vand.u32 $0x1C00, v26;
	v31 =	vor.u32 v7, v54;
	v32 =	vld.idx.msk [tilespmem:v55+s10+$0x0], $0xffff  }
0xda: {  	v26 =	vor.u32 v27, v26;
	v56 =	vor.u32 v8, v54  }
0xdb: {  	v27 =	vor.u32 v9, v54;
	v57 =	vor.u32 v0, v26;
	v30 =	vld.idx.msk [tilespmem:v30+s10+$0x0], $0xffff  }
0xdc: {  	v58 =	vor.u32 v10, v26;
	v25 =	vld.idx.msk [tilespmem:v25+s10+$0x0], $0xffff  }
0xdd: {  	v59 =	vor.u32 v11, v26;
	v28 =	vld.idx.msk [tilespmem:v28+s10+$0x0], $0xffff  }
0xde: {  	v60 =	vor.u32 v12, v26;
	v31 =	vld.idx.msk [tilespmem:v31+s10+$0x0], $0xffff;
	v17 =	vmul.f32 v32, v17  }
0xdf: {  	v61 =	vor.u32 v13, v26;
	v33 =	vld.idx.msk [tilespmem:v56+s10+$0x0], $0xffff;
	v18 =	vmul.f32 v29, v18  }
0xe0: {  	v27 =	vld.idx.msk [tilespmem:v27+s10+$0x0], $0xffff;
	v29 =	vor.u32 v14, v26;
	v19 =	vmul.f32 v30, v19;
	[tilespmem:v57+s16+$0x0] =	vst.idx.msk $0xffff, v17  }
0xe1: {  	v17 =	vor.u32 v15, v26;
	v20 =	vmul.f32 v25, v20;
	[tilespmem:v58+s16+$0x0] =	vst.idx.msk $0xffff, v18  }
0xe2: {  	v18 =	vor.u32 v16, v26;
	v21 =	vmul.f32 v28, v21;
	[tilespmem:v59+s16+$0x0] =	vst.idx.msk $0xffff, v19  }
0xe3: {  	v19 =	vmul.f32 v31, v22;
	[tilespmem:v60+s16+$0x0] =	vst.idx.msk $0xffff, v20  }
0xe4: {  	s2 =	sshll.u32 s29, $0x16;
	v20 =	vmul.f32 v33, v23;
	[tilespmem:v61+s16+$0x0] =	vst.idx.msk $0xffff, v21  }
0xe5: {  	s2 =	sadd.s32 s28, s2;
	v21 =	vmul.f32 v27, v24;
	[tilespmem:v29+s16+$0x0] =	vst.idx.msk $0xffff, v19  }
0xe6: {  	s2 =	sshrl.u32 s2, $0x3;
	[tilespmem:v17+s16+$0x0] =	vst.idx.msk $0xffff, v20  }
0xe7: {  	s2 =	sadd.s32 s1, s2;
	[tilespmem:v18+s16+$0x0] =	vst.idx.msk $0xffff, v21  }
0xe8: {  	[hbm4b:s2+s17] =	stream.strided.scatter [tilespmem:s16], [sflag:$0x5], $0x2000, s18, s17, $0x38;
	[tilespmem:$0x12400] =	vst v63  }
0xe9: {  	s2 =	simm.s32 @!p0 $0x6  }
0xea: {  	p1 =	seq.s32 @!p0 s29, $0x31;
	_ =	swait.ge @!p0 [sflag:s2], $0x2000  }
0xeb: {  	s7 =	sor.u32 $0x1, s3;
	p1 =	por p0, !p1;
	[sflag:s2] =	ssyncset.done @!p0 $0x0  }
0xec: {  	s12 =	sshll.u32 s7, $0x7;
	[sflag:s2] =	ssyncadd.s32 @!p0 $0xFFFFE000;
	s2 =	sadd.s32 @p1 $0x200, s0  }
0xed: {  	[tilespmem:s10], [sflag:$0x1] =	stream.indirect.gather @p1 [hbm4b:s4+s9], $0x40, s2, s9, $0xb8;
	[tilespmem:$0x12400] =	vst v63  }
0xee: {  	s2 =	sand.u32 $0x3FFFFF80, s12  }
0xef: {  	v17 =	vld [tilespmem:s2+$0x0]  }
0xf0: {  	v18 =	vld [tilespmem:s2+$0x10]  }
0xf1: {  	s12 =	simm.s32 $0x0;
	v19 =	vld [tilespmem:s2+$0x20]  }
0xf2: {  	v20 =	vld [tilespmem:s2+$0x30];
	v25 =	vadd.s32 s12, v0  }
0xf3: {  	v21 =	vld [tilespmem:s2+$0x40];
	v26 =	vand.u32 $0xF, v25  }
0xf4: {  	v22 =	vld [tilespmem:s2+$0x50];
	v24 =	vor.u32 v1, v26  }
0xf5: {  	v23 =	vld [tilespmem:s2+$0x60];
	v28 =	vor.u32 v3, v26  }
0xf6: {  	v27 =	vld [tilespmem:s2+$0x70];
	_ =	swait.ge [sflag:s19], $0x2000;
	v63 =	vshll.u32 v25, $0x7;
	v29 =	vor.u32 v4, v26  }
0xf7: {  	[sflag:s19] =	ssyncset.done $0x0;
	v52 =	vor.u32 $0x10, v25;
	v30 =	vor.u32 v5, v26;
	v31 =	vor.u32 v6, v26  }
0xf8: {  	[sflag:s19] =	ssyncadd.s32 $0xFFFFE000;
	v62 =	vor.u32 v7, v26;
	v44 =	vor.u32 v8, v26;
	v46 =	vand.u32 $0x780, v63  }
0xf9: {  	v45 =	vor.u32 v9, v26;
	v53 =	vand.u32 $0x1F, v52;
	v47 =	vor.u32 v0, v46;
	v24 =	vld.idx.msk [tilespmem:v24+s11+$0x0], $0xffff  }
0xfa: {  	v48 =	vor.u32 v10, v46;
	v49 =	vor.u32 v11, v46;
	v50 =	vor.u32 v12, v46;
	v28 =	vld.idx.msk [tilespmem:v28+s11+$0x0], $0xffff  }
0xfb: {  	v51 =	vor.u32 v13, v46;
	v36 =	vor.u32 v16, v46;
	vm0 =	veq.s32 v17, $0x0;
	v29 =	vld.idx.msk [tilespmem:v29+s11+$0x0], $0xffff  }
0xfc: {  	vm9 =	veq.s32 v18, $0x0;
	vm10 =	veq.s32 v19, $0x0;
	vm11 =	veq.s32 v20, $0x0;
	v30 =	vld.idx.msk [tilespmem:v30+s11+$0x0], $0xffff  }
0xfd: {  	vm12 =	veq.s32 v21, $0x0;
	vm13 =	veq.s32 v22, $0x0;
	v17 =	vsel vm0, $0x0, v2;
	v31 =	vld.idx.msk [tilespmem:v31+s11+$0x0], $0xffff  }
0xfe: {  	vm14 =	veq.s32 v23, $0x0;
	v18 =	vsel vm9, $0x0, v2;
	v32 =	vld.idx.msk [tilespmem:v62+s11+$0x0], $0xffff;
	v24 =	vmul.f32 v24, v17  }
0xff: {  	v19 =	vsel vm10, $0x0, v2;
	v20 =	vsel vm11, $0x0, v2;
	v34 =	vld.idx.msk [tilespmem:v44+s11+$0x0], $0xffff;
	v28 =	vmul.f32 v28, v18  }
0x100: {  	v35 =	vld.idx.msk [tilespmem:v45+s11+$0x0], $0xffff;
	[tilespmem:v47+s20+$0x0] =	vst.idx.msk $0xffff, v24;
	v24 =	vmul.f32 v29, v19;
	v29 =	vor.u32 v14, v46  }
0x101: {  	v21 =	vsel vm12, $0x0, v2;
	[tilespmem:v48+s20+$0x0] =	vst.idx.msk $0xffff, v28;
	v28 =	vmul.f32 v30, v20;
	v30 =	vor.u32 v15, v46  }
0x102: {  	vm15 =	veq.s32 v27, $0x0;
	v22 =	vsel vm13, $0x0, v2;
	v31 =	vmul.f32 v31, v21;
	[tilespmem:v49+s20+$0x0] =	vst.idx.msk $0xffff, v24  }
0x103: {  	v23 =	vsel vm14, $0x0, v2;
	v27 =	vmul.f32 v32, v22;
	[tilespmem:v50+s20+$0x0] =	vst.idx.msk $0xffff, v28;
	v28 =	vor.u32 v1, v53  }
0x104: {  	v54 =	vor.u32 v3, v53;
	v24 =	vsel vm15, $0x0, v2;
	[tilespmem:v51+s20+$0x0] =	vst.idx.msk $0xffff, v31;
	v31 =	vmul.f32 v34, v23  }
0x105: {  	[tilespmem:v29+s20+$0x0] =	vst.idx.msk $0xffff, v27;
	v27 =	vmul.f32 v35, v24;
	v29 =	vor.u32 v4, v53  }
0x106: {  	[tilespmem:v30+s20+$0x0] =	vst.idx.msk $0xffff, v31;
	v30 =	vor.u32 v5, v53  }
0x107: {  	v31 =	vshll.u32 v52, $0x7;
	[tilespmem:v36+s20+$0x0] =	vst.idx.msk $0xffff, v27;
	v27 =	vor.u32 v6, v53  }
0x108: {  	v33 =	vand.u32 $0x380, v63;
	v55 =	vor.u32 v7, v53;
	v31 =	vand.u32 $0xC00, v31;
	v28 =	vld.idx.msk [tilespmem:v28+s11+$0x0], $0xffff  }
0x109: {  	v56 =	vor.u32 v8, v53;
	v32 =	vld.idx.msk [tilespmem:v54+s11+$0x0], $0xffff;
	v31 =	vor.u32 v33, v31  }
0x10a: {  	v57 =	vor.u32 v9, v53;
	v58 =	vor.u32 v0, v31;
	v29 =	vld.idx.msk [tilespmem:v29+s11+$0x0], $0xffff  }
0x10b: {  	v59 =	vor.u32 v10, v31;
	v30 =	vld.idx.msk [tilespmem:v30+s11+$0x0], $0xffff  }
0x10c: {  	v60 =	vand.u32 $0x7, v25;
	v26 =	vor.u32 $0x20, v26;
	v61 =	vor.u32 v11, v31;
	v27 =	vld.idx.msk [tilespmem:v27+s11+$0x0], $0xffff  }
0x10d: {  	v62 =	vand.u32 $0x28, v26;
	v34 =	vld.idx.msk [tilespmem:v55+s11+$0x0], $0xffff;
	v63 =	vor.u32 v12, v31;
	v28 =	vmul.f32 v28, v17  }
0x10e: {  	v39 =	vor.u32 v60, v62;
	v35 =	vld.idx.msk [tilespmem:v56+s11+$0x0], $0xffff;
	v45 =	vor.u32 v13, v31;
	v32 =	vmul.f32 v32, v18  }
0x10f: {  	v36 =	vld.idx.msk [tilespmem:v57+s11+$0x0], $0xffff;
	[tilespmem:v58+s20+$0x0] =	vst.idx.msk $0xffff, v28;
	v28 =	vmul.f32 v29, v19;
	v29 =	vor.u32 v14, v31  }
0x110: {  	v46 =	vor.u32 v15, v31;
	[tilespmem:v59+s20+$0x0] =	vst.idx.msk $0xffff, v32;
	v30 =	vmul.f32 v30, v20  }
0x111: {  	[tilespmem:v61+s20+$0x0] =	vst.idx.msk $0xffff, v28;
	v27 =	vmul.f32 v27, v21;
	v28 =	vor.u32 v16, v31  }
0x112: {  	v31 =	vor.u32 v1, v39;
	[tilespmem:v63+s20+$0x0] =	vst.idx.msk $0xffff, v30;
	v30 =	vmul.f32 v34, v22  }
0x113: {  	v47 =	vor.u32 v3, v39;
	[tilespmem:v45+s20+$0x0] =	vst.idx.msk $0xffff, v27;
	v27 =	vmul.f32 v35, v23  }
0x114: {  	[tilespmem:v29+s20+$0x0] =	vst.idx.msk $0xffff, v30;
	v29 =	vmul.f32 v36, v24;
	v30 =	vor.u32 v4, v39  }
0x115: {  	[tilespmem:v46+s20+$0x0] =	vst.idx.msk $0xffff, v27;
	v27 =	vor.u32 v5, v39  }
0x116: {  	v26 =	vshll.u32 v26, $0x7;
	[tilespmem:v28+s20+$0x0] =	vst.idx.msk $0xffff, v29;
	v28 =	vor.u32 v6, v39  }
0x117: {  	v26 =	vand.u32 $0x1400, v26;
	v29 =	vld.idx.msk [tilespmem:v31+s11+$0x0], $0xffff;
	v31 =	vor.u32 v7, v39  }
0x118: {  	v26 =	vor.u32 v33, v26;
	v48 =	vor.u32 v8, v39;
	v32 =	vld.idx.msk [tilespmem:v47+s11+$0x0], $0xffff  }
0x119: {  	v49 =	vor.u32 v9, v39;
	v50 =	vor.u32 v0, v26;
	v30 =	vld.idx.msk [tilespmem:v30+s11+$0x0], $0xffff  }
0x11a: {  	v51 =	vor.u32 v10, v26;
	v27 =	vld.idx.msk [tilespmem:v27+s11+$0x0], $0xffff  }
0x11b: {  	v52 =	vor.u32 v11, v26;
	v28 =	vld.idx.msk [tilespmem:v28+s11+$0x0], $0xffff  }
0x11c: {  	v53 =	vor.u32 v12, v26;
	v31 =	vld.idx.msk [tilespmem:v31+s11+$0x0], $0xffff;
	v29 =	vmul.f32 v29, v17  }
0x11d: {  	v54 =	vor.u32 v13, v26;
	v34 =	vld.idx.msk [tilespmem:v48+s11+$0x0], $0xffff;
	v32 =	vmul.f32 v32, v18  }
0x11e: {  	v35 =	vld.idx.msk [tilespmem:v49+s11+$0x0], $0xffff;
	[tilespmem:v50+s20+$0x0] =	vst.idx.msk $0xffff, v29;
	v29 =	vmul.f32 v30, v19;
	v30 =	vor.u32 v14, v26  }
0x11f: {  	v25 =	vor.u32 $0x30, v25;
	v55 =	vor.u32 v15, v26;
	[tilespmem:v51+s20+$0x0] =	vst.idx.msk $0xffff, v32;
	v27 =	vmul.f32 v27, v20  }
0x120: {  	v56 =	vand.u32 $0x3F, v25;
	v26 =	vor.u32 v16, v26;
	[tilespmem:v52+s20+$0x0] =	vst.idx.msk $0xffff, v29;
	v28 =	vmul.f32 v28, v21  }
0x121: {  	v29 =	vor.u32 v3, v56;
	[tilespmem:v53+s20+$0x0] =	vst.idx.msk $0xffff, v27;
	v27 =	vmul.f32 v31, v22  }
0x122: {  	v31 =	vor.u32 v1, v56;
	[tilespmem:v54+s20+$0x0] =	vst.idx.msk $0xffff, v28;
	v28 =	vmul.f32 v34, v23  }
0x123: {  	v25 =	vshll.u32 v25, $0x7;
	v57 =	vor.u32 v4, v56;
	[tilespmem:v30+s20+$0x0] =	vst.idx.msk $0xffff, v27;
	v27 =	vmul.f32 v35, v24  }
0x124: {  	v25 =	vand.u32 $0x1C00, v25;
	v59 =	vor.u32 v6, v56;
	[tilespmem:v55+s20+$0x0] =	vst.idx.msk $0xffff, v28  }
0x125: {  	v58 =	vor.u32 v33, v25;
	v28 =	vor.u32 v5, v56;
	[tilespmem:v26+s20+$0x0] =	vst.idx.msk $0xffff, v27  }
0x126: {  	v60 =	vor.u32 v7, v56;
	v25 =	vor.u32 v14, v58;
	v33 =	vor.u32 v13, v58;
	v38 =	vld.idx.msk [tilespmem:v29+s11+$0x0], $0xffff  }
0x127: {  	v43 =	vor.u32 v10, v58;
	v61 =	vor.u32 v9, v56;
	v63 =	vor.u32 v8, v56;
	v62 =	vld.idx.msk [tilespmem:v31+s11+$0x0], $0xffff  }
0x128: {  	s12 =	simm.s32 $0x1;
	v45 =	vor.u32 v0, v58;
	v36 =	vor.u32 v12, v58;
	v39 =	vor.u32 v11, v58;
	v42 =	vld.idx.msk [tilespmem:v57+s11+$0x0], $0xffff  }
0x129: {  	v30 =	vor.u32 v16, v58;
	v26 =	vadd.s32 s12, v0;
	v31 =	vor.u32 v15, v58;
	v46 =	vld.idx.msk [tilespmem:v59+s11+$0x0], $0xffff  }
0x12a: {  	v27 =	vshll.u32 v26, $0x7;
	v32 =	vor.u32 $0x10, v26;
	v44 =	vld.idx.msk [tilespmem:v28+s11+$0x0], $0xffff;
	v28 =	vand.u32 $0xF, v26  }
0x12b: {  	v29 =	vand.u32 $0x7, v26;
	v47 =	vld.idx.msk [tilespmem:v60+s11+$0x0], $0xffff;
	v40 =	vor.u32 v1, v28;
	v37 =	vor.u32 v3, v28  }
0x12c: {  	v48 =	vld.idx.msk [tilespmem:v63+s11+$0x0], $0xffff;
	v41 =	vor.u32 v4, v28;
	v34 =	vor.u32 v5, v28;
	v35 =	vor.u32 v7, v28  }
0x12d: {  	s2 =	simm.s32 $0x2;
	v49 =	vld.idx.msk [tilespmem:v61+s11+$0x0], $0xffff;
	v50 =	vmul.f32 v38, v18;
	v38 =	vor.u32 v6, v28;
	v51 =	vmul.f32 v62, v17  }
.LBB2_6:
0x12e: {  	p0 =	sne.s32 s2, $0xF;
	v52 =	vor.u32 v8, v28;
	v53 =	vand.u32 $0x1F, v32;
	v42 =	vmul.f32 v42, v19;
	s12 =	smov.u32 s2;
	s2 =	sadd.s32 $0x1, s2  }
0x12f: {  	v32 =	vshll.u32 v32, $0x7;
	v54 =	vor.u32 $0x20, v28;
	v44 =	vmul.f32 v44, v20;
	[tilespmem:v45+s20+$0x0] =	vst.idx.msk $0xffff, v51  }
0x130: {  	v32 =	vand.u32 $0xC00, v32;
	v45 =	vand.u32 $0x28, v54;
	[tilespmem:v43+s20+$0x0] =	vst.idx.msk $0xffff, v50;
	v43 =	vmul.f32 v46, v21  }
0x131: {  	v29 =	vor.u32 v29, v45;
	v45 =	vshll.u32 v54, $0x7;
	[tilespmem:v39+s20+$0x0] =	vst.idx.msk $0xffff, v42;
	v39 =	vmul.f32 v47, v22  }
0x132: {  	v42 =	vor.u32 $0x30, v26;
	[tilespmem:v36+s20+$0x0] =	vst.idx.msk $0xffff, v44;
	v36 =	vmul.f32 v48, v23  }
0x133: {  	v26 =	vand.u32 $0x3F, v42;
	v42 =	vshll.u32 v42, $0x7;
	[tilespmem:v33+s20+$0x0] =	vst.idx.msk $0xffff, v43;
	v33 =	vmul.f32 v49, v24  }
0x134: {  	[tilespmem:v25+s20+$0x0] =	vst.idx.msk $0xffff, v39  }
0x135: {  	[tilespmem:v31+s20+$0x0] =	vst.idx.msk $0xffff, v36  }
0x136: {  	[tilespmem:v30+s20+$0x0] =	vst.idx.msk $0xffff, v33  }
0x137: {  	v25 =	vld.idx.msk [tilespmem:v40+s11+$0x0], $0xffff  }
0x138: {  	v30 =	vld.idx.msk [tilespmem:v37+s11+$0x0], $0xffff  }
0x139: {  	v28 =	vor.u32 v9, v28;
	v33 =	vand.u32 $0x780, v27;
	v31 =	vld.idx.msk [tilespmem:v41+s11+$0x0], $0xffff  }
0x13a: {  	v36 =	vor.u32 v0, v33;
	v34 =	vld.idx.msk [tilespmem:v34+s11+$0x0], $0xffff  }
0x13b: {  	v37 =	vld.idx.msk [tilespmem:v38+s11+$0x0], $0xffff;
	v38 =	vor.u32 v10, v33  }
0x13c: {  	v39 =	vor.u32 v11, v33;
	v35 =	vld.idx.msk [tilespmem:v35+s11+$0x0], $0xffff  }
0x13d: {  	v41 =	vor.u32 v12, v33;
	v25 =	vmul.f32 v25, v17;
	v40 =	vld.idx.msk [tilespmem:v52+s11+$0x0], $0xffff  }
0x13e: {  	v43 =	vor.u32 v13, v33;
	v30 =	vmul.f32 v30, v18;
	v28 =	vld.idx.msk [tilespmem:v28+s11+$0x0], $0xffff  }
0x13f: {  	[tilespmem:v36+s20+$0x0] =	vst.idx.msk $0xffff, v25;
	v25 =	vmul.f32 v31, v19;
	v31 =	vor.u32 v14, v33  }
0x140: {  	[tilespmem:v38+s20+$0x0] =	vst.idx.msk $0xffff, v30;
	v30 =	vmul.f32 v34, v20;
	v34 =	vor.u32 v15, v33  }
0x141: {  	v33 =	vor.u32 v16, v33;
	[tilespmem:v39+s20+$0x0] =	vst.idx.msk $0xffff, v25;
	v25 =	vmul.f32 v37, v21  }
0x142: {  	[tilespmem:v41+s20+$0x0] =	vst.idx.msk $0xffff, v30;
	v30 =	vmul.f32 v35, v22;
	v35 =	vor.u32 v1, v53  }
0x143: {  	v36 =	vor.u32 v3, v53;
	[tilespmem:v43+s20+$0x0] =	vst.idx.msk $0xffff, v25;
	v25 =	vmul.f32 v40, v23  }
0x144: {  	v28 =	vmul.f32 v28, v24;
	[tilespmem:v31+s20+$0x0] =	vst.idx.msk $0xffff, v30;
	v30 =	vor.u32 v4, v53  }
0x145: {  	[tilespmem:v34+s20+$0x0] =	vst.idx.msk $0xffff, v25;
	v25 =	vor.u32 v5, v53  }
0x146: {  	[tilespmem:v33+s20+$0x0] =	vst.idx.msk $0xffff, v28;
	v28 =	vor.u32 v6, v53  }
0x147: {  	v34 =	vand.u32 $0x1400, v45;
	v33 =	vor.u32 v7, v53;
	v31 =	vld.idx.msk [tilespmem:v35+s11+$0x0], $0xffff  }
0x148: {  	v27 =	vand.u32 $0x380, v27;
	v37 =	vand.u32 $0x1C00, v42;
	v35 =	vld.idx.msk [tilespmem:v36+s11+$0x0], $0xffff;
	v36 =	vor.u32 v8, v53  }
0x149: {  	v32 =	vor.u32 v27, v32;
	v38 =	vor.u32 v9, v53;
	v37 =	vor.u32 v27, v37;
	v30 =	vld.idx.msk [tilespmem:v30+s11+$0x0], $0xffff  }
0x14a: {  	v40 =	vor.u32 v0, v32;
	v27 =	vor.u32 v27, v34;
	v39 =	vld.idx.msk [tilespmem:v25+s11+$0x0], $0xffff;
	v25 =	vor.u32 v14, v37  }
0x14b: {  	v34 =	vor.u32 v10, v32;
	v28 =	vld.idx.msk [tilespmem:v28+s11+$0x0], $0xffff  }
0x14c: {  	v41 =	vor.u32 v11, v32;
	v33 =	vld.idx.msk [tilespmem:v33+s11+$0x0], $0xffff  }
0x14d: {  	v42 =	vor.u32 v12, v32;
	v31 =	vmul.f32 v31, v17;
	v36 =	vld.idx.msk [tilespmem:v36+s11+$0x0], $0xffff  }
0x14e: {  	v43 =	vor.u32 v13, v32;
	v35 =	vmul.f32 v35, v18;
	v38 =	vld.idx.msk [tilespmem:v38+s11+$0x0], $0xffff  }
0x14f: {  	v30 =	vmul.f32 v30, v19;
	[tilespmem:v40+s20+$0x0] =	vst.idx.msk $0xffff, v31;
	v31 =	vor.u32 v14, v32  }
0x150: {  	[tilespmem:v34+s20+$0x0] =	vst.idx.msk $0xffff, v35;
	v34 =	vmul.f32 v39, v20;
	v35 =	vor.u32 v15, v32  }
0x151: {  	v28 =	vmul.f32 v28, v21;
	[tilespmem:v41+s20+$0x0] =	vst.idx.msk $0xffff, v30;
	v30 =	vor.u32 v16, v32  }
0x152: {  	v32 =	vmul.f32 v33, v22;
	v33 =	vor.u32 v1, v29;
	[tilespmem:v42+s20+$0x0] =	vst.idx.msk $0xffff, v34  }
0x153: {  	v34 =	vor.u32 v3, v29;
	[tilespmem:v43+s20+$0x0] =	vst.idx.msk $0xffff, v28;
	v28 =	vmul.f32 v36, v23  }
0x154: {  	[tilespmem:v31+s20+$0x0] =	vst.idx.msk $0xffff, v32;
	v31 =	vmul.f32 v38, v24;
	v32 =	vor.u32 v4, v29  }
0x155: {  	[tilespmem:v35+s20+$0x0] =	vst.idx.msk $0xffff, v28;
	v28 =	vor.u32 v5, v29  }
0x156: {  	[tilespmem:v30+s20+$0x0] =	vst.idx.msk $0xffff, v31;
	v30 =	vor.u32 v6, v29  }
0x157: {  	v31 =	vld.idx.msk [tilespmem:v33+s11+$0x0], $0xffff;
	v33 =	vor.u32 v7, v29  }
0x158: {  	v35 =	vor.u32 v8, v29;
	v34 =	vld.idx.msk [tilespmem:v34+s11+$0x0], $0xffff  }
0x159: {  	v29 =	vor.u32 v9, v29;
	v32 =	vld.idx.msk [tilespmem:v32+s11+$0x0], $0xffff  }
0x15a: {  	v36 =	vor.u32 v0, v27;
	v28 =	vld.idx.msk [tilespmem:v28+s11+$0x0], $0xffff  }
0x15b: {  	v38 =	vor.u32 v10, v27;
	v30 =	vld.idx.msk [tilespmem:v30+s11+$0x0], $0xffff  }
0x15c: {  	v39 =	vor.u32 v11, v27;
	v33 =	vld.idx.msk [tilespmem:v33+s11+$0x0], $0xffff  }
0x15d: {  	v40 =	vor.u32 v12, v27;
	v31 =	vmul.f32 v31, v17;
	v35 =	vld.idx.msk [tilespmem:v35+s11+$0x0], $0xffff  }
0x15e: {  	v41 =	vor.u32 v13, v27;
	v42 =	vor.u32 v3, v26;
	v34 =	vmul.f32 v34, v18;
	v29 =	vld.idx.msk [tilespmem:v29+s11+$0x0], $0xffff  }
0x15f: {  	[tilespmem:v36+s20+$0x0] =	vst.idx.msk $0xffff, v31;
	v31 =	vmul.f32 v32, v19;
	v32 =	vor.u32 v14, v27  }
0x160: {  	v28 =	vmul.f32 v28, v20;
	[tilespmem:v38+s20+$0x0] =	vst.idx.msk $0xffff, v34;
	v34 =	vor.u32 v15, v27  }
0x161: {  	v30 =	vmul.f32 v30, v21;
	v27 =	vor.u32 v16, v27;
	[tilespmem:v39+s20+$0x0] =	vst.idx.msk $0xffff, v31  }
0x162: {  	v31 =	vor.u32 v1, v26;
	[tilespmem:v40+s20+$0x0] =	vst.idx.msk $0xffff, v28;
	v28 =	vmul.f32 v33, v22  }
0x163: {  	[tilespmem:v41+s20+$0x0] =	vst.idx.msk $0xffff, v30;
	v30 =	vmul.f32 v35, v23  }
0x164: {  	[tilespmem:v32+s20+$0x0] =	vst.idx.msk $0xffff, v28;
	v28 =	vmul.f32 v29, v24;
	v29 =	vor.u32 v4, v26  }
0x165: {  	v32 =	vor.u32 v5, v26;
	[tilespmem:v34+s20+$0x0] =	vst.idx.msk $0xffff, v30  }
0x166: {  	v34 =	vor.u32 v6, v26;
	[tilespmem:v27+s20+$0x0] =	vst.idx.msk $0xffff, v28  }
0x167: {  	v49 =	vor.u32 v9, v26;
	v38 =	vor.u32 v7, v26;
	v35 =	vld.idx.msk [tilespmem:v42+s11+$0x0], $0xffff  }
0x168: {  	v48 =	vor.u32 v8, v26;
	v30 =	vor.u32 v16, v37;
	v51 =	vld.idx.msk [tilespmem:v31+s11+$0x0], $0xffff;
	v31 =	vor.u32 v15, v37  }
0x169: {  	v36 =	vor.u32 v12, v37;
	v39 =	vor.u32 v11, v37;
	v33 =	vor.u32 v13, v37;
	v42 =	vld.idx.msk [tilespmem:v29+s11+$0x0], $0xffff  }
.Ltmp1:
0x16a: {  	v45 =	vor.u32 v0, v37;
	v43 =	vor.u32 v10, v37;
	v26 =	vadd.s32 s12, v0;
	v44 =	vld.idx.msk [tilespmem:v32+s11+$0x0], $0xffff;
	(pc) =	sbr.rel @p0 .LBB2_6-.Ltmp1, $4  }
0x16b: {  	v28 =	vand.u32 $0xF, v26;
	v27 =	vshll.u32 v26, $0x7;
	v32 =	vor.u32 $0x10, v26;
	v46 =	vld.idx.msk [tilespmem:v34+s11+$0x0], $0xffff  }
0x16c: {  	v40 =	vor.u32 v1, v28;
	v37 =	vor.u32 v3, v28;
	v29 =	vand.u32 $0x7, v26;
	v47 =	vld.idx.msk [tilespmem:v38+s11+$0x0], $0xffff  }
0x16d: {  	v41 =	vor.u32 v4, v28;
	v34 =	vor.u32 v5, v28;
	v50 =	vmul.f32 v35, v18;
	v48 =	vld.idx.msk [tilespmem:v48+s11+$0x0], $0xffff  }
0x16e: {  	v38 =	vor.u32 v6, v28;
	v35 =	vor.u32 v7, v28;
	v51 =	vmul.f32 v51, v17;
	v49 =	vld.idx.msk [tilespmem:v49+s11+$0x0], $0xffff  }
0x16f: {  	_ =	sdelay $0x3  }
0x170: {  	v42 =	vmul.f32 v42, v19;
	[tilespmem:v45+s20+$0x0] =	vst.idx.msk $0xffff, v51  }
0x171: {  	v44 =	vmul.f32 v44, v20;
	[tilespmem:v43+s20+$0x0] =	vst.idx.msk $0xffff, v50  }
0x172: {  	v57 =	vmul.f32 v46, v21;
	[tilespmem:v39+s20+$0x0] =	vst.idx.msk $0xffff, v42  }
0x173: {  	v58 =	vmul.f32 v47, v22;
	[tilespmem:v36+s20+$0x0] =	vst.idx.msk $0xffff, v44  }
0x174: {  	v59 =	vmul.f32 v48, v23;
	[tilespmem:v33+s20+$0x0] =	vst.idx.msk $0xffff, v57  }
0x175: {  	v60 =	vmul.f32 v49, v24;
	[tilespmem:v25+s20+$0x0] =	vst.idx.msk $0xffff, v58  }
0x176: {  	[tilespmem:v31+s20+$0x0] =	vst.idx.msk $0xffff, v59  }
0x177: {  	[tilespmem:v30+s20+$0x0] =	vst.idx.msk $0xffff, v60  }
0x178: {  	v25 =	vld.idx.msk [tilespmem:v40+s11+$0x0], $0xffff  }
0x179: {  	v62 =	vand.u32 $0x780, v27;
	v30 =	vor.u32 v8, v28;
	v31 =	vld.idx.msk [tilespmem:v37+s11+$0x0], $0xffff  }
0x17a: {  	v61 =	vor.u32 v9, v28;
	v63 =	vor.u32 v0, v62;
	v33 =	vld.idx.msk [tilespmem:v41+s11+$0x0], $0xffff  }
0x17b: {  	v45 =	vor.u32 v10, v62;
	v34 =	vld.idx.msk [tilespmem:v34+s11+$0x0], $0xffff  }
0x17c: {  	v46 =	vor.u32 v11, v62;
	v38 =	vld.idx.msk [tilespmem:v38+s11+$0x0], $0xffff  }
0x17d: {  	v47 =	vor.u32 v12, v62;
	v35 =	vld.idx.msk [tilespmem:v35+s11+$0x0], $0xffff;
	v25 =	vmul.f32 v25, v17  }
0x17e: {  	v48 =	vor.u32 v13, v62;
	v30 =	vld.idx.msk [tilespmem:v30+s11+$0x0], $0xffff;
	v31 =	vmul.f32 v31, v18  }
0x17f: {  	v49 =	vor.u32 v14, v62;
	v36 =	vld.idx.msk [tilespmem:v61+s11+$0x0], $0xffff;
	[tilespmem:v63+s20+$0x0] =	vst.idx.msk $0xffff, v25;
	v25 =	vmul.f32 v33, v19  }
0x180: {  	v50 =	vor.u32 v15, v62;
	[tilespmem:v45+s20+$0x0] =	vst.idx.msk $0xffff, v31;
	v31 =	vmul.f32 v34, v20  }
0x181: {  	v51 =	vand.u32 $0x1F, v32;
	v37 =	vor.u32 v16, v62;
	[tilespmem:v46+s20+$0x0] =	vst.idx.msk $0xffff, v25;
	v25 =	vmul.f32 v38, v21  }
0x182: {  	v52 =	vor.u32 v1, v51;
	[tilespmem:v47+s20+$0x0] =	vst.idx.msk $0xffff, v31;
	v31 =	vmul.f32 v35, v22  }
0x183: {  	[tilespmem:v48+s20+$0x0] =	vst.idx.msk $0xffff, v25;
	v25 =	vmul.f32 v30, v23;
	v30 =	vor.u32 v3, v51  }
0x184: {  	v53 =	vor.u32 v4, v51;
	[tilespmem:v49+s20+$0x0] =	vst.idx.msk $0xffff, v31;
	v31 =	vmul.f32 v36, v24  }
0x185: {  	[tilespmem:v50+s20+$0x0] =	vst.idx.msk $0xffff, v25;
	v25 =	vor.u32 v5, v51  }
0x186: {  	v54 =	vshll.u32 v32, $0x7;
	[tilespmem:v37+s20+$0x0] =	vst.idx.msk $0xffff, v31;
	v31 =	vor.u32 v6, v51  }
0x187: {  	v27 =	vand.u32 $0x380, v27;
	v32 =	vand.u32 $0xC00, v54;
	v55 =	vor.u32 v7, v51;
	v34 =	vld.idx.msk [tilespmem:v52+s11+$0x0], $0xffff  }
0x188: {  	v56 =	vor.u32 v8, v51;
	v32 =	vor.u32 v27, v32;
	v30 =	vld.idx.msk [tilespmem:v30+s11+$0x0], $0xffff  }
0x189: {  	v57 =	vor.u32 v9, v51;
	v58 =	vor.u32 v0, v32;
	v33 =	vld.idx.msk [tilespmem:v53+s11+$0x0], $0xffff  }
0x18a: {  	v59 =	vor.u32 v10, v32;
	v25 =	vld.idx.msk [tilespmem:v25+s11+$0x0], $0xffff  }
0x18b: {  	v28 =	vor.u32 $0x20, v28;
	v60 =	vor.u32 v11, v32;
	v31 =	vld.idx.msk [tilespmem:v31+s11+$0x0], $0xffff  }
0x18c: {  	v61 =	vand.u32 $0x28, v28;
	v62 =	vor.u32 v12, v32;
	v35 =	vld.idx.msk [tilespmem:v55+s11+$0x0], $0xffff;
	v34 =	vmul.f32 v34, v17  }
0x18d: {  	v29 =	vor.u32 v29, v61;
	v63 =	vor.u32 v13, v32;
	v36 =	vld.idx.msk [tilespmem:v56+s11+$0x0], $0xffff;
	v30 =	vmul.f32 v30, v18  }
0x18e: {  	v38 =	vor.u32 v14, v32;
	v37 =	vld.idx.msk [tilespmem:v57+s11+$0x0], $0xffff;
	v33 =	vmul.f32 v33, v19;
	[tilespmem:v58+s20+$0x0] =	vst.idx.msk $0xffff, v34  }
0x18f: {  	[tilespmem:v59+s20+$0x0] =	vst.idx.msk $0xffff, v30;
	v25 =	vmul.f32 v25, v20;
	v30 =	vor.u32 v15, v32  }
0x190: {  	v32 =	vor.u32 v16, v32;
	[tilespmem:v60+s20+$0x0] =	vst.idx.msk $0xffff, v33;
	v31 =	vmul.f32 v31, v21  }
0x191: {  	v40 =	vor.u32 v1, v29;
	[tilespmem:v62+s20+$0x0] =	vst.idx.msk $0xffff, v25;
	v25 =	vmul.f32 v35, v22  }
0x192: {  	v42 =	vor.u32 v3, v29;
	[tilespmem:v63+s20+$0x0] =	vst.idx.msk $0xffff, v31;
	v31 =	vmul.f32 v36, v23  }
0x193: {  	v43 =	vor.u32 v4, v29;
	[tilespmem:v38+s20+$0x0] =	vst.idx.msk $0xffff, v25;
	v25 =	vmul.f32 v37, v24  }
0x194: {  	[tilespmem:v30+s20+$0x0] =	vst.idx.msk $0xffff, v31;
	v30 =	vor.u32 v5, v29  }
0x195: {  	v28 =	vshll.u32 v28, $0x7;
	[tilespmem:v32+s20+$0x0] =	vst.idx.msk $0xffff, v25;
	v25 =	vor.u32 v6, v29  }
0x196: {  	v28 =	vand.u32 $0x1400, v28;
	v44 =	vor.u32 v7, v29;
	v31 =	vld.idx.msk [tilespmem:v40+s11+$0x0], $0xffff  }
0x197: {  	v28 =	vor.u32 v27, v28;
	v46 =	vor.u32 v8, v29;
	v45 =	vld.idx.msk [tilespmem:v42+s11+$0x0], $0xffff  }
0x198: {  	v47 =	vor.u32 v0, v28;
	v29 =	vor.u32 v9, v29;
	v34 =	vld.idx.msk [tilespmem:v43+s11+$0x0], $0xffff  }
0x199: {  	v48 =	vor.u32 v10, v28;
	v30 =	vld.idx.msk [tilespmem:v30+s11+$0x0], $0xffff  }
0x19a: {  	v49 =	vor.u32 v11, v28;
	v25 =	vld.idx.msk [tilespmem:v25+s11+$0x0], $0xffff  }
0x19b: {  	v50 =	vor.u32 v12, v28;
	v32 =	vld.idx.msk [tilespmem:v44+s11+$0x0], $0xffff;
	v31 =	vmul.f32 v31, v17  }
0x19c: {  	v51 =	vor.u32 v13, v28;
	v35 =	vld.idx.msk [tilespmem:v46+s11+$0x0], $0xffff;
	v33 =	vmul.f32 v45, v18  }
0x19d: {  	v52 =	vor.u32 v14, v28;
	v29 =	vld.idx.msk [tilespmem:v29+s11+$0x0], $0xffff;
	[tilespmem:v47+s20+$0x0] =	vst.idx.msk $0xffff, v31;
	v31 =	vmul.f32 v34, v19  }
0x19e: {  	v26 =	vor.u32 $0x30, v26;
	v53 =	vor.u32 v15, v28;
	[tilespmem:v48+s20+$0x0] =	vst.idx.msk $0xffff, v33;
	v30 =	vmul.f32 v30, v20  }
0x19f: {  	v54 =	vand.u32 $0x3F, v26;
	v28 =	vor.u32 v16, v28;
	[tilespmem:v49+s20+$0x0] =	vst.idx.msk $0xffff, v31;
	v25 =	vmul.f32 v25, v21  }
0x1a0: {  	v31 =	vor.u32 v3, v54;
	[tilespmem:v50+s20+$0x0] =	vst.idx.msk $0xffff, v30;
	v30 =	vmul.f32 v32, v22  }
0x1a1: {  	v55 =	vor.u32 v1, v54;
	[tilespmem:v51+s20+$0x0] =	vst.idx.msk $0xffff, v25;
	v25 =	vmul.f32 v35, v23  }
0x1a2: {  	v29 =	vmul.f32 v29, v24;
	[tilespmem:v52+s20+$0x0] =	vst.idx.msk $0xffff, v30  }
0x1a3: {  	v30 =	vor.u32 v4, v54;
	[tilespmem:v53+s20+$0x0] =	vst.idx.msk $0xffff, v25  }
0x1a4: {  	v25 =	vor.u32 v5, v54;
	[tilespmem:v28+s20+$0x0] =	vst.idx.msk $0xffff, v29  }
0x1a5: {  	v26 =	vshll.u32 v26, $0x7;
	v28 =	vor.u32 v6, v54;
	v29 =	vld.idx.msk [tilespmem:v31+s11+$0x0], $0xffff  }
0x1a6: {  	v26 =	vand.u32 $0x1C00, v26;
	v31 =	vor.u32 v7, v54;
	v32 =	vld.idx.msk [tilespmem:v55+s11+$0x0], $0xffff  }
0x1a7: {  	v26 =	vor.u32 v27, v26;
	v56 =	vor.u32 v8, v54  }
0x1a8: {  	v27 =	vor.u32 v9, v54;
	v57 =	vor.u32 v0, v26;
	v30 =	vld.idx.msk [tilespmem:v30+s11+$0x0], $0xffff  }
0x1a9: {  	v58 =	vor.u32 v10, v26;
	v25 =	vld.idx.msk [tilespmem:v25+s11+$0x0], $0xffff  }
0x1aa: {  	v59 =	vor.u32 v11, v26;
	v28 =	vld.idx.msk [tilespmem:v28+s11+$0x0], $0xffff  }
0x1ab: {  	v60 =	vor.u32 v12, v26;
	v31 =	vld.idx.msk [tilespmem:v31+s11+$0x0], $0xffff;
	v17 =	vmul.f32 v32, v17  }
0x1ac: {  	v61 =	vor.u32 v13, v26;
	v33 =	vld.idx.msk [tilespmem:v56+s11+$0x0], $0xffff;
	v18 =	vmul.f32 v29, v18  }
0x1ad: {  	v27 =	vld.idx.msk [tilespmem:v27+s11+$0x0], $0xffff;
	v29 =	vor.u32 v14, v26;
	v19 =	vmul.f32 v30, v19;
	[tilespmem:v57+s20+$0x0] =	vst.idx.msk $0xffff, v17  }
0x1ae: {  	v17 =	vor.u32 v15, v26;
	v20 =	vmul.f32 v25, v20;
	[tilespmem:v58+s20+$0x0] =	vst.idx.msk $0xffff, v18  }
0x1af: {  	v18 =	vor.u32 v16, v26;
	v21 =	vmul.f32 v28, v21;
	[tilespmem:v59+s20+$0x0] =	vst.idx.msk $0xffff, v19  }
0x1b0: {  	v19 =	vmul.f32 v31, v22;
	[tilespmem:v60+s20+$0x0] =	vst.idx.msk $0xffff, v20  }
0x1b1: {  	s2 =	sshll.u32 s7, $0x14;
	v20 =	vmul.f32 v33, v23;
	[tilespmem:v61+s20+$0x0] =	vst.idx.msk $0xffff, v21  }
0x1b2: {  	s2 =	sadd.s32 s28, s2;
	v21 =	vmul.f32 v27, v24;
	[tilespmem:v29+s20+$0x0] =	vst.idx.msk $0xffff, v19  }
0x1b3: {  	s2 =	sshrl.u32 s2, $0x3;
	[tilespmem:v17+s20+$0x0] =	vst.idx.msk $0xffff, v20  }
0x1b4: {  	s2 =	sadd.s32 s1, s2;
	[tilespmem:v18+s20+$0x0] =	vst.idx.msk $0xffff, v21  }
0x1b5: {  	[hbm4b:s2+s17] =	stream.strided.scatter [tilespmem:s20], [sflag:$0x6], $0x2000, s18, s17, $0x38;
	[tilespmem:$0x12400] =	vst v63  }
0x1b6: {  	p0 =	seq.s32 s29, $0x31;
	_ =	swait.ge [sflag:s21], $0x2000  }
0x1b7: {  	s3 =	sor.u32 $0x2, s3;
	s7 =	simm.s32 @!p0 $0x80;
	[sflag:s21] =	ssyncset.done $0x0  }
0x1b8: {  	s12 =	simm.s32 @!p0 $0x8400;
	s2 =	sadd.s32 @!p0 $0x280, s0;
	[sflag:s21] =	ssyncadd.s32 $0xFFFFE000  }
0x1b9: {  	[tilespmem:s12], [sflag:$0x2] =	stream.indirect.gather @!p0 [hbm4b:s4+s7], $0x40, s2, s7, $0xb8;
	[tilespmem:$0x12400] =	vst v63  }
0x1ba: {  	s7 =	sshll.u32 s3, $0x7  }
0x1bb: {  	s2 =	sand.u32 $0x3FFFFF80, s7  }
0x1bc: {  	v17 =	vld [tilespmem:s2+$0x0]  }
0x1bd: {  	v18 =	vld [tilespmem:s2+$0x10]  }
0x1be: {  	s12 =	simm.s32 $0x0;
	v19 =	vld [tilespmem:s2+$0x20]  }
0x1bf: {  	v25 =	vadd.s32 s12, v0;
	v20 =	vld [tilespmem:s2+$0x30]  }
0x1c0: {  	v21 =	vld [tilespmem:s2+$0x40];
	v26 =	vand.u32 $0xF, v25  }
0x1c1: {  	v22 =	vld [tilespmem:s2+$0x50];
	v24 =	vor.u32 v1, v26  }
0x1c2: {  	v23 =	vld [tilespmem:s2+$0x60];
	v28 =	vor.u32 v3, v26  }
0x1c3: {  	v27 =	vld [tilespmem:s2+$0x70];
	_ =	swait.ge [sflag:s22], $0x2000;
	v63 =	vshll.u32 v25, $0x7;
	v29 =	vor.u32 v4, v26  }
0x1c4: {  	v52 =	vor.u32 $0x10, v25;
	[sflag:s22] =	ssyncset.done $0x0;
	v30 =	vor.u32 v5, v26;
	v31 =	vor.u32 v6, v26  }
0x1c5: {  	v62 =	vor.u32 v7, v26;
	v44 =	vor.u32 v8, v26;
	v46 =	vand.u32 $0x780, v63;
	[sflag:s22] =	ssyncadd.s32 $0xFFFFE000  }
0x1c6: {  	v45 =	vor.u32 v9, v26;
	v53 =	vand.u32 $0x1F, v52;
	v47 =	vor.u32 v0, v46;
	v24 =	vld.idx.msk [tilespmem:v24+s13+$0x0], $0xffff  }
0x1c7: {  	v48 =	vor.u32 v10, v46;
	v49 =	vor.u32 v11, v46;
	v50 =	vor.u32 v12, v46;
	v28 =	vld.idx.msk [tilespmem:v28+s13+$0x0], $0xffff  }
0x1c8: {  	v51 =	vor.u32 v13, v46;
	v36 =	vor.u32 v16, v46;
	vm0 =	veq.s32 v17, $0x0;
	v29 =	vld.idx.msk [tilespmem:v29+s13+$0x0], $0xffff  }
0x1c9: {  	vm9 =	veq.s32 v18, $0x0;
	vm10 =	veq.s32 v19, $0x0;
	vm11 =	veq.s32 v20, $0x0;
	v30 =	vld.idx.msk [tilespmem:v30+s13+$0x0], $0xffff  }
0x1ca: {  	vm12 =	veq.s32 v21, $0x0;
	vm13 =	veq.s32 v22, $0x0;
	v17 =	vsel vm0, $0x0, v2;
	v31 =	vld.idx.msk [tilespmem:v31+s13+$0x0], $0xffff  }
0x1cb: {  	vm14 =	veq.s32 v23, $0x0;
	v18 =	vsel vm9, $0x0, v2;
	v32 =	vld.idx.msk [tilespmem:v62+s13+$0x0], $0xffff;
	v24 =	vmul.f32 v24, v17  }
0x1cc: {  	v19 =	vsel vm10, $0x0, v2;
	v20 =	vsel vm11, $0x0, v2;
	v34 =	vld.idx.msk [tilespmem:v44+s13+$0x0], $0xffff;
	v28 =	vmul.f32 v28, v18  }
0x1cd: {  	v35 =	vld.idx.msk [tilespmem:v45+s13+$0x0], $0xffff;
	[tilespmem:v47+s16+$0x0] =	vst.idx.msk $0xffff, v24;
	v24 =	vmul.f32 v29, v19;
	v29 =	vor.u32 v14, v46  }
0x1ce: {  	v21 =	vsel vm12, $0x0, v2;
	[tilespmem:v48+s16+$0x0] =	vst.idx.msk $0xffff, v28;
	v28 =	vmul.f32 v30, v20;
	v30 =	vor.u32 v15, v46  }
0x1cf: {  	vm15 =	veq.s32 v27, $0x0;
	v22 =	vsel vm13, $0x0, v2;
	v31 =	vmul.f32 v31, v21;
	[tilespmem:v49+s16+$0x0] =	vst.idx.msk $0xffff, v24  }
0x1d0: {  	v23 =	vsel vm14, $0x0, v2;
	v27 =	vmul.f32 v32, v22;
	[tilespmem:v50+s16+$0x0] =	vst.idx.msk $0xffff, v28;
	v28 =	vor.u32 v1, v53  }
0x1d1: {  	v54 =	vor.u32 v3, v53;
	v24 =	vsel vm15, $0x0, v2;
	[tilespmem:v51+s16+$0x0] =	vst.idx.msk $0xffff, v31;
	v31 =	vmul.f32 v34, v23  }
0x1d2: {  	[tilespmem:v29+s16+$0x0] =	vst.idx.msk $0xffff, v27;
	v27 =	vmul.f32 v35, v24;
	v29 =	vor.u32 v4, v53  }
0x1d3: {  	[tilespmem:v30+s16+$0x0] =	vst.idx.msk $0xffff, v31;
	v30 =	vor.u32 v5, v53  }
0x1d4: {  	v31 =	vshll.u32 v52, $0x7;
	[tilespmem:v36+s16+$0x0] =	vst.idx.msk $0xffff, v27;
	v27 =	vor.u32 v6, v53  }
0x1d5: {  	v33 =	vand.u32 $0x380, v63;
	v55 =	vor.u32 v7, v53;
	v31 =	vand.u32 $0xC00, v31;
	v28 =	vld.idx.msk [tilespmem:v28+s13+$0x0], $0xffff  }
0x1d6: {  	v56 =	vor.u32 v8, v53;
	v32 =	vld.idx.msk [tilespmem:v54+s13+$0x0], $0xffff;
	v31 =	vor.u32 v33, v31  }
0x1d7: {  	v57 =	vor.u32 v9, v53;
	v58 =	vor.u32 v0, v31;
	v29 =	vld.idx.msk [tilespmem:v29+s13+$0x0], $0xffff  }
0x1d8: {  	v59 =	vor.u32 v10, v31;
	v30 =	vld.idx.msk [tilespmem:v30+s13+$0x0], $0xffff  }
0x1d9: {  	v60 =	vand.u32 $0x7, v25;
	v26 =	vor.u32 $0x20, v26;
	v61 =	vor.u32 v11, v31;
	v27 =	vld.idx.msk [tilespmem:v27+s13+$0x0], $0xffff  }
0x1da: {  	v62 =	vand.u32 $0x28, v26;
	v34 =	vld.idx.msk [tilespmem:v55+s13+$0x0], $0xffff;
	v63 =	vor.u32 v12, v31;
	v28 =	vmul.f32 v28, v17  }
0x1db: {  	v39 =	vor.u32 v60, v62;
	v35 =	vld.idx.msk [tilespmem:v56+s13+$0x0], $0xffff;
	v45 =	vor.u32 v13, v31;
	v32 =	vmul.f32 v32, v18  }
0x1dc: {  	v36 =	vld.idx.msk [tilespmem:v57+s13+$0x0], $0xffff;
	[tilespmem:v58+s16+$0x0] =	vst.idx.msk $0xffff, v28;
	v28 =	vmul.f32 v29, v19;
	v29 =	vor.u32 v14, v31  }
0x1dd: {  	v46 =	vor.u32 v15, v31;
	[tilespmem:v59+s16+$0x0] =	vst.idx.msk $0xffff, v32;
	v30 =	vmul.f32 v30, v20  }
0x1de: {  	[tilespmem:v61+s16+$0x0] =	vst.idx.msk $0xffff, v28;
	v27 =	vmul.f32 v27, v21;
	v28 =	vor.u32 v16, v31  }
0x1df: {  	v31 =	vor.u32 v1, v39;
	[tilespmem:v63+s16+$0x0] =	vst.idx.msk $0xffff, v30;
	v30 =	vmul.f32 v34, v22  }
0x1e0: {  	v47 =	vor.u32 v3, v39;
	[tilespmem:v45+s16+$0x0] =	vst.idx.msk $0xffff, v27;
	v27 =	vmul.f32 v35, v23  }
0x1e1: {  	[tilespmem:v29+s16+$0x0] =	vst.idx.msk $0xffff, v30;
	v29 =	vmul.f32 v36, v24;
	v30 =	vor.u32 v4, v39  }
0x1e2: {  	[tilespmem:v46+s16+$0x0] =	vst.idx.msk $0xffff, v27;
	v27 =	vor.u32 v5, v39  }
0x1e3: {  	v26 =	vshll.u32 v26, $0x7;
	[tilespmem:v28+s16+$0x0] =	vst.idx.msk $0xffff, v29;
	v28 =	vor.u32 v6, v39  }
0x1e4: {  	v26 =	vand.u32 $0x1400, v26;
	v29 =	vld.idx.msk [tilespmem:v31+s13+$0x0], $0xffff;
	v31 =	vor.u32 v7, v39  }
0x1e5: {  	v26 =	vor.u32 v33, v26;
	v48 =	vor.u32 v8, v39;
	v32 =	vld.idx.msk [tilespmem:v47+s13+$0x0], $0xffff  }
0x1e6: {  	v49 =	vor.u32 v9, v39;
	v50 =	vor.u32 v0, v26;
	v30 =	vld.idx.msk [tilespmem:v30+s13+$0x0], $0xffff  }
0x1e7: {  	v51 =	vor.u32 v10, v26;
	v27 =	vld.idx.msk [tilespmem:v27+s13+$0x0], $0xffff  }
0x1e8: {  	v52 =	vor.u32 v11, v26;
	v28 =	vld.idx.msk [tilespmem:v28+s13+$0x0], $0xffff  }
0x1e9: {  	v53 =	vor.u32 v12, v26;
	v31 =	vld.idx.msk [tilespmem:v31+s13+$0x0], $0xffff;
	v29 =	vmul.f32 v29, v17  }
0x1ea: {  	v54 =	vor.u32 v13, v26;
	v34 =	vld.idx.msk [tilespmem:v48+s13+$0x0], $0xffff;
	v32 =	vmul.f32 v32, v18  }
0x1eb: {  	v35 =	vld.idx.msk [tilespmem:v49+s13+$0x0], $0xffff;
	[tilespmem:v50+s16+$0x0] =	vst.idx.msk $0xffff, v29;
	v29 =	vmul.f32 v30, v19;
	v30 =	vor.u32 v14, v26  }
0x1ec: {  	v25 =	vor.u32 $0x30, v25;
	v55 =	vor.u32 v15, v26;
	[tilespmem:v51+s16+$0x0] =	vst.idx.msk $0xffff, v32;
	v27 =	vmul.f32 v27, v20  }
0x1ed: {  	v56 =	vand.u32 $0x3F, v25;
	v26 =	vor.u32 v16, v26;
	[tilespmem:v52+s16+$0x0] =	vst.idx.msk $0xffff, v29;
	v28 =	vmul.f32 v28, v21  }
0x1ee: {  	v29 =	vor.u32 v3, v56;
	[tilespmem:v53+s16+$0x0] =	vst.idx.msk $0xffff, v27;
	v27 =	vmul.f32 v31, v22  }
0x1ef: {  	v31 =	vor.u32 v1, v56;
	[tilespmem:v54+s16+$0x0] =	vst.idx.msk $0xffff, v28;
	v28 =	vmul.f32 v34, v23  }
0x1f0: {  	v25 =	vshll.u32 v25, $0x7;
	v57 =	vor.u32 v4, v56;
	[tilespmem:v30+s16+$0x0] =	vst.idx.msk $0xffff, v27;
	v27 =	vmul.f32 v35, v24  }
0x1f1: {  	v25 =	vand.u32 $0x1C00, v25;
	v59 =	vor.u32 v6, v56;
	[tilespmem:v55+s16+$0x0] =	vst.idx.msk $0xffff, v28  }
0x1f2: {  	v58 =	vor.u32 v33, v25;
	v28 =	vor.u32 v5, v56;
	[tilespmem:v26+s16+$0x0] =	vst.idx.msk $0xffff, v27  }
0x1f3: {  	v60 =	vor.u32 v7, v56;
	v25 =	vor.u32 v14, v58;
	v33 =	vor.u32 v13, v58;
	v38 =	vld.idx.msk [tilespmem:v29+s13+$0x0], $0xffff  }
0x1f4: {  	v43 =	vor.u32 v10, v58;
	v61 =	vor.u32 v9, v56;
	v63 =	vor.u32 v8, v56;
	v62 =	vld.idx.msk [tilespmem:v31+s13+$0x0], $0xffff  }
0x1f5: {  	s12 =	simm.s32 $0x1;
	v45 =	vor.u32 v0, v58;
	v36 =	vor.u32 v12, v58;
	v39 =	vor.u32 v11, v58;
	v42 =	vld.idx.msk [tilespmem:v57+s13+$0x0], $0xffff  }
0x1f6: {  	v30 =	vor.u32 v16, v58;
	v26 =	vadd.s32 s12, v0;
	v31 =	vor.u32 v15, v58;
	v46 =	vld.idx.msk [tilespmem:v59+s13+$0x0], $0xffff  }
0x1f7: {  	v27 =	vshll.u32 v26, $0x7;
	v32 =	vor.u32 $0x10, v26;
	v44 =	vld.idx.msk [tilespmem:v28+s13+$0x0], $0xffff;
	v28 =	vand.u32 $0xF, v26  }
0x1f8: {  	v29 =	vand.u32 $0x7, v26;
	v47 =	vld.idx.msk [tilespmem:v60+s13+$0x0], $0xffff;
	v40 =	vor.u32 v1, v28;
	v37 =	vor.u32 v3, v28  }
0x1f9: {  	v48 =	vld.idx.msk [tilespmem:v63+s13+$0x0], $0xffff;
	v41 =	vor.u32 v4, v28;
	v34 =	vor.u32 v5, v28;
	v35 =	vor.u32 v7, v28  }
0x1fa: {  	s2 =	simm.s32 $0x2;
	v49 =	vld.idx.msk [tilespmem:v61+s13+$0x0], $0xffff;
	v50 =	vmul.f32 v38, v18;
	v38 =	vor.u32 v6, v28;
	v51 =	vmul.f32 v62, v17  }
.LBB2_8:
0x1fb: {  	p1 =	sne.s32 s2, $0xF;
	v52 =	vor.u32 v8, v28;
	v53 =	vand.u32 $0x1F, v32;
	v42 =	vmul.f32 v42, v19;
	s7 =	smov.u32 s2;
	s2 =	sadd.s32 $0x1, s2  }
0x1fc: {  	v32 =	vshll.u32 v32, $0x7;
	v54 =	vor.u32 $0x20, v28;
	v44 =	vmul.f32 v44, v20;
	[tilespmem:v45+s16+$0x0] =	vst.idx.msk $0xffff, v51  }
0x1fd: {  	v32 =	vand.u32 $0xC00, v32;
	v45 =	vand.u32 $0x28, v54;
	[tilespmem:v43+s16+$0x0] =	vst.idx.msk $0xffff, v50;
	v43 =	vmul.f32 v46, v21  }
0x1fe: {  	v29 =	vor.u32 v29, v45;
	v45 =	vshll.u32 v54, $0x7;
	[tilespmem:v39+s16+$0x0] =	vst.idx.msk $0xffff, v42;
	v39 =	vmul.f32 v47, v22  }
0x1ff: {  	v42 =	vor.u32 $0x30, v26;
	[tilespmem:v36+s16+$0x0] =	vst.idx.msk $0xffff, v44;
	v36 =	vmul.f32 v48, v23  }
0x200: {  	v26 =	vand.u32 $0x3F, v42;
	v42 =	vshll.u32 v42, $0x7;
	[tilespmem:v33+s16+$0x0] =	vst.idx.msk $0xffff, v43;
	v33 =	vmul.f32 v49, v24  }
0x201: {  	[tilespmem:v25+s16+$0x0] =	vst.idx.msk $0xffff, v39  }
0x202: {  	[tilespmem:v31+s16+$0x0] =	vst.idx.msk $0xffff, v36  }
0x203: {  	[tilespmem:v30+s16+$0x0] =	vst.idx.msk $0xffff, v33  }
0x204: {  	v25 =	vld.idx.msk [tilespmem:v40+s13+$0x0], $0xffff  }
0x205: {  	v30 =	vld.idx.msk [tilespmem:v37+s13+$0x0], $0xffff  }
0x206: {  	v28 =	vor.u32 v9, v28;
	v33 =	vand.u32 $0x780, v27;
	v31 =	vld.idx.msk [tilespmem:v41+s13+$0x0], $0xffff  }
0x207: {  	v36 =	vor.u32 v0, v33;
	v34 =	vld.idx.msk [tilespmem:v34+s13+$0x0], $0xffff  }
0x208: {  	v37 =	vld.idx.msk [tilespmem:v38+s13+$0x0], $0xffff;
	v38 =	vor.u32 v10, v33  }
0x209: {  	v39 =	vor.u32 v11, v33;
	v35 =	vld.idx.msk [tilespmem:v35+s13+$0x0], $0xffff  }
0x20a: {  	v41 =	vor.u32 v12, v33;
	v25 =	vmul.f32 v25, v17;
	v40 =	vld.idx.msk [tilespmem:v52+s13+$0x0], $0xffff  }
0x20b: {  	v43 =	vor.u32 v13, v33;
	v30 =	vmul.f32 v30, v18;
	v28 =	vld.idx.msk [tilespmem:v28+s13+$0x0], $0xffff  }
0x20c: {  	[tilespmem:v36+s16+$0x0] =	vst.idx.msk $0xffff, v25;
	v25 =	vmul.f32 v31, v19;
	v31 =	vor.u32 v14, v33  }
0x20d: {  	[tilespmem:v38+s16+$0x0] =	vst.idx.msk $0xffff, v30;
	v30 =	vmul.f32 v34, v20;
	v34 =	vor.u32 v15, v33  }
0x20e: {  	v33 =	vor.u32 v16, v33;
	[tilespmem:v39+s16+$0x0] =	vst.idx.msk $0xffff, v25;
	v25 =	vmul.f32 v37, v21  }
0x20f: {  	[tilespmem:v41+s16+$0x0] =	vst.idx.msk $0xffff, v30;
	v30 =	vmul.f32 v35, v22;
	v35 =	vor.u32 v1, v53  }
0x210: {  	v36 =	vor.u32 v3, v53;
	[tilespmem:v43+s16+$0x0] =	vst.idx.msk $0xffff, v25;
	v25 =	vmul.f32 v40, v23  }
0x211: {  	v28 =	vmul.f32 v28, v24;
	[tilespmem:v31+s16+$0x0] =	vst.idx.msk $0xffff, v30;
	v30 =	vor.u32 v4, v53  }
0x212: {  	[tilespmem:v34+s16+$0x0] =	vst.idx.msk $0xffff, v25;
	v25 =	vor.u32 v5, v53  }
0x213: {  	[tilespmem:v33+s16+$0x0] =	vst.idx.msk $0xffff, v28;
	v28 =	vor.u32 v6, v53  }
0x214: {  	v34 =	vand.u32 $0x1400, v45;
	v33 =	vor.u32 v7, v53;
	v31 =	vld.idx.msk [tilespmem:v35+s13+$0x0], $0xffff  }
0x215: {  	v27 =	vand.u32 $0x380, v27;
	v37 =	vand.u32 $0x1C00, v42;
	v35 =	vld.idx.msk [tilespmem:v36+s13+$0x0], $0xffff;
	v36 =	vor.u32 v8, v53  }
0x216: {  	v32 =	vor.u32 v27, v32;
	v38 =	vor.u32 v9, v53;
	v37 =	vor.u32 v27, v37;
	v30 =	vld.idx.msk [tilespmem:v30+s13+$0x0], $0xffff  }
0x217: {  	v40 =	vor.u32 v0, v32;
	v27 =	vor.u32 v27, v34;
	v39 =	vld.idx.msk [tilespmem:v25+s13+$0x0], $0xffff;
	v25 =	vor.u32 v14, v37  }
0x218: {  	v34 =	vor.u32 v10, v32;
	v28 =	vld.idx.msk [tilespmem:v28+s13+$0x0], $0xffff  }
0x219: {  	v41 =	vor.u32 v11, v32;
	v33 =	vld.idx.msk [tilespmem:v33+s13+$0x0], $0xffff  }
0x21a: {  	v42 =	vor.u32 v12, v32;
	v31 =	vmul.f32 v31, v17;
	v36 =	vld.idx.msk [tilespmem:v36+s13+$0x0], $0xffff  }
0x21b: {  	v43 =	vor.u32 v13, v32;
	v35 =	vmul.f32 v35, v18;
	v38 =	vld.idx.msk [tilespmem:v38+s13+$0x0], $0xffff  }
0x21c: {  	v30 =	vmul.f32 v30, v19;
	[tilespmem:v40+s16+$0x0] =	vst.idx.msk $0xffff, v31;
	v31 =	vor.u32 v14, v32  }
0x21d: {  	[tilespmem:v34+s16+$0x0] =	vst.idx.msk $0xffff, v35;
	v34 =	vmul.f32 v39, v20;
	v35 =	vor.u32 v15, v32  }
0x21e: {  	v28 =	vmul.f32 v28, v21;
	[tilespmem:v41+s16+$0x0] =	vst.idx.msk $0xffff, v30;
	v30 =	vor.u32 v16, v32  }
0x21f: {  	v32 =	vmul.f32 v33, v22;
	v33 =	vor.u32 v1, v29;
	[tilespmem:v42+s16+$0x0] =	vst.idx.msk $0xffff, v34  }
0x220: {  	v34 =	vor.u32 v3, v29;
	[tilespmem:v43+s16+$0x0] =	vst.idx.msk $0xffff, v28;
	v28 =	vmul.f32 v36, v23  }
0x221: {  	[tilespmem:v31+s16+$0x0] =	vst.idx.msk $0xffff, v32;
	v31 =	vmul.f32 v38, v24;
	v32 =	vor.u32 v4, v29  }
0x222: {  	[tilespmem:v35+s16+$0x0] =	vst.idx.msk $0xffff, v28;
	v28 =	vor.u32 v5, v29  }
0x223: {  	[tilespmem:v30+s16+$0x0] =	vst.idx.msk $0xffff, v31;
	v30 =	vor.u32 v6, v29  }
0x224: {  	v31 =	vld.idx.msk [tilespmem:v33+s13+$0x0], $0xffff;
	v33 =	vor.u32 v7, v29  }
0x225: {  	v35 =	vor.u32 v8, v29;
	v34 =	vld.idx.msk [tilespmem:v34+s13+$0x0], $0xffff  }
0x226: {  	v29 =	vor.u32 v9, v29;
	v32 =	vld.idx.msk [tilespmem:v32+s13+$0x0], $0xffff  }
0x227: {  	v36 =	vor.u32 v0, v27;
	v28 =	vld.idx.msk [tilespmem:v28+s13+$0x0], $0xffff  }
0x228: {  	v38 =	vor.u32 v10, v27;
	v30 =	vld.idx.msk [tilespmem:v30+s13+$0x0], $0xffff  }
0x229: {  	v39 =	vor.u32 v11, v27;
	v33 =	vld.idx.msk [tilespmem:v33+s13+$0x0], $0xffff  }
0x22a: {  	v40 =	vor.u32 v12, v27;
	v31 =	vmul.f32 v31, v17;
	v35 =	vld.idx.msk [tilespmem:v35+s13+$0x0], $0xffff  }
0x22b: {  	v41 =	vor.u32 v13, v27;
	v42 =	vor.u32 v3, v26;
	v34 =	vmul.f32 v34, v18;
	v29 =	vld.idx.msk [tilespmem:v29+s13+$0x0], $0xffff  }
0x22c: {  	[tilespmem:v36+s16+$0x0] =	vst.idx.msk $0xffff, v31;
	v31 =	vmul.f32 v32, v19;
	v32 =	vor.u32 v14, v27  }
0x22d: {  	v28 =	vmul.f32 v28, v20;
	[tilespmem:v38+s16+$0x0] =	vst.idx.msk $0xffff, v34;
	v34 =	vor.u32 v15, v27  }
0x22e: {  	v30 =	vmul.f32 v30, v21;
	v27 =	vor.u32 v16, v27;
	[tilespmem:v39+s16+$0x0] =	vst.idx.msk $0xffff, v31  }
0x22f: {  	v31 =	vor.u32 v1, v26;
	[tilespmem:v40+s16+$0x0] =	vst.idx.msk $0xffff, v28;
	v28 =	vmul.f32 v33, v22  }
0x230: {  	[tilespmem:v41+s16+$0x0] =	vst.idx.msk $0xffff, v30;
	v30 =	vmul.f32 v35, v23  }
0x231: {  	[tilespmem:v32+s16+$0x0] =	vst.idx.msk $0xffff, v28;
	v28 =	vmul.f32 v29, v24;
	v29 =	vor.u32 v4, v26  }
0x232: {  	v32 =	vor.u32 v5, v26;
	[tilespmem:v34+s16+$0x0] =	vst.idx.msk $0xffff, v30  }
0x233: {  	v34 =	vor.u32 v6, v26;
	[tilespmem:v27+s16+$0x0] =	vst.idx.msk $0xffff, v28  }
0x234: {  	v49 =	vor.u32 v9, v26;
	v38 =	vor.u32 v7, v26;
	v35 =	vld.idx.msk [tilespmem:v42+s13+$0x0], $0xffff  }
0x235: {  	v48 =	vor.u32 v8, v26;
	v30 =	vor.u32 v16, v37;
	v51 =	vld.idx.msk [tilespmem:v31+s13+$0x0], $0xffff;
	v31 =	vor.u32 v15, v37  }
0x236: {  	v36 =	vor.u32 v12, v37;
	v39 =	vor.u32 v11, v37;
	v33 =	vor.u32 v13, v37;
	v42 =	vld.idx.msk [tilespmem:v29+s13+$0x0], $0xffff  }
.Ltmp2:
0x237: {  	v45 =	vor.u32 v0, v37;
	v43 =	vor.u32 v10, v37;
	v26 =	vadd.s32 s7, v0;
	v44 =	vld.idx.msk [tilespmem:v32+s13+$0x0], $0xffff;
	(pc) =	sbr.rel @p1 .LBB2_8-.Ltmp2, $4  }
0x238: {  	v28 =	vand.u32 $0xF, v26;
	v27 =	vshll.u32 v26, $0x7;
	v32 =	vor.u32 $0x10, v26;
	v46 =	vld.idx.msk [tilespmem:v34+s13+$0x0], $0xffff  }
0x239: {  	v40 =	vor.u32 v1, v28;
	v37 =	vor.u32 v3, v28;
	v29 =	vand.u32 $0x7, v26;
	v47 =	vld.idx.msk [tilespmem:v38+s13+$0x0], $0xffff  }
0x23a: {  	v41 =	vor.u32 v4, v28;
	v34 =	vor.u32 v5, v28;
	v50 =	vmul.f32 v35, v18;
	v48 =	vld.idx.msk [tilespmem:v48+s13+$0x0], $0xffff  }
0x23b: {  	v38 =	vor.u32 v6, v28;
	v35 =	vor.u32 v7, v28;
	v51 =	vmul.f32 v51, v17;
	v49 =	vld.idx.msk [tilespmem:v49+s13+$0x0], $0xffff  }
0x23c: {  	_ =	sdelay $0x3  }
0x23d: {  	v42 =	vmul.f32 v42, v19;
	[tilespmem:v45+s16+$0x0] =	vst.idx.msk $0xffff, v51  }
0x23e: {  	v44 =	vmul.f32 v44, v20;
	[tilespmem:v43+s16+$0x0] =	vst.idx.msk $0xffff, v50  }
0x23f: {  	v57 =	vmul.f32 v46, v21;
	[tilespmem:v39+s16+$0x0] =	vst.idx.msk $0xffff, v42  }
0x240: {  	v58 =	vmul.f32 v47, v22;
	[tilespmem:v36+s16+$0x0] =	vst.idx.msk $0xffff, v44  }
0x241: {  	v59 =	vmul.f32 v48, v23;
	[tilespmem:v33+s16+$0x0] =	vst.idx.msk $0xffff, v57  }
0x242: {  	v60 =	vmul.f32 v49, v24;
	[tilespmem:v25+s16+$0x0] =	vst.idx.msk $0xffff, v58  }
0x243: {  	[tilespmem:v31+s16+$0x0] =	vst.idx.msk $0xffff, v59  }
0x244: {  	[tilespmem:v30+s16+$0x0] =	vst.idx.msk $0xffff, v60  }
0x245: {  	v25 =	vld.idx.msk [tilespmem:v40+s13+$0x0], $0xffff  }
0x246: {  	v62 =	vand.u32 $0x780, v27;
	v30 =	vor.u32 v8, v28;
	v31 =	vld.idx.msk [tilespmem:v37+s13+$0x0], $0xffff  }
0x247: {  	v61 =	vor.u32 v9, v28;
	v63 =	vor.u32 v0, v62;
	v33 =	vld.idx.msk [tilespmem:v41+s13+$0x0], $0xffff  }
0x248: {  	v45 =	vor.u32 v10, v62;
	v34 =	vld.idx.msk [tilespmem:v34+s13+$0x0], $0xffff  }
0x249: {  	v46 =	vor.u32 v11, v62;
	v38 =	vld.idx.msk [tilespmem:v38+s13+$0x0], $0xffff  }
0x24a: {  	v47 =	vor.u32 v12, v62;
	v35 =	vld.idx.msk [tilespmem:v35+s13+$0x0], $0xffff;
	v25 =	vmul.f32 v25, v17  }
0x24b: {  	v48 =	vor.u32 v13, v62;
	v30 =	vld.idx.msk [tilespmem:v30+s13+$0x0], $0xffff;
	v31 =	vmul.f32 v31, v18  }
0x24c: {  	v49 =	vor.u32 v14, v62;
	v36 =	vld.idx.msk [tilespmem:v61+s13+$0x0], $0xffff;
	[tilespmem:v63+s16+$0x0] =	vst.idx.msk $0xffff, v25;
	v25 =	vmul.f32 v33, v19  }
0x24d: {  	v50 =	vor.u32 v15, v62;
	[tilespmem:v45+s16+$0x0] =	vst.idx.msk $0xffff, v31;
	v31 =	vmul.f32 v34, v20  }
0x24e: {  	v51 =	vand.u32 $0x1F, v32;
	v37 =	vor.u32 v16, v62;
	[tilespmem:v46+s16+$0x0] =	vst.idx.msk $0xffff, v25;
	v25 =	vmul.f32 v38, v21  }
0x24f: {  	v52 =	vor.u32 v1, v51;
	[tilespmem:v47+s16+$0x0] =	vst.idx.msk $0xffff, v31;
	v31 =	vmul.f32 v35, v22  }
0x250: {  	[tilespmem:v48+s16+$0x0] =	vst.idx.msk $0xffff, v25;
	v25 =	vmul.f32 v30, v23;
	v30 =	vor.u32 v3, v51  }
0x251: {  	v53 =	vor.u32 v4, v51;
	[tilespmem:v49+s16+$0x0] =	vst.idx.msk $0xffff, v31;
	v31 =	vmul.f32 v36, v24  }
0x252: {  	[tilespmem:v50+s16+$0x0] =	vst.idx.msk $0xffff, v25;
	v25 =	vor.u32 v5, v51  }
0x253: {  	v54 =	vshll.u32 v32, $0x7;
	[tilespmem:v37+s16+$0x0] =	vst.idx.msk $0xffff, v31;
	v31 =	vor.u32 v6, v51  }
0x254: {  	v27 =	vand.u32 $0x380, v27;
	v32 =	vand.u32 $0xC00, v54;
	v55 =	vor.u32 v7, v51;
	v34 =	vld.idx.msk [tilespmem:v52+s13+$0x0], $0xffff  }
0x255: {  	v56 =	vor.u32 v8, v51;
	v32 =	vor.u32 v27, v32;
	v30 =	vld.idx.msk [tilespmem:v30+s13+$0x0], $0xffff  }
0x256: {  	v57 =	vor.u32 v9, v51;
	v58 =	vor.u32 v0, v32;
	v33 =	vld.idx.msk [tilespmem:v53+s13+$0x0], $0xffff  }
0x257: {  	v59 =	vor.u32 v10, v32;
	v25 =	vld.idx.msk [tilespmem:v25+s13+$0x0], $0xffff  }
0x258: {  	v28 =	vor.u32 $0x20, v28;
	v60 =	vor.u32 v11, v32;
	v31 =	vld.idx.msk [tilespmem:v31+s13+$0x0], $0xffff  }
0x259: {  	v61 =	vand.u32 $0x28, v28;
	v62 =	vor.u32 v12, v32;
	v35 =	vld.idx.msk [tilespmem:v55+s13+$0x0], $0xffff;
	v34 =	vmul.f32 v34, v17  }
0x25a: {  	v29 =	vor.u32 v29, v61;
	v63 =	vor.u32 v13, v32;
	v36 =	vld.idx.msk [tilespmem:v56+s13+$0x0], $0xffff;
	v30 =	vmul.f32 v30, v18  }
0x25b: {  	v38 =	vor.u32 v14, v32;
	v37 =	vld.idx.msk [tilespmem:v57+s13+$0x0], $0xffff;
	v33 =	vmul.f32 v33, v19;
	[tilespmem:v58+s16+$0x0] =	vst.idx.msk $0xffff, v34  }
0x25c: {  	[tilespmem:v59+s16+$0x0] =	vst.idx.msk $0xffff, v30;
	v25 =	vmul.f32 v25, v20;
	v30 =	vor.u32 v15, v32  }
0x25d: {  	v32 =	vor.u32 v16, v32;
	[tilespmem:v60+s16+$0x0] =	vst.idx.msk $0xffff, v33;
	v31 =	vmul.f32 v31, v21  }
0x25e: {  	v40 =	vor.u32 v1, v29;
	[tilespmem:v62+s16+$0x0] =	vst.idx.msk $0xffff, v25;
	v25 =	vmul.f32 v35, v22  }
0x25f: {  	v42 =	vor.u32 v3, v29;
	[tilespmem:v63+s16+$0x0] =	vst.idx.msk $0xffff, v31;
	v31 =	vmul.f32 v36, v23  }
0x260: {  	v43 =	vor.u32 v4, v29;
	[tilespmem:v38+s16+$0x0] =	vst.idx.msk $0xffff, v25;
	v25 =	vmul.f32 v37, v24  }
0x261: {  	[tilespmem:v30+s16+$0x0] =	vst.idx.msk $0xffff, v31;
	v30 =	vor.u32 v5, v29  }
0x262: {  	v28 =	vshll.u32 v28, $0x7;
	[tilespmem:v32+s16+$0x0] =	vst.idx.msk $0xffff, v25;
	v25 =	vor.u32 v6, v29  }
0x263: {  	v28 =	vand.u32 $0x1400, v28;
	v44 =	vor.u32 v7, v29;
	v31 =	vld.idx.msk [tilespmem:v40+s13+$0x0], $0xffff  }
0x264: {  	v28 =	vor.u32 v27, v28;
	v46 =	vor.u32 v8, v29;
	v45 =	vld.idx.msk [tilespmem:v42+s13+$0x0], $0xffff  }
0x265: {  	v47 =	vor.u32 v0, v28;
	v29 =	vor.u32 v9, v29;
	v34 =	vld.idx.msk [tilespmem:v43+s13+$0x0], $0xffff  }
0x266: {  	v48 =	vor.u32 v10, v28;
	v30 =	vld.idx.msk [tilespmem:v30+s13+$0x0], $0xffff  }
0x267: {  	v49 =	vor.u32 v11, v28;
	v25 =	vld.idx.msk [tilespmem:v25+s13+$0x0], $0xffff  }
0x268: {  	v50 =	vor.u32 v12, v28;
	v32 =	vld.idx.msk [tilespmem:v44+s13+$0x0], $0xffff;
	v31 =	vmul.f32 v31, v17  }
0x269: {  	v51 =	vor.u32 v13, v28;
	v35 =	vld.idx.msk [tilespmem:v46+s13+$0x0], $0xffff;
	v33 =	vmul.f32 v45, v18  }
0x26a: {  	v52 =	vor.u32 v14, v28;
	v29 =	vld.idx.msk [tilespmem:v29+s13+$0x0], $0xffff;
	[tilespmem:v47+s16+$0x0] =	vst.idx.msk $0xffff, v31;
	v31 =	vmul.f32 v34, v19  }
0x26b: {  	v26 =	vor.u32 $0x30, v26;
	v53 =	vor.u32 v15, v28;
	[tilespmem:v48+s16+$0x0] =	vst.idx.msk $0xffff, v33;
	v30 =	vmul.f32 v30, v20  }
0x26c: {  	v54 =	vand.u32 $0x3F, v26;
	v28 =	vor.u32 v16, v28;
	[tilespmem:v49+s16+$0x0] =	vst.idx.msk $0xffff, v31;
	v25 =	vmul.f32 v25, v21  }
0x26d: {  	v31 =	vor.u32 v3, v54;
	[tilespmem:v50+s16+$0x0] =	vst.idx.msk $0xffff, v30;
	v30 =	vmul.f32 v32, v22  }
0x26e: {  	v55 =	vor.u32 v1, v54;
	[tilespmem:v51+s16+$0x0] =	vst.idx.msk $0xffff, v25;
	v25 =	vmul.f32 v35, v23  }
0x26f: {  	v29 =	vmul.f32 v29, v24;
	[tilespmem:v52+s16+$0x0] =	vst.idx.msk $0xffff, v30  }
0x270: {  	v30 =	vor.u32 v4, v54;
	[tilespmem:v53+s16+$0x0] =	vst.idx.msk $0xffff, v25  }
0x271: {  	v25 =	vor.u32 v5, v54;
	[tilespmem:v28+s16+$0x0] =	vst.idx.msk $0xffff, v29  }
0x272: {  	v26 =	vshll.u32 v26, $0x7;
	v28 =	vor.u32 v6, v54;
	v29 =	vld.idx.msk [tilespmem:v31+s13+$0x0], $0xffff  }
0x273: {  	v26 =	vand.u32 $0x1C00, v26;
	v31 =	vor.u32 v7, v54;
	v32 =	vld.idx.msk [tilespmem:v55+s13+$0x0], $0xffff  }
0x274: {  	v26 =	vor.u32 v27, v26;
	v56 =	vor.u32 v8, v54  }
0x275: {  	v27 =	vor.u32 v9, v54;
	v57 =	vor.u32 v0, v26;
	v30 =	vld.idx.msk [tilespmem:v30+s13+$0x0], $0xffff  }
0x276: {  	v58 =	vor.u32 v10, v26;
	v25 =	vld.idx.msk [tilespmem:v25+s13+$0x0], $0xffff  }
0x277: {  	v59 =	vor.u32 v11, v26;
	v28 =	vld.idx.msk [tilespmem:v28+s13+$0x0], $0xffff  }
0x278: {  	v60 =	vor.u32 v12, v26;
	v31 =	vld.idx.msk [tilespmem:v31+s13+$0x0], $0xffff;
	v17 =	vmul.f32 v32, v17  }
0x279: {  	v61 =	vor.u32 v13, v26;
	v33 =	vld.idx.msk [tilespmem:v56+s13+$0x0], $0xffff;
	v18 =	vmul.f32 v29, v18  }
0x27a: {  	v27 =	vld.idx.msk [tilespmem:v27+s13+$0x0], $0xffff;
	v29 =	vor.u32 v14, v26;
	v19 =	vmul.f32 v30, v19;
	[tilespmem:v57+s16+$0x0] =	vst.idx.msk $0xffff, v17  }
0x27b: {  	v17 =	vor.u32 v15, v26;
	v20 =	vmul.f32 v25, v20;
	[tilespmem:v58+s16+$0x0] =	vst.idx.msk $0xffff, v18  }
0x27c: {  	v18 =	vor.u32 v16, v26;
	v21 =	vmul.f32 v28, v21;
	[tilespmem:v59+s16+$0x0] =	vst.idx.msk $0xffff, v19  }
0x27d: {  	v19 =	vmul.f32 v31, v22;
	[tilespmem:v60+s16+$0x0] =	vst.idx.msk $0xffff, v20  }
0x27e: {  	s2 =	sshll.u32 s3, $0x14;
	v20 =	vmul.f32 v33, v23;
	[tilespmem:v61+s16+$0x0] =	vst.idx.msk $0xffff, v21  }
0x27f: {  	s2 =	sadd.s32 s28, s2;
	v21 =	vmul.f32 v27, v24;
	[tilespmem:v29+s16+$0x0] =	vst.idx.msk $0xffff, v19  }
0x280: {  	s2 =	sshrl.u32 s2, $0x3;
	[tilespmem:v17+s16+$0x0] =	vst.idx.msk $0xffff, v20  }
0x281: {  	s2 =	sadd.s32 s1, s2;
	[tilespmem:v18+s16+$0x0] =	vst.idx.msk $0xffff, v21  }
0x282: {  	[hbm4b:s2+s17] =	stream.strided.scatter [tilespmem:s16], [sflag:$0x5], $0x2000, s18, s17, $0x38;
	[tilespmem:$0x12400] =	vst v63  }
0x283: {  	_ =	swait.ge [sflag:s23], $0x2000  }
0x284: {  	s0 =	sadd.s32 @!p0 $0x300, s0;
	[sflag:s23] =	ssyncset.done $0x0  }
0x285: {  	s3 =	simm.s32 @!p0 $0xA400;
	s2 =	simm.s32 @!p0 $0x80;
	[sflag:s23] =	ssyncadd.s32 $0xFFFFE000  }
0x286: {  	[tilespmem:s3], [sflag:$0x3] =	stream.indirect.gather @!p0 [hbm4b:s4+s2], $0x40, s0, s2, $0xb8;
	[tilespmem:$0x12400] =	vst v63  }
0x287: {  	v17 =	vld [tilespmem:s31+$0x0]  }
0x288: {  	v18 =	vld [tilespmem:s31+$0x10]  }
0x289: {  	s12 =	simm.s32 $0x0;
	v19 =	vld [tilespmem:s31+$0x20]  }
0x28a: {  	v25 =	vadd.s32 s12, v0;
	v20 =	vld [tilespmem:s31+$0x30]  }
0x28b: {  	v26 =	vand.u32 $0xF, v25;
	v21 =	vld [tilespmem:s31+$0x40]  }
0x28c: {  	v24 =	vor.u32 v1, v26;
	v22 =	vld [tilespmem:s31+$0x50]  }
0x28d: {  	v28 =	vor.u32 v3, v26;
	v23 =	vld [tilespmem:s31+$0x60]  }
0x28e: {  	v29 =	vor.u32 v4, v26;
	v27 =	vld [tilespmem:s31+$0x70];
	_ =	swait.ge [sflag:s24], $0x2000  }
0x28f: {  	v30 =	vor.u32 v5, v26;
	[sflag:s24] =	ssyncset.done $0x0  }
0x290: {  	v63 =	vshll.u32 v25, $0x7;
	v31 =	vor.u32 v6, v26;
	[sflag:s24] =	ssyncadd.s32 $0xFFFFE000  }
0x291: {  	v52 =	vor.u32 $0x10, v25;
	v62 =	vor.u32 v7, v26;
	v44 =	vor.u32 v8, v26;
	v24 =	vld.idx.msk [tilespmem:v24+s14+$0x0], $0xffff  }
0x292: {  	v45 =	vor.u32 v9, v26;
	v46 =	vand.u32 $0x780, v63;
	v53 =	vand.u32 $0x1F, v52;
	v28 =	vld.idx.msk [tilespmem:v28+s14+$0x0], $0xffff  }
0x293: {  	v47 =	vor.u32 v0, v46;
	v48 =	vor.u32 v10, v46;
	v49 =	vor.u32 v11, v46;
	v29 =	vld.idx.msk [tilespmem:v29+s14+$0x0], $0xffff  }
0x294: {  	v50 =	vor.u32 v12, v46;
	v51 =	vor.u32 v13, v46;
	v36 =	vor.u32 v16, v46;
	v30 =	vld.idx.msk [tilespmem:v30+s14+$0x0], $0xffff  }
0x295: {  	v31 =	vld.idx.msk [tilespmem:v31+s14+$0x0], $0xffff;
	vm0 =	veq.s32 v17, $0x0;
	vm9 =	veq.s32 v18, $0x0;
	vm10 =	veq.s32 v19, $0x0  }
0x296: {  	v32 =	vld.idx.msk [tilespmem:v62+s14+$0x0], $0xffff;
	vm11 =	veq.s32 v20, $0x0;
	vm12 =	veq.s32 v21, $0x0;
	v17 =	vsel vm0, $0x0, v2  }
0x297: {  	v34 =	vld.idx.msk [tilespmem:v44+s14+$0x0], $0xffff;
	vm13 =	veq.s32 v22, $0x0;
	v18 =	vsel vm9, $0x0, v2;
	v24 =	vmul.f32 v24, v17  }
0x298: {  	v35 =	vld.idx.msk [tilespmem:v45+s14+$0x0], $0xffff;
	vm14 =	veq.s32 v23, $0x0;
	v19 =	vsel vm10, $0x0, v2;
	v28 =	vmul.f32 v28, v18  }
0x299: {  	v20 =	vsel vm11, $0x0, v2;
	[tilespmem:v47+s20+$0x0] =	vst.idx.msk $0xffff, v24;
	v24 =	vmul.f32 v29, v19;
	v29 =	vor.u32 v14, v46  }
0x29a: {  	v21 =	vsel vm12, $0x0, v2;
	[tilespmem:v48+s20+$0x0] =	vst.idx.msk $0xffff, v28;
	v28 =	vmul.f32 v30, v20;
	v30 =	vor.u32 v15, v46  }
0x29b: {  	vm15 =	veq.s32 v27, $0x0;
	v22 =	vsel vm13, $0x0, v2;
	v31 =	vmul.f32 v31, v21;
	[tilespmem:v49+s20+$0x0] =	vst.idx.msk $0xffff, v24  }
0x29c: {  	v23 =	vsel vm14, $0x0, v2;
	v27 =	vmul.f32 v32, v22;
	[tilespmem:v50+s20+$0x0] =	vst.idx.msk $0xffff, v28;
	v28 =	vor.u32 v1, v53  }
0x29d: {  	v54 =	vor.u32 v3, v53;
	v24 =	vsel vm15, $0x0, v2;
	[tilespmem:v51+s20+$0x0] =	vst.idx.msk $0xffff, v31;
	v31 =	vmul.f32 v34, v23  }
0x29e: {  	[tilespmem:v29+s20+$0x0] =	vst.idx.msk $0xffff, v27;
	v27 =	vmul.f32 v35, v24;
	v29 =	vor.u32 v4, v53  }
0x29f: {  	[tilespmem:v30+s20+$0x0] =	vst.idx.msk $0xffff, v31;
	v30 =	vor.u32 v5, v53  }
0x2a0: {  	v31 =	vshll.u32 v52, $0x7;
	[tilespmem:v36+s20+$0x0] =	vst.idx.msk $0xffff, v27;
	v27 =	vor.u32 v6, v53  }
0x2a1: {  	v33 =	vand.u32 $0x380, v63;
	v55 =	vor.u32 v7, v53;
	v31 =	vand.u32 $0xC00, v31;
	v28 =	vld.idx.msk [tilespmem:v28+s14+$0x0], $0xffff  }
0x2a2: {  	v56 =	vor.u32 v8, v53;
	v32 =	vld.idx.msk [tilespmem:v54+s14+$0x0], $0xffff;
	v31 =	vor.u32 v33, v31  }
0x2a3: {  	v57 =	vor.u32 v9, v53;
	v58 =	vor.u32 v0, v31;
	v29 =	vld.idx.msk [tilespmem:v29+s14+$0x0], $0xffff  }
0x2a4: {  	v59 =	vor.u32 v10, v31;
	v30 =	vld.idx.msk [tilespmem:v30+s14+$0x0], $0xffff  }
0x2a5: {  	v60 =	vand.u32 $0x7, v25;
	v26 =	vor.u32 $0x20, v26;
	v61 =	vor.u32 v11, v31;
	v27 =	vld.idx.msk [tilespmem:v27+s14+$0x0], $0xffff  }
0x2a6: {  	v62 =	vand.u32 $0x28, v26;
	v34 =	vld.idx.msk [tilespmem:v55+s14+$0x0], $0xffff;
	v63 =	vor.u32 v12, v31;
	v28 =	vmul.f32 v28, v17  }
0x2a7: {  	v39 =	vor.u32 v60, v62;
	v35 =	vld.idx.msk [tilespmem:v56+s14+$0x0], $0xffff;
	v45 =	vor.u32 v13, v31;
	v32 =	vmul.f32 v32, v18  }
0x2a8: {  	v36 =	vld.idx.msk [tilespmem:v57+s14+$0x0], $0xffff;
	[tilespmem:v58+s20+$0x0] =	vst.idx.msk $0xffff, v28;
	v28 =	vmul.f32 v29, v19;
	v29 =	vor.u32 v14, v31  }
0x2a9: {  	v46 =	vor.u32 v15, v31;
	[tilespmem:v59+s20+$0x0] =	vst.idx.msk $0xffff, v32;
	v30 =	vmul.f32 v30, v20  }
0x2aa: {  	[tilespmem:v61+s20+$0x0] =	vst.idx.msk $0xffff, v28;
	v27 =	vmul.f32 v27, v21;
	v28 =	vor.u32 v16, v31  }
0x2ab: {  	v31 =	vor.u32 v1, v39;
	[tilespmem:v63+s20+$0x0] =	vst.idx.msk $0xffff, v30;
	v30 =	vmul.f32 v34, v22  }
0x2ac: {  	v47 =	vor.u32 v3, v39;
	[tilespmem:v45+s20+$0x0] =	vst.idx.msk $0xffff, v27;
	v27 =	vmul.f32 v35, v23  }
0x2ad: {  	[tilespmem:v29+s20+$0x0] =	vst.idx.msk $0xffff, v30;
	v29 =	vmul.f32 v36, v24;
	v30 =	vor.u32 v4, v39  }
0x2ae: {  	[tilespmem:v46+s20+$0x0] =	vst.idx.msk $0xffff, v27;
	v27 =	vor.u32 v5, v39  }
0x2af: {  	v26 =	vshll.u32 v26, $0x7;
	[tilespmem:v28+s20+$0x0] =	vst.idx.msk $0xffff, v29;
	v28 =	vor.u32 v6, v39  }
0x2b0: {  	v26 =	vand.u32 $0x1400, v26;
	v29 =	vld.idx.msk [tilespmem:v31+s14+$0x0], $0xffff;
	v31 =	vor.u32 v7, v39  }
0x2b1: {  	v26 =	vor.u32 v33, v26;
	v48 =	vor.u32 v8, v39;
	v32 =	vld.idx.msk [tilespmem:v47+s14+$0x0], $0xffff  }
0x2b2: {  	v49 =	vor.u32 v9, v39;
	v50 =	vor.u32 v0, v26;
	v30 =	vld.idx.msk [tilespmem:v30+s14+$0x0], $0xffff  }
0x2b3: {  	v51 =	vor.u32 v10, v26;
	v27 =	vld.idx.msk [tilespmem:v27+s14+$0x0], $0xffff  }
0x2b4: {  	v52 =	vor.u32 v11, v26;
	v28 =	vld.idx.msk [tilespmem:v28+s14+$0x0], $0xffff  }
0x2b5: {  	v53 =	vor.u32 v12, v26;
	v31 =	vld.idx.msk [tilespmem:v31+s14+$0x0], $0xffff;
	v29 =	vmul.f32 v29, v17  }
0x2b6: {  	v54 =	vor.u32 v13, v26;
	v34 =	vld.idx.msk [tilespmem:v48+s14+$0x0], $0xffff;
	v32 =	vmul.f32 v32, v18  }
0x2b7: {  	v35 =	vld.idx.msk [tilespmem:v49+s14+$0x0], $0xffff;
	[tilespmem:v50+s20+$0x0] =	vst.idx.msk $0xffff, v29;
	v29 =	vmul.f32 v30, v19;
	v30 =	vor.u32 v14, v26  }
0x2b8: {  	v25 =	vor.u32 $0x30, v25;
	v55 =	vor.u32 v15, v26;
	[tilespmem:v51+s20+$0x0] =	vst.idx.msk $0xffff, v32;
	v27 =	vmul.f32 v27, v20  }
0x2b9: {  	v56 =	vand.u32 $0x3F, v25;
	v26 =	vor.u32 v16, v26;
	[tilespmem:v52+s20+$0x0] =	vst.idx.msk $0xffff, v29;
	v28 =	vmul.f32 v28, v21  }
0x2ba: {  	v29 =	vor.u32 v3, v56;
	[tilespmem:v53+s20+$0x0] =	vst.idx.msk $0xffff, v27;
	v27 =	vmul.f32 v31, v22  }
0x2bb: {  	v31 =	vor.u32 v1, v56;
	[tilespmem:v54+s20+$0x0] =	vst.idx.msk $0xffff, v28;
	v28 =	vmul.f32 v34, v23  }
0x2bc: {  	v25 =	vshll.u32 v25, $0x7;
	v57 =	vor.u32 v4, v56;
	[tilespmem:v30+s20+$0x0] =	vst.idx.msk $0xffff, v27;
	v27 =	vmul.f32 v35, v24  }
0x2bd: {  	v25 =	vand.u32 $0x1C00, v25;
	v59 =	vor.u32 v6, v56;
	[tilespmem:v55+s20+$0x0] =	vst.idx.msk $0xffff, v28  }
0x2be: {  	v58 =	vor.u32 v33, v25;
	v28 =	vor.u32 v5, v56;
	[tilespmem:v26+s20+$0x0] =	vst.idx.msk $0xffff, v27  }
0x2bf: {  	v60 =	vor.u32 v7, v56;
	v25 =	vor.u32 v14, v58;
	v33 =	vor.u32 v13, v58;
	v38 =	vld.idx.msk [tilespmem:v29+s14+$0x0], $0xffff  }
0x2c0: {  	v43 =	vor.u32 v10, v58;
	v61 =	vor.u32 v9, v56;
	v63 =	vor.u32 v8, v56;
	v62 =	vld.idx.msk [tilespmem:v31+s14+$0x0], $0xffff  }
0x2c1: {  	s31 =	simm.s32 $0x1;
	v45 =	vor.u32 v0, v58;
	v36 =	vor.u32 v12, v58;
	v39 =	vor.u32 v11, v58;
	v42 =	vld.idx.msk [tilespmem:v57+s14+$0x0], $0xffff  }
0x2c2: {  	v30 =	vor.u32 v16, v58;
	v26 =	vadd.s32 s31, v0;
	v31 =	vor.u32 v15, v58;
	v46 =	vld.idx.msk [tilespmem:v59+s14+$0x0], $0xffff  }
0x2c3: {  	v27 =	vshll.u32 v26, $0x7;
	v32 =	vor.u32 $0x10, v26;
	v44 =	vld.idx.msk [tilespmem:v28+s14+$0x0], $0xffff;
	v28 =	vand.u32 $0xF, v26  }
0x2c4: {  	v29 =	vand.u32 $0x7, v26;
	v47 =	vld.idx.msk [tilespmem:v60+s14+$0x0], $0xffff;
	v40 =	vor.u32 v1, v28;
	v37 =	vor.u32 v3, v28  }
0x2c5: {  	v48 =	vld.idx.msk [tilespmem:v63+s14+$0x0], $0xffff;
	v41 =	vor.u32 v4, v28;
	v34 =	vor.u32 v5, v28;
	v35 =	vor.u32 v7, v28  }
0x2c6: {  	s0 =	simm.s32 $0x2;
	v49 =	vld.idx.msk [tilespmem:v61+s14+$0x0], $0xffff;
	v50 =	vmul.f32 v38, v18;
	v38 =	vor.u32 v6, v28;
	v51 =	vmul.f32 v62, v17  }
.LBB2_10:
0x2c7: {  	p0 =	sne.s32 s0, $0xF;
	v52 =	vor.u32 v8, v28;
	v53 =	vand.u32 $0x1F, v32;
	v42 =	vmul.f32 v42, v19;
	s2 =	smov.u32 s0;
	s0 =	sadd.s32 $0x1, s0  }
0x2c8: {  	v32 =	vshll.u32 v32, $0x7;
	v54 =	vor.u32 $0x20, v28;
	v44 =	vmul.f32 v44, v20;
	[tilespmem:v45+s20+$0x0] =	vst.idx.msk $0xffff, v51  }
0x2c9: {  	v32 =	vand.u32 $0xC00, v32;
	v45 =	vand.u32 $0x28, v54;
	[tilespmem:v43+s20+$0x0] =	vst.idx.msk $0xffff, v50;
	v43 =	vmul.f32 v46, v21  }
0x2ca: {  	v29 =	vor.u32 v29, v45;
	v45 =	vshll.u32 v54, $0x7;
	[tilespmem:v39+s20+$0x0] =	vst.idx.msk $0xffff, v42;
	v39 =	vmul.f32 v47, v22  }
0x2cb: {  	v42 =	vor.u32 $0x30, v26;
	[tilespmem:v36+s20+$0x0] =	vst.idx.msk $0xffff, v44;
	v36 =	vmul.f32 v48, v23  }
0x2cc: {  	v26 =	vand.u32 $0x3F, v42;
	v42 =	vshll.u32 v42, $0x7;
	[tilespmem:v33+s20+$0x0] =	vst.idx.msk $0xffff, v43;
	v33 =	vmul.f32 v49, v24  }
0x2cd: {  	[tilespmem:v25+s20+$0x0] =	vst.idx.msk $0xffff, v39  }
0x2ce: {  	[tilespmem:v31+s20+$0x0] =	vst.idx.msk $0xffff, v36  }
0x2cf: {  	[tilespmem:v30+s20+$0x0] =	vst.idx.msk $0xffff, v33  }
0x2d0: {  	v25 =	vld.idx.msk [tilespmem:v40+s14+$0x0], $0xffff  }
0x2d1: {  	v30 =	vld.idx.msk [tilespmem:v37+s14+$0x0], $0xffff  }
0x2d2: {  	v28 =	vor.u32 v9, v28;
	v33 =	vand.u32 $0x780, v27;
	v31 =	vld.idx.msk [tilespmem:v41+s14+$0x0], $0xffff  }
0x2d3: {  	v36 =	vor.u32 v0, v33;
	v34 =	vld.idx.msk [tilespmem:v34+s14+$0x0], $0xffff  }
0x2d4: {  	v37 =	vld.idx.msk [tilespmem:v38+s14+$0x0], $0xffff;
	v38 =	vor.u32 v10, v33  }
0x2d5: {  	v39 =	vor.u32 v11, v33;
	v35 =	vld.idx.msk [tilespmem:v35+s14+$0x0], $0xffff  }
0x2d6: {  	v41 =	vor.u32 v12, v33;
	v25 =	vmul.f32 v25, v17;
	v40 =	vld.idx.msk [tilespmem:v52+s14+$0x0], $0xffff  }
0x2d7: {  	v43 =	vor.u32 v13, v33;
	v30 =	vmul.f32 v30, v18;
	v28 =	vld.idx.msk [tilespmem:v28+s14+$0x0], $0xffff  }
0x2d8: {  	[tilespmem:v36+s20+$0x0] =	vst.idx.msk $0xffff, v25;
	v25 =	vmul.f32 v31, v19;
	v31 =	vor.u32 v14, v33  }
0x2d9: {  	[tilespmem:v38+s20+$0x0] =	vst.idx.msk $0xffff, v30;
	v30 =	vmul.f32 v34, v20;
	v34 =	vor.u32 v15, v33  }
0x2da: {  	v33 =	vor.u32 v16, v33;
	[tilespmem:v39+s20+$0x0] =	vst.idx.msk $0xffff, v25;
	v25 =	vmul.f32 v37, v21  }
0x2db: {  	[tilespmem:v41+s20+$0x0] =	vst.idx.msk $0xffff, v30;
	v30 =	vmul.f32 v35, v22;
	v35 =	vor.u32 v1, v53  }
0x2dc: {  	v36 =	vor.u32 v3, v53;
	[tilespmem:v43+s20+$0x0] =	vst.idx.msk $0xffff, v25;
	v25 =	vmul.f32 v40, v23  }
0x2dd: {  	v28 =	vmul.f32 v28, v24;
	[tilespmem:v31+s20+$0x0] =	vst.idx.msk $0xffff, v30;
	v30 =	vor.u32 v4, v53  }
0x2de: {  	[tilespmem:v34+s20+$0x0] =	vst.idx.msk $0xffff, v25;
	v25 =	vor.u32 v5, v53  }
0x2df: {  	[tilespmem:v33+s20+$0x0] =	vst.idx.msk $0xffff, v28;
	v28 =	vor.u32 v6, v53  }
0x2e0: {  	v34 =	vand.u32 $0x1400, v45;
	v33 =	vor.u32 v7, v53;
	v31 =	vld.idx.msk [tilespmem:v35+s14+$0x0], $0xffff  }
0x2e1: {  	v27 =	vand.u32 $0x380, v27;
	v37 =	vand.u32 $0x1C00, v42;
	v35 =	vld.idx.msk [tilespmem:v36+s14+$0x0], $0xffff;
	v36 =	vor.u32 v8, v53  }
0x2e2: {  	v32 =	vor.u32 v27, v32;
	v38 =	vor.u32 v9, v53;
	v37 =	vor.u32 v27, v37;
	v30 =	vld.idx.msk [tilespmem:v30+s14+$0x0], $0xffff  }
0x2e3: {  	v40 =	vor.u32 v0, v32;
	v27 =	vor.u32 v27, v34;
	v39 =	vld.idx.msk [tilespmem:v25+s14+$0x0], $0xffff;
	v25 =	vor.u32 v14, v37  }
0x2e4: {  	v34 =	vor.u32 v10, v32;
	v28 =	vld.idx.msk [tilespmem:v28+s14+$0x0], $0xffff  }
0x2e5: {  	v41 =	vor.u32 v11, v32;
	v33 =	vld.idx.msk [tilespmem:v33+s14+$0x0], $0xffff  }
0x2e6: {  	v42 =	vor.u32 v12, v32;
	v31 =	vmul.f32 v31, v17;
	v36 =	vld.idx.msk [tilespmem:v36+s14+$0x0], $0xffff  }
0x2e7: {  	v43 =	vor.u32 v13, v32;
	v35 =	vmul.f32 v35, v18;
	v38 =	vld.idx.msk [tilespmem:v38+s14+$0x0], $0xffff  }
0x2e8: {  	v30 =	vmul.f32 v30, v19;
	[tilespmem:v40+s20+$0x0] =	vst.idx.msk $0xffff, v31;
	v31 =	vor.u32 v14, v32  }
0x2e9: {  	[tilespmem:v34+s20+$0x0] =	vst.idx.msk $0xffff, v35;
	v34 =	vmul.f32 v39, v20;
	v35 =	vor.u32 v15, v32  }
0x2ea: {  	v28 =	vmul.f32 v28, v21;
	[tilespmem:v41+s20+$0x0] =	vst.idx.msk $0xffff, v30;
	v30 =	vor.u32 v16, v32  }
0x2eb: {  	v32 =	vmul.f32 v33, v22;
	v33 =	vor.u32 v1, v29;
	[tilespmem:v42+s20+$0x0] =	vst.idx.msk $0xffff, v34  }
0x2ec: {  	v34 =	vor.u32 v3, v29;
	[tilespmem:v43+s20+$0x0] =	vst.idx.msk $0xffff, v28;
	v28 =	vmul.f32 v36, v23  }
0x2ed: {  	[tilespmem:v31+s20+$0x0] =	vst.idx.msk $0xffff, v32;
	v31 =	vmul.f32 v38, v24;
	v32 =	vor.u32 v4, v29  }
0x2ee: {  	[tilespmem:v35+s20+$0x0] =	vst.idx.msk $0xffff, v28;
	v28 =	vor.u32 v5, v29  }
0x2ef: {  	[tilespmem:v30+s20+$0x0] =	vst.idx.msk $0xffff, v31;
	v30 =	vor.u32 v6, v29  }
0x2f0: {  	v31 =	vld.idx.msk [tilespmem:v33+s14+$0x0], $0xffff;
	v33 =	vor.u32 v7, v29  }
0x2f1: {  	v35 =	vor.u32 v8, v29;
	v34 =	vld.idx.msk [tilespmem:v34+s14+$0x0], $0xffff  }
0x2f2: {  	v29 =	vor.u32 v9, v29;
	v32 =	vld.idx.msk [tilespmem:v32+s14+$0x0], $0xffff  }
0x2f3: {  	v36 =	vor.u32 v0, v27;
	v28 =	vld.idx.msk [tilespmem:v28+s14+$0x0], $0xffff  }
0x2f4: {  	v38 =	vor.u32 v10, v27;
	v30 =	vld.idx.msk [tilespmem:v30+s14+$0x0], $0xffff  }
0x2f5: {  	v39 =	vor.u32 v11, v27;
	v33 =	vld.idx.msk [tilespmem:v33+s14+$0x0], $0xffff  }
0x2f6: {  	v40 =	vor.u32 v12, v27;
	v31 =	vmul.f32 v31, v17;
	v35 =	vld.idx.msk [tilespmem:v35+s14+$0x0], $0xffff  }
0x2f7: {  	v41 =	vor.u32 v13, v27;
	v42 =	vor.u32 v3, v26;
	v34 =	vmul.f32 v34, v18;
	v29 =	vld.idx.msk [tilespmem:v29+s14+$0x0], $0xffff  }
0x2f8: {  	[tilespmem:v36+s20+$0x0] =	vst.idx.msk $0xffff, v31;
	v31 =	vmul.f32 v32, v19;
	v32 =	vor.u32 v14, v27  }
0x2f9: {  	v28 =	vmul.f32 v28, v20;
	[tilespmem:v38+s20+$0x0] =	vst.idx.msk $0xffff, v34;
	v34 =	vor.u32 v15, v27  }
0x2fa: {  	v30 =	vmul.f32 v30, v21;
	v27 =	vor.u32 v16, v27;
	[tilespmem:v39+s20+$0x0] =	vst.idx.msk $0xffff, v31  }
0x2fb: {  	v31 =	vor.u32 v1, v26;
	[tilespmem:v40+s20+$0x0] =	vst.idx.msk $0xffff, v28;
	v28 =	vmul.f32 v33, v22  }
0x2fc: {  	[tilespmem:v41+s20+$0x0] =	vst.idx.msk $0xffff, v30;
	v30 =	vmul.f32 v35, v23  }
0x2fd: {  	[tilespmem:v32+s20+$0x0] =	vst.idx.msk $0xffff, v28;
	v28 =	vmul.f32 v29, v24;
	v29 =	vor.u32 v4, v26  }
0x2fe: {  	v32 =	vor.u32 v5, v26;
	[tilespmem:v34+s20+$0x0] =	vst.idx.msk $0xffff, v30  }
0x2ff: {  	v34 =	vor.u32 v6, v26;
	[tilespmem:v27+s20+$0x0] =	vst.idx.msk $0xffff, v28  }
0x300: {  	v49 =	vor.u32 v9, v26;
	v38 =	vor.u32 v7, v26;
	v35 =	vld.idx.msk [tilespmem:v42+s14+$0x0], $0xffff  }
0x301: {  	v48 =	vor.u32 v8, v26;
	v30 =	vor.u32 v16, v37;
	v51 =	vld.idx.msk [tilespmem:v31+s14+$0x0], $0xffff;
	v31 =	vor.u32 v15, v37  }
0x302: {  	v36 =	vor.u32 v12, v37;
	v39 =	vor.u32 v11, v37;
	v33 =	vor.u32 v13, v37;
	v42 =	vld.idx.msk [tilespmem:v29+s14+$0x0], $0xffff  }
.Ltmp3:
0x303: {  	v45 =	vor.u32 v0, v37;
	v43 =	vor.u32 v10, v37;
	v26 =	vadd.s32 s2, v0;
	v44 =	vld.idx.msk [tilespmem:v32+s14+$0x0], $0xffff;
	(pc) =	sbr.rel @p0 .LBB2_10-.Ltmp3, $4  }
0x304: {  	v28 =	vand.u32 $0xF, v26;
	v27 =	vshll.u32 v26, $0x7;
	v32 =	vor.u32 $0x10, v26;
	v46 =	vld.idx.msk [tilespmem:v34+s14+$0x0], $0xffff  }
0x305: {  	v40 =	vor.u32 v1, v28;
	v37 =	vor.u32 v3, v28;
	v29 =	vand.u32 $0x7, v26;
	v47 =	vld.idx.msk [tilespmem:v38+s14+$0x0], $0xffff  }
0x306: {  	v41 =	vor.u32 v4, v28;
	v34 =	vor.u32 v5, v28;
	v50 =	vmul.f32 v35, v18;
	v48 =	vld.idx.msk [tilespmem:v48+s14+$0x0], $0xffff  }
0x307: {  	v38 =	vor.u32 v6, v28;
	v35 =	vor.u32 v7, v28;
	v51 =	vmul.f32 v51, v17;
	v49 =	vld.idx.msk [tilespmem:v49+s14+$0x0], $0xffff  }
0x308: {  	_ =	sdelay $0x3  }
0x309: {  	v42 =	vmul.f32 v42, v19;
	[tilespmem:v45+s20+$0x0] =	vst.idx.msk $0xffff, v51  }
0x30a: {  	v44 =	vmul.f32 v44, v20;
	[tilespmem:v43+s20+$0x0] =	vst.idx.msk $0xffff, v50  }
0x30b: {  	v46 =	vmul.f32 v46, v21;
	[tilespmem:v39+s20+$0x0] =	vst.idx.msk $0xffff, v42  }
0x30c: {  	v47 =	vmul.f32 v47, v22;
	[tilespmem:v36+s20+$0x0] =	vst.idx.msk $0xffff, v44  }
0x30d: {  	v50 =	vmul.f32 v48, v23;
	[tilespmem:v33+s20+$0x0] =	vst.idx.msk $0xffff, v46  }
0x30e: {  	v51 =	vmul.f32 v49, v24;
	[tilespmem:v25+s20+$0x0] =	vst.idx.msk $0xffff, v47  }
0x30f: {  	[tilespmem:v31+s20+$0x0] =	vst.idx.msk $0xffff, v50  }
0x310: {  	[tilespmem:v30+s20+$0x0] =	vst.idx.msk $0xffff, v51  }
0x311: {  	v25 =	vld.idx.msk [tilespmem:v40+s14+$0x0], $0xffff  }
0x312: {  	v52 =	vor.u32 v8, v28;
	v54 =	vand.u32 $0x780, v27;
	v31 =	vld.idx.msk [tilespmem:v37+s14+$0x0], $0xffff  }
0x313: {  	v53 =	vor.u32 v9, v28;
	v55 =	vor.u32 v0, v54;
	v33 =	vld.idx.msk [tilespmem:v41+s14+$0x0], $0xffff  }
0x314: {  	v56 =	vor.u32 v10, v54;
	v34 =	vld.idx.msk [tilespmem:v34+s14+$0x0], $0xffff  }
0x315: {  	v57 =	vor.u32 v11, v54;
	v38 =	vld.idx.msk [tilespmem:v38+s14+$0x0], $0xffff  }
0x316: {  	v58 =	vor.u32 v12, v54;
	v35 =	vld.idx.msk [tilespmem:v35+s14+$0x0], $0xffff;
	v25 =	vmul.f32 v25, v17  }
0x317: {  	v59 =	vor.u32 v13, v54;
	v30 =	vld.idx.msk [tilespmem:v52+s14+$0x0], $0xffff;
	v31 =	vmul.f32 v31, v18  }
0x318: {  	v61 =	vor.u32 v14, v54;
	v36 =	vld.idx.msk [tilespmem:v53+s14+$0x0], $0xffff;
	v60 =	vmul.f32 v33, v19;
	[tilespmem:v55+s20+$0x0] =	vst.idx.msk $0xffff, v25  }
0x319: {  	v63 =	vor.u32 v15, v54;
	v62 =	vmul.f32 v34, v20;
	[tilespmem:v56+s20+$0x0] =	vst.idx.msk $0xffff, v31  }
0x31a: {  	v44 =	vand.u32 $0x1F, v32;
	v37 =	vor.u32 v16, v54;
	v45 =	vmul.f32 v38, v21;
	[tilespmem:v57+s20+$0x0] =	vst.idx.msk $0xffff, v60  }
0x31b: {  	v47 =	vor.u32 v1, v44;
	v46 =	vmul.f32 v35, v22;
	[tilespmem:v58+s20+$0x0] =	vst.idx.msk $0xffff, v62  }
0x31c: {  	v49 =	vor.u32 v3, v44;
	v48 =	vmul.f32 v30, v23;
	[tilespmem:v59+s20+$0x0] =	vst.idx.msk $0xffff, v45  }
0x31d: {  	v51 =	vor.u32 v4, v44;
	v50 =	vmul.f32 v36, v24;
	[tilespmem:v61+s20+$0x0] =	vst.idx.msk $0xffff, v46  }
0x31e: {  	v52 =	vor.u32 v5, v44;
	[tilespmem:v63+s20+$0x0] =	vst.idx.msk $0xffff, v48  }
0x31f: {  	v53 =	vor.u32 v6, v44;
	v54 =	vshll.u32 v32, $0x7;
	[tilespmem:v37+s20+$0x0] =	vst.idx.msk $0xffff, v50  }
0x320: {  	v27 =	vand.u32 $0x380, v27;
	v32 =	vand.u32 $0xC00, v54;
	v55 =	vor.u32 v7, v44;
	v34 =	vld.idx.msk [tilespmem:v47+s14+$0x0], $0xffff  }
0x321: {  	v32 =	vor.u32 v27, v32;
	v56 =	vor.u32 v8, v44;
	v30 =	vld.idx.msk [tilespmem:v49+s14+$0x0], $0xffff  }
0x322: {  	v57 =	vor.u32 v9, v44;
	v58 =	vor.u32 v0, v32;
	v33 =	vld.idx.msk [tilespmem:v51+s14+$0x0], $0xffff  }
0x323: {  	v59 =	vor.u32 v10, v32;
	v25 =	vld.idx.msk [tilespmem:v52+s14+$0x0], $0xffff  }
0x324: {  	v60 =	vor.u32 $0x20, v28;
	v61 =	vor.u32 v11, v32;
	v31 =	vld.idx.msk [tilespmem:v53+s14+$0x0], $0xffff  }
0x325: {  	v62 =	vand.u32 $0x28, v60;
	v63 =	vor.u32 v12, v32;
	v35 =	vld.idx.msk [tilespmem:v55+s14+$0x0], $0xffff;
	v34 =	vmul.f32 v34, v17  }
0x326: {  	v44 =	vor.u32 v13, v32;
	v29 =	vor.u32 v29, v62;
	v36 =	vld.idx.msk [tilespmem:v56+s14+$0x0], $0xffff;
	v30 =	vmul.f32 v30, v18  }
0x327: {  	v45 =	vor.u32 v14, v32;
	v37 =	vld.idx.msk [tilespmem:v57+s14+$0x0], $0xffff;
	v33 =	vmul.f32 v33, v19;
	[tilespmem:v58+s20+$0x0] =	vst.idx.msk $0xffff, v34  }
0x328: {  	v46 =	vor.u32 v15, v32;
	v25 =	vmul.f32 v25, v20;
	[tilespmem:v59+s20+$0x0] =	vst.idx.msk $0xffff, v30  }
0x329: {  	v32 =	vor.u32 v16, v32;
	v31 =	vmul.f32 v31, v21;
	[tilespmem:v61+s20+$0x0] =	vst.idx.msk $0xffff, v33  }
0x32a: {  	v48 =	vor.u32 v1, v29;
	v47 =	vmul.f32 v35, v22;
	[tilespmem:v63+s20+$0x0] =	vst.idx.msk $0xffff, v25  }
0x32b: {  	v50 =	vor.u32 v3, v29;
	v49 =	vmul.f32 v36, v23;
	[tilespmem:v44+s20+$0x0] =	vst.idx.msk $0xffff, v31  }
0x32c: {  	v52 =	vor.u32 v4, v29;
	v51 =	vmul.f32 v37, v24;
	[tilespmem:v45+s20+$0x0] =	vst.idx.msk $0xffff, v47  }
0x32d: {  	v53 =	vor.u32 v5, v29;
	[tilespmem:v46+s20+$0x0] =	vst.idx.msk $0xffff, v49  }
0x32e: {  	v28 =	vshll.u32 v60, $0x7;
	v54 =	vor.u32 v6, v29;
	[tilespmem:v32+s20+$0x0] =	vst.idx.msk $0xffff, v51  }
0x32f: {  	v28 =	vand.u32 $0x1400, v28;
	v55 =	vor.u32 v7, v29;
	v31 =	vld.idx.msk [tilespmem:v48+s14+$0x0], $0xffff  }
0x330: {  	v28 =	vor.u32 v27, v28;
	v57 =	vor.u32 v8, v29;
	v56 =	vld.idx.msk [tilespmem:v50+s14+$0x0], $0xffff  }
0x331: {  	v29 =	vor.u32 v9, v29;
	v58 =	vor.u32 v0, v28;
	v34 =	vld.idx.msk [tilespmem:v52+s14+$0x0], $0xffff  }
0x332: {  	v59 =	vor.u32 v10, v28;
	v30 =	vld.idx.msk [tilespmem:v53+s14+$0x0], $0xffff  }
0x333: {  	v60 =	vor.u32 v11, v28;
	v25 =	vld.idx.msk [tilespmem:v54+s14+$0x0], $0xffff  }
0x334: {  	v61 =	vor.u32 v12, v28;
	v32 =	vld.idx.msk [tilespmem:v55+s14+$0x0], $0xffff;
	v31 =	vmul.f32 v31, v17  }
0x335: {  	v62 =	vor.u32 v13, v28;
	v35 =	vld.idx.msk [tilespmem:v57+s14+$0x0], $0xffff;
	v33 =	vmul.f32 v56, v18  }
0x336: {  	v41 =	vor.u32 v14, v28;
	v29 =	vld.idx.msk [tilespmem:v29+s14+$0x0], $0xffff;
	v63 =	vmul.f32 v34, v19;
	[tilespmem:v58+s20+$0x0] =	vst.idx.msk $0xffff, v31  }
0x337: {  	v26 =	vor.u32 $0x30, v26;
	v42 =	vor.u32 v15, v28;
	v30 =	vmul.f32 v30, v20;
	[tilespmem:v59+s20+$0x0] =	vst.idx.msk $0xffff, v33  }
0x338: {  	v43 =	vand.u32 $0x3F, v26;
	v28 =	vor.u32 v16, v28;
	v25 =	vmul.f32 v25, v21;
	[tilespmem:v60+s20+$0x0] =	vst.idx.msk $0xffff, v63  }
0x339: {  	v46 =	vor.u32 v1, v43;
	v45 =	vmul.f32 v32, v22;
	[tilespmem:v61+s20+$0x0] =	vst.idx.msk $0xffff, v30  }
0x33a: {  	v44 =	vor.u32 v3, v43;
	v47 =	vmul.f32 v35, v23;
	[tilespmem:v62+s20+$0x0] =	vst.idx.msk $0xffff, v25  }
0x33b: {  	v48 =	vor.u32 v4, v43;
	v29 =	vmul.f32 v29, v24;
	[tilespmem:v41+s20+$0x0] =	vst.idx.msk $0xffff, v45  }
0x33c: {  	v49 =	vor.u32 v5, v43;
	[tilespmem:v42+s20+$0x0] =	vst.idx.msk $0xffff, v47  }
0x33d: {  	v26 =	vshll.u32 v26, $0x7;
	v50 =	vor.u32 v6, v43;
	[tilespmem:v28+s20+$0x0] =	vst.idx.msk $0xffff, v29  }
0x33e: {  	v26 =	vand.u32 $0x1C00, v26;
	v51 =	vor.u32 v7, v43;
	v32 =	vld.idx.msk [tilespmem:v46+s14+$0x0], $0xffff  }
0x33f: {  	v26 =	vor.u32 v27, v26;
	v52 =	vor.u32 v8, v43;
	v29 =	vld.idx.msk [tilespmem:v44+s14+$0x0], $0xffff  }
0x340: {  	v53 =	vor.u32 v9, v43;
	v54 =	vor.u32 v0, v26;
	v30 =	vld.idx.msk [tilespmem:v48+s14+$0x0], $0xffff  }
0x341: {  	v55 =	vor.u32 v10, v26;
	v25 =	vld.idx.msk [tilespmem:v49+s14+$0x0], $0xffff  }
0x342: {  	v56 =	vor.u32 v11, v26;
	v28 =	vld.idx.msk [tilespmem:v50+s14+$0x0], $0xffff  }
0x343: {  	v57 =	vor.u32 v12, v26;
	v31 =	vld.idx.msk [tilespmem:v51+s14+$0x0], $0xffff;
	v17 =	vmul.f32 v32, v17  }
0x344: {  	v58 =	vor.u32 v13, v26;
	v33 =	vld.idx.msk [tilespmem:v52+s14+$0x0], $0xffff;
	v18 =	vmul.f32 v29, v18  }
0x345: {  	v59 =	vor.u32 v14, v26;
	v27 =	vld.idx.msk [tilespmem:v53+s14+$0x0], $0xffff;
	v19 =	vmul.f32 v30, v19;
	[tilespmem:v54+s20+$0x0] =	vst.idx.msk $0xffff, v17  }
0x346: {  	v60 =	vmul.f32 v25, v20;
	v17 =	vor.u32 v15, v26;
	[tilespmem:v55+s20+$0x0] =	vst.idx.msk $0xffff, v18  }
0x347: {  	s29 =	sadd.s32 $0x1, s29;
	v61 =	vmul.f32 v28, v21;
	v18 =	vor.u32 v16, v26;
	[tilespmem:v56+s20+$0x0] =	vst.idx.msk $0xffff, v19  }
0x348: {  	p0 =	sne.s32 s29, $0x32;
	v19 =	vmul.f32 v31, v22;
	[tilespmem:v57+s20+$0x0] =	vst.idx.msk $0xffff, v60  }
.Ltmp4:
0x349: {  	s0 =	sshll.u32 s30, $0x14;
	v62 =	vmul.f32 v33, v23;
	[tilespmem:v58+s20+$0x0] =	vst.idx.msk $0xffff, v61;
	(pc) =	sbr.rel @p0 .LBB2_3-.Ltmp4, $4  }
0x34a: {  	s0 =	sadd.s32 s28, s0;
	v63 =	vmul.f32 v27, v24;
	[tilespmem:v59+s20+$0x0] =	vst.idx.msk $0xffff, v19  }
0x34b: {  	s0 =	sshrl.u32 s0, $0x3;
	[tilespmem:v17+s20+$0x0] =	vst.idx.msk $0xffff, v62  }
0x34c: {  	s0 =	sadd.s32 s1, s0;
	[tilespmem:v18+s20+$0x0] =	vst.idx.msk $0xffff, v63  }
0x34d: {  	[hbm4b:s0+s17] =	stream.strided.scatter [tilespmem:s20], [sflag:$0x6], $0x2000, s18, s17, $0x38;
	[tilespmem:$0x12400] =	vst v63  }
0x34e: {  	s25 =	sadd.s32 $0x1, s25  }
0x34f: {  	_ =	swait.ge [sflag:s21], $0x2000;
	p0 =	sne.s32 s25, $0x4  }
.Ltmp5:
0x350: {  	[sflag:s21] =	ssyncset.done $0x0;
	(pc) =	sbr.rel @p0 .LBB2_2-.Ltmp5, $4  }
0x351: {  	[sflag:s21] =	ssyncadd.s32 $0xFFFFE000  }
0x352: {  	_ =	swait.ge [sflag:s23], $0x2000  }
0x353: {  	[sflag:s23] =	ssyncset.done $0x0  }
0x354: {  	[sflag:s23] =	ssyncadd.s32 $0xFFFFE000  }
0x355: {  	s12 =	rddreg [dreg:$0x3]  }
0x356: {  	s0 =	rddreg [dreg:$0x4];
	s12 =	sadd.s32 $0x1, s12  }
0x357: {  	p0 =	sne.s32 s12, s0  }
.Ltmp6:
0x358: {  	_ = 	snop;
	(pc) =	sbr.rel @p0 .LBB2_1-.Ltmp6, $1  }
0x359: {  	_ =	sdelay $0x3  }
0x35a: {  	_ =	sfence.sel $0x180000  }
0x35b: {  	[bflag:$0x0] =	sbarrier.arrive $0xFFFF  }
0x35c: {  	_ =	strace $0x90000047  }
0x35d: {  	s0 =	stileid.u32;
	[bflag:$0x2] =	sbarrier.arrive $0xFFFF  }
0x35e: {  	p0 =	sne.s32 s0, $0x0;
	s0 =	rddreg [dreg:$0x2]  }
0x35f: {  	s0 =	sadd.s32 @!p0 $0x100000, s0  }
0x360: {  	[sflag:s0] =	ssyncadd.tile.s32 @!p0 $0x1;
	_ =	shalt  }
.Lfunc_end2:
_tile_overlayer_lowered:
.L_overlay_start_2:
0x361: {  	(tag) =	ssettag $0x2  }
0x362: {  	s0 =	rddreg [dreg:$0x0];
	s2 =	stileid.u32  }
0x363: {  	s1 =	rddreg [dreg:$0x1];
	p0 =	sne.s32 s2, $0x0  }
0x364: {  	s3 =	rddreg [dreg:$0x2];
	[bflag:$0x3] =	sbarrier.arrive $0xFFFF;
	s2 =	simm.s32 @!p0 $0x1C07  }
0x365: {  	[timem:s3], [sflag:s2] =	dma.local @!p0 [hbm:s0], s1  }
0x366: {  	s0 =	simm.s32 @!p0 $0x7  }
0x367: {  	_ =	swait.ge @!p0 [sflag:s0], s1  }
0x368: {  	s1 =	ssub.s32 @!p0 $0x0, s1;
	[sflag:s0] =	ssyncset.done @!p0 $0x0  }
0x369: {  	[sflag:s0] =	ssyncadd.s32 @!p0 s1  }
0x36a: {  	[bflag:$0x3] =	sbarrier.arrive $0xFFFF  }
0x36b: {  	_ =	shalt  }

</sc_bundles>
